<compile_context>
chip_gen: v7x
topology: tpu7x:2x2x1
jax: 0.10.2.dev20260603
libtpu: 0.0.44.dev20260713+nightly
codegen_flags: <defaults>
</compile_context>

<pallas_src>
import functools

import jax
import jax.numpy as jnp
from jax import lax
from jax.experimental import pallas as pl
from jax.experimental.pallas import tpu as pltpu
from jax.experimental.pallas import tpu_sc as plsc

N = 10000
E = 320000
D = 128
H = 128
TOPO = 32
C = 10
G = 64

NC = 2
NS = 16
NW = NC * NS
NPAD = 10240
NACC = 10112
ROWS_PER_SUB = NACC // NS
CHUNK = 128
EPT = 10240
EPAD = EPT * NW
NCHUNK = EPT // CHUNK
NTAB = NACC

FAST_CORE = 0
NCHF = EPAD // (NS * CHUNK)


def _sc_mesh():
    return plsc.VectorSubcoreMesh(
        core_axis_name="c", subcore_axis_name="s", num_cores=NC, num_subcores=NS
    )


EPC = NS * EPT
DCH = 2048
NDCH = EPC // DCH
SLC = NPAD // NS


@functools.partial(
    pl.kernel,
    out_type=jax.ShapeDtypeStruct((NC, NPAD, 16), jnp.float32),
    mesh=_sc_mesh(),
    scratch_types=[
        pltpu.VMEM((2, DCH), jnp.int32),
        pltpu.VMEM((SLC, 16), jnp.float32),
        pltpu.SemaphoreType.DMA((2,)),
    ],
    compiler_params=pltpu.CompilerParams(needs_layout_passes=False),
)
def _sc_degree(dst_hbm, out_hbm, dbuf, hist, isem):
    cid = lax.axis_index("c")
    sid = lax.axis_index("s")
    lo = sid * SLC

    zeros16 = jnp.zeros((16,), jnp.float32)

    def zbody(v, carry):
        hist[v, :] = zeros16
        return carry

    lax.fori_loop(0, SLC, zbody, 0)

    lane = lax.iota(jnp.int32, 16)

    def dload(i, b):
        pltpu.async_copy(dst_hbm.at[cid, pl.ds(i * DCH, DCH)], dbuf.at[b],
                         isem.at[b])

    def dload_wait(i, b):
        pltpu.make_async_copy(dst_hbm.at[cid, pl.ds(i * DCH, DCH)], dbuf.at[b],
                              isem.at[b]).wait()

    dload(0, 0)

    def inner(b):
        def gbody(g, carry):
            idx16 = dbuf[b, pl.ds(g * 16, 16)]
            rl = idx16 - lo
            m = (rl >= 0) & (rl < SLC)
            rls = jnp.where(m, rl, 0)
            cur = plsc.load_gather(hist, [rls, lane], mask=m)
            plsc.store_scatter(hist, [rls, lane], cur + 1.0, mask=m)
            return carry

        lax.fori_loop(0, DCH // 16, gbody, 0)

    def body(gr, carry):
        for b in range(2):
            i = gr * 2 + b

            @pl.when(i + 1 < NDCH)
            def _():
                dload(i + 1, 1 - b)

            dload_wait(i, b)
            inner(b)
        return carry

    lax.fori_loop(0, NDCH // 2, body, 0)

    pltpu.sync_copy(hist, out_hbm.at[cid, pl.ds(lo, SLC)])


PHCH = NCHF // 2


@functools.partial(
    pl.kernel,
    out_type=jax.ShapeDtypeStruct((NACC, H), jnp.float32),
    mesh=_sc_mesh(),
    scratch_types=[
        pltpu.VMEM((2, CHUNK), jnp.int32),
        pltpu.VMEM((PHCH, CHUNK), jnp.int32),
        pltpu.VMEM((2, CHUNK, H), jnp.float32),
        pltpu.SemaphoreType.DMA((2,)),
        pltpu.SemaphoreType.DMA((2,)),
        pltpu.SemaphoreType.DMA((2,)),
        pltpu.VMEM_SHARED((NACC, H), jnp.float32),
    ],
)
def _sc_spmm(table_hbm, src_hbm, dst_hbm, zrow_hbm, out_hbm,
             si_v, dst_all, rows_v, isem, gsem, ssem, acc_sh):
    cid = lax.axis_index("c")
    sid = lax.axis_index("s")

    @pl.when(cid == FAST_CORE)
    def _run():
        pltpu.sync_copy(zrow_hbm,
                        acc_sh.at[pl.ds(sid * ROWS_PER_SUB, ROWS_PER_SUB)])
        plsc.subcore_barrier()

        def siload(c, b):
            pltpu.async_copy(src_hbm.at[sid, c], si_v.at[b], isem.at[b])

        def si_wait(c, b):
            pltpu.make_async_copy(src_hbm.at[sid, c], si_v.at[b],
                                  isem.at[b]).wait()

        def gather(b):
            pltpu.async_copy(table_hbm.at[si_v.at[b]], rows_v.at[b], gsem.at[b])

        def gather_wait(b):
            pltpu.make_async_copy(
                table_hbm.at[si_v.at[b]], rows_v.at[b], gsem.at[b]
            ).wait()

        def scatter(l, b):
            pltpu.async_copy(rows_v.at[b], acc_sh.at[dst_all.at[l]], ssem.at[b],
                             add=True)

        def scatter_wait(l, b):
            pltpu.make_async_copy(
                rows_v.at[b], acc_sh.at[dst_all.at[l]], ssem.at[b]
            ).wait()

        for phase in range(2):
            cb = phase * PHCH
            pltpu.sync_copy(dst_hbm.at[sid, pl.ds(cb, PHCH)], dst_all)

            siload(cb, 0)
            siload(cb + 1, 1)
            si_wait(cb, 0)
            gather(0)

            def body(g, carry):
                for b in range(2):
                    l = g * 2 + b
                    nb = 1 - b

                    @pl.when(l >= 1)
                    def _():
                        scatter_wait(l - 1, nb)

                    @pl.when(l + 1 < PHCH)
                    def _():
                        si_wait(cb + l + 1, nb)
                        gather(nb)

                    gather_wait(b)
                    scatter(l, b)

                    @pl.when(l + 2 < PHCH)
                    def _():
                        siload(cb + l + 2, b)
                return carry

            lax.fori_loop(0, PHCH // 2, body, 0)
            scatter_wait(PHCH - 1, 1)

        plsc.subcore_barrier()

        pltpu.sync_copy(
            acc_sh.at[pl.ds(sid * ROWS_PER_SUB, ROWS_PER_SUB)],
            out_hbm.at[pl.ds(sid * ROWS_PER_SUB, ROWS_PER_SUB)],
        )


def _tc_prescale_body(x_ref, w_ref, degp_ref, s_ref, d2_ref, dinv_ref):
    deg = jnp.sum(degp_ref[0, 0:N, :] + degp_ref[1, 0:N, :], axis=1,
                  keepdims=True) + 1.0
    dinv = lax.rsqrt(deg)
    xw = jnp.dot(x_ref[...], w_ref[...], preferred_element_type=jnp.float32)
    s = dinv * xw
    s_ref[...] = s
    d2_ref[...] = dinv * s
    dinv_ref[...] = dinv


_tc_prescale = pl.pallas_call(
    _tc_prescale_body,
    out_shape=[
        jax.ShapeDtypeStruct((N, H), jnp.float32),
        jax.ShapeDtypeStruct((N, H), jnp.float32),
        jax.ShapeDtypeStruct((N, 1), jnp.float32),
    ],
)


def _tc_mid_body(p_ref, d2_ref, dinv_ref, b1_ref, w2_ref, s_ref, d2o_ref):
    agg = p_ref[0:N, :]
    dinv = dinv_ref[...]
    h1 = jnp.maximum(dinv * agg + d2_ref[...] + b1_ref[...], 0.0)
    xw = jnp.dot(h1, w2_ref[...], preferred_element_type=jnp.float32)
    s = dinv * xw
    s_ref[...] = s
    d2o_ref[...] = dinv * s


_tc_mid = pl.pallas_call(
    _tc_mid_body,
    out_shape=[
        jax.ShapeDtypeStruct((N, H), jnp.float32),
        jax.ShapeDtypeStruct((N, H), jnp.float32),
    ],
)


def _tc_head_body(q_ref, d2_ref, dinv_ref, b2_ref, batch_ref, topo_ref,
                  wl_ref, bl_ref, out_ref):
    agg = q_ref[0:N, :]
    h2 = jnp.maximum(dinv_ref[...] * agg + d2_ref[...] + b2_ref[...], 0.0)
    gid = lax.broadcasted_iota(jnp.int32, (N, G), 1)
    onehot = jnp.where(gid == batch_ref[...], 1.0, 0.0)
    ssum = lax.dot_general(
        onehot, h2, (((0,), (0,)), ((), ())), preferred_element_type=jnp.float32
    )
    cnt = lax.dot_general(
        onehot, jnp.ones((N, 1), jnp.float32), (((0,), (0,)), ((), ())),
        preferred_element_type=jnp.float32,
    )
    g = jnp.where(cnt > 0.0, ssum / jnp.maximum(cnt, 1.0), 0.0)
    gt = jnp.concatenate([g, topo_ref[...]], axis=1)
    out_ref[...] = (
        jnp.dot(gt, wl_ref[...], preferred_element_type=jnp.float32) + bl_ref[...]
    )


_tc_head = pl.pallas_call(
    _tc_head_body,
    out_shape=jax.ShapeDtypeStruct((G, C), jnp.float32),
)


def kernel(x, edge_index, batch, topo, W1, b1, W2, b2, Wl, bl):
    src = edge_index[0]
    dst = edge_index[1]
    pad = EPAD - E
    iota_pad = jnp.arange(pad, dtype=jnp.int32)
    src_p = jnp.concatenate([src, jnp.zeros((pad,), jnp.int32)])
    dst_msg = jnp.concatenate([dst, N + iota_pad % (NACC - N)])
    dst_deg = jnp.concatenate([dst, N + iota_pad % (NPAD - N)])
    dst2d = dst_deg.reshape(NC, NS * EPT)

    src3 = src_p.reshape(NS, NCHF, CHUNK)
    dst3m = dst_msg.reshape(NS, NCHF, CHUNK)

    zrow = jnp.zeros((ROWS_PER_SUB, H), jnp.float32)

    degp = _sc_degree(dst2d)
    s1, d2xw1, dinv = _tc_prescale(x, W1, degp)
    p = _sc_spmm(s1, src3, dst3m, zrow)
    s2, d2xw2 = _tc_mid(p, d2xw1, dinv, b1.reshape(1, H), W2)
    q = _sc_spmm(s2, src3, dst3m, zrow)
    out = _tc_head(
        q, d2xw2, dinv, b2.reshape(1, H), batch.reshape(N, 1), topo,
        Wl, bl.reshape(1, C),
    )
    return out

# --- scband reference (transcript-rebuilt; emitter-appended) ---
"""Pipeline reference for scband-stability-gnn-51857435132133 (READ-ONLY COPY).

The authoritative reference and input builder live on the scoring server;
editing this copy changes nothing except your own understanding.
"""

import jax, jax.numpy as jnp
import numpy as np

N = 10000
E = 320000
D = 128
H = 128
TOPO = 32
C = 10
G = 64


def setup_inputs(seed: int = 0) -> dict:
    key = jax.random.key(seed)
    ks = jax.random.split(key, 10)
    x = jax.random.normal(ks[0], (N, D), dtype=jnp.float32)
    edge_index = jax.random.randint(ks[1], (2, E), 0, N, dtype=jnp.int32)
    batch = jnp.sort(jax.random.randint(ks[2], (N,), 0, G, dtype=jnp.int32))
    topo = jax.random.normal(ks[3], (G, TOPO), dtype=jnp.float32)
    W1 = jax.random.normal(ks[4], (D, H), dtype=jnp.float32) * (1.0 / np.sqrt(D))
    b1 = jnp.zeros((H,), dtype=jnp.float32)
    W2 = jax.random.normal(ks[5], (H, H), dtype=jnp.float32) * (1.0 / np.sqrt(H))
    b2 = jnp.zeros((H,), dtype=jnp.float32)
    Wl = jax.random.normal(ks[6], (H + TOPO, C), dtype=jnp.float32) * (1.0 / np.sqrt(H + TOPO))
    bl = jnp.zeros((C,), dtype=jnp.float32)
    return {"x": x, "edge_index": edge_index, "batch": batch, "topo": topo,
            "W1": W1, "b1": b1, "W2": W2, "b2": b2, "Wl": Wl, "bl": bl}


def _gcn_conv(x, edge_index, W, b):
    # GCNConv with self-loops and symmetric normalization (PyG default)
    self_idx = jnp.arange(N, dtype=edge_index.dtype)
    src = jnp.concatenate([edge_index[0], self_idx])
    dst = jnp.concatenate([edge_index[1], self_idx])
    xw = x @ W
    deg = jnp.zeros((N,), dtype=x.dtype).at[dst].add(1.0)
    dinv = jax.lax.rsqrt(deg)  # deg >= 1 due to self-loops
    norm = dinv[src] * dinv[dst]
    msg = xw[src] * norm[:, None]
    out = jnp.zeros_like(xw).at[dst].add(msg)
    return out + b


def reference(x, edge_index, batch, topo, W1, b1, W2, b2, Wl, bl):
    h = jax.nn.relu(_gcn_conv(x, edge_index, W1, b1))
    # F.dropout(p=0.5, training=self.training) is identity in eval mode
    h = jax.nn.relu(_gcn_conv(h, edge_index, W2, b2))
    ssum = jax.ops.segment_sum(h, batch, num_segments=G)
    cnt = jax.ops.segment_sum(jnp.ones((N, 1), dtype=h.dtype), batch, num_segments=G)
    g = jnp.where(cnt > 0, ssum / jnp.maximum(cnt, 1.0), 0.0)
    # topo has shape (G, TOPO) == (g.shape[0], TOPO): concat directly
    gtopo = jnp.concatenate([g, topo], axis=1)
    return gtopo @ Wl + bl

if __name__ == "__main__":
    import jax
    _d = setup_inputs()
    print(jax.jit(kernel)(*tuple(_d.values())))

</pallas_src>

<mosaic_0001>
#map = affine_map<(d0, d1) -> (0, 0)>
#map1 = affine_map<(d0, d1) -> (0, 0, 0)>
module attributes {stable_mosaic.version = 14 : i64} {
  func.func @_sc_degree(%arg0: i32, %arg1: i32, %arg2: memref<2x163840xi32, #tpu.memory_space<hbm>>, %arg3: memref<2x10240x16xf32, #tpu.memory_space<hbm>>, %arg4: memref<2x2048xi32, #tpu.memory_space<vmem>>, %arg5: memref<640x16xf32, #tpu.memory_space<vmem>>, %arg6: memref<2x!tpu.dma_semaphore, #tpu.memory_space<semaphore_mem>>) attributes {dimension_semantics = [#tpu.dimension_semantics<core_parallel>, #tpu.dimension_semantics<subcore_parallel>], iteration_bounds = array<i64: 2, 16>, scalar_prefetch = 0 : i64, scratch_operands = 3 : i64, tpu.core_type = #tpu.core_type<sc_vector_subcore>, window_params = [{transform_indices = #map}, {transform_indices = #map1}]} {
    %mul3A = arith.constant 640 : i32
    %mul3A_0 = arith.muli %arg1, %mul3A : i32
    %broadcast_in_dim3A = arith.constant 0.000000e+00 : f32
    %broadcast_in_dim3A_1 = vector.broadcast %broadcast_in_dim3A : f32 to vector<16xf32>
    %scan3A = arith.constant 0 : i32
    %scan3A_2 = arith.constant 0 : i32
    %scan3A_3 = arith.constant 640 : i32
    %scan3A_4 = arith.addi %scan3A_2, %scan3A_3 : i32
    %scan3A_5 = arith.constant 1 : i32
    scf.for %scan3A_28 = %scan3A_2 to %scan3A_4 step %scan3A_5  : i32 {
      %swap3A = arith.index_cast %scan3A_28 : i32 to index
      %swap3A_29 = arith.constant 0 : index
      %swap3A_30 = tpu.vector_load %arg5[%swap3A, %swap3A_29] {strides = array<i32>} : memref<640x16xf32, #tpu.memory_space<vmem>>, vector<16xf32>,
      tpu.vector_store %arg5[%swap3A, %swap3A_29], %broadcast_in_dim3A_1 {strides = array<i32>} : memref<640x16xf32, #tpu.memory_space<vmem>>, vector<16xf32>,
    }
    %scan3A_6 = arith.constant 640 : i32
    %iota3A = tpu.iota {dimensions = array<i32: 0>} : vector<16xi32>
    %dma_start3A = arith.constant 0 : i32
    %dma_start3A_7 = arith.constant 0 : i32
    %dma_start3A_8 = arith.constant 0 : i32
    %dma_start3A_9 = tpu.memref_slice %arg4[%dma_start3A, %dma_start3A_8] : memref<2x2048xi32, #tpu.memory_space<vmem>> -> memref<1x2048xi32, #tpu.memory_space<vmem>>
    %dma_start3A_10 = tpu.memref_squeeze %dma_start3A_9 : memref<1x2048xi32, #tpu.memory_space<vmem>> -> memref<2048xi32, #tpu.memory_space<vmem>>
    %dma_start3A_11 = arith.constant 0 : i32
    %dma_start3A_12 = tpu.memref_slice %arg2[%arg0, %dma_start3A_11] : memref<2x163840xi32, #tpu.memory_space<hbm>> -> memref<1x2048xi32, #tpu.memory_space<hbm>>
    %dma_start3A_13 = tpu.memref_squeeze %dma_start3A_12 : memref<1x2048xi32, #tpu.memory_space<hbm>> -> memref<2048xi32, #tpu.memory_space<hbm>>
    %dma_start3A_14 = tpu.memref_slice %arg6[%dma_start3A_7] : memref<2x!tpu.dma_semaphore, #tpu.memory_space<semaphore_mem>> -> memref<1x!tpu.dma_semaphore, #tpu.memory_space<semaphore_mem>>
    %dma_start3A_15 = tpu.memref_squeeze %dma_start3A_14 : memref<1x!tpu.dma_semaphore, #tpu.memory_space<semaphore_mem>> -> memref<!tpu.dma_semaphore, #tpu.memory_space<semaphore_mem>>
    %dma_start3A_16 = arith.constant 0 : i32
    %dma_start3A_17 = tpu.memref_slice %arg4[%dma_start3A, %dma_start3A_16] : memref<2x2048xi32, #tpu.memory_space<vmem>> -> memref<1x2048xi32, #tpu.memory_space<vmem>>
    %dma_start3A_18 = tpu.memref_squeeze %dma_start3A_17 : memref<1x2048xi32, #tpu.memory_space<vmem>> -> memref<2048xi32, #tpu.memory_space<vmem>>
    %dma_start3A_19 = arith.constant 0 : i32
    %dma_start3A_20 = tpu.memref_slice %arg2[%arg0, %dma_start3A_19] : memref<2x163840xi32, #tpu.memory_space<hbm>> -> memref<1x2048xi32, #tpu.memory_space<hbm>>
    %dma_start3A_21 = tpu.memref_squeeze %dma_start3A_20 : memref<1x2048xi32, #tpu.memory_space<hbm>> -> memref<2048xi32, #tpu.memory_space<hbm>>
    tpu.enqueue_dma source(%dma_start3A_21 : memref<2048xi32, #tpu.memory_space<hbm>>) target(%dma_start3A_18 : memref<2048xi32, #tpu.memory_space<vmem>>) target_semaphore(%dma_start3A_15 : memref<!tpu.dma_semaphore, #tpu.memory_space<semaphore_mem>>)
    %scan3A_22 = arith.constant 0 : i32
    %scan3A_23 = arith.constant 0 : i32
    %scan3A_24 = arith.constant 40 : i32
    %scan3A_25 = arith.addi %scan3A_23, %scan3A_24 : i32
    %scan3A_26 = arith.constant 1 : i32
    scf.for %scan3A_28 = %scan3A_23 to %scan3A_25 step %scan3A_26  : i32 {
      %mul3A_29 = arith.constant 2 : i32
      %mul3A_30 = arith.muli %scan3A_28, %mul3A_29 : i32
      %add3A = arith.constant 0 : i32
      %add3A_31 = arith.addi %mul3A_30, %add3A : i32
      %add3A_32 = arith.constant 1 : i32
      %add3A_33 = arith.addi %add3A_31, %add3A_32 : i32
      %lt3A = arith.constant 80 : i32
      %lt3A_34 = arith.cmpi slt, %add3A_33, %lt3A : i32
      %convert_element_type3A = arith.extui %lt3A_34 : i1 to i32
      %cond3A = arith.constant 0 : i32
      %cond3A_35 = arith.cmpi ne, %convert_element_type3A, %cond3A : i32
      scf.if %cond3A_35 {
        %add3A_90 = arith.constant 1 : i32
        %add3A_91 = arith.addi %add3A_31, %add3A_90 : i32
        %mul3A_92 = arith.constant 2048 : i32
        %mul3A_93 = arith.muli %add3A_91, %mul3A_92 : i32
        %dma_start3A_94 = arith.constant 1 : i32
        %dma_start3A_95 = arith.constant 1 : i32
        %dma_start3A_96 = arith.constant 0 : i32
        %dma_start3A_97 = tpu.memref_slice %arg4[%dma_start3A_94, %dma_start3A_96] : memref<2x2048xi32, #tpu.memory_space<vmem>> -> memref<1x2048xi32, #tpu.memory_space<vmem>>
        %dma_start3A_98 = tpu.memref_squeeze %dma_start3A_97 : memref<1x2048xi32, #tpu.memory_space<vmem>> -> memref<2048xi32, #tpu.memory_space<vmem>>
        %dma_start3A_99 = tpu.memref_slice %arg2[%arg0, %mul3A_93] : memref<2x163840xi32, #tpu.memory_space<hbm>> -> memref<1x2048xi32, #tpu.memory_space<hbm>>
        %dma_start3A_100 = tpu.memref_squeeze %dma_start3A_99 : memref<1x2048xi32, #tpu.memory_space<hbm>> -> memref<2048xi32, #tpu.memory_space<hbm>>
        %dma_start3A_101 = tpu.memref_slice %arg6[%dma_start3A_95] : memref<2x!tpu.dma_semaphore, #tpu.memory_space<semaphore_mem>> -> memref<1x!tpu.dma_semaphore, #tpu.memory_space<semaphore_mem>>
        %dma_start3A_102 = tpu.memref_squeeze %dma_start3A_101 : memref<1x!tpu.dma_semaphore, #tpu.memory_space<semaphore_mem>> -> memref<!tpu.dma_semaphore, #tpu.memory_space<semaphore_mem>>
        %dma_start3A_103 = arith.constant 0 : i32
        %dma_start3A_104 = tpu.memref_slice %arg4[%dma_start3A_94, %dma_start3A_103] : memref<2x2048xi32, #tpu.memory_space<vmem>> -> memref<1x2048xi32, #tpu.memory_space<vmem>>
        %dma_start3A_105 = tpu.memref_squeeze %dma_start3A_104 : memref<1x2048xi32, #tpu.memory_space<vmem>> -> memref<2048xi32, #tpu.memory_space<vmem>>
        %dma_start3A_106 = tpu.memref_slice %arg2[%arg0, %mul3A_93] : memref<2x163840xi32, #tpu.memory_space<hbm>> -> memref<1x2048xi32, #tpu.memory_space<hbm>>
        %dma_start3A_107 = tpu.memref_squeeze %dma_start3A_106 : memref<1x2048xi32, #tpu.memory_space<hbm>> -> memref<2048xi32, #tpu.memory_space<hbm>>
        tpu.enqueue_dma source(%dma_start3A_107 : memref<2048xi32, #tpu.memory_space<hbm>>) target(%dma_start3A_105 : memref<2048xi32, #tpu.memory_space<vmem>>) target_semaphore(%dma_start3A_102 : memref<!tpu.dma_semaphore, #tpu.memory_space<semaphore_mem>>)
      } else {
      }
      %mul3A_36 = arith.constant 2048 : i32
      %mul3A_37 = arith.muli %add3A_31, %mul3A_36 : i32
      %dma_wait3A = arith.constant 0 : i32
      %dma_wait3A_38 = arith.constant 0 : i32
      %dma_wait3A_39 = arith.constant 0 : i32
      %dma_wait3A_40 = tpu.memref_slice %arg4[%dma_wait3A, %dma_wait3A_39] : memref<2x2048xi32, #tpu.memory_space<vmem>> -> memref<1x2048xi32, #tpu.memory_space<vmem>>
      %dma_wait3A_41 = tpu.memref_squeeze %dma_wait3A_40 : memref<1x2048xi32, #tpu.memory_space<vmem>> -> memref<2048xi32, #tpu.memory_space<vmem>>
      %dma_wait3A_42 = tpu.memref_slice %arg2[%arg0, %mul3A_37] : memref<2x163840xi32, #tpu.memory_space<hbm>> -> memref<1x2048xi32, #tpu.memory_space<hbm>>
      %dma_wait3A_43 = tpu.memref_squeeze %dma_wait3A_42 : memref<1x2048xi32, #tpu.memory_space<hbm>> -> memref<2048xi32, #tpu.memory_space<hbm>>
      %dma_wait3A_44 = tpu.memref_slice %arg6[%dma_wait3A_38] : memref<2x!tpu.dma_semaphore, #tpu.memory_space<semaphore_mem>> -> memref<1x!tpu.dma_semaphore, #tpu.memory_space<semaphore_mem>>
      %dma_wait3A_45 = tpu.memref_squeeze %dma_wait3A_44 : memref<1x!tpu.dma_semaphore, #tpu.memory_space<semaphore_mem>> -> memref<!tpu.dma_semaphore, #tpu.memory_space<semaphore_mem>>
      %dma_wait3A_46 = arith.constant 0 : i32
      %dma_wait3A_47 = tpu.memref_slice %arg4[%dma_wait3A, %dma_wait3A_46] : memref<2x2048xi32, #tpu.memory_space<vmem>> -> memref<1x2048xi32, #tpu.memory_space<vmem>>
      %dma_wait3A_48 = tpu.memref_squeeze %dma_wait3A_47 : memref<1x2048xi32, #tpu.memory_space<vmem>> -> memref<2048xi32, #tpu.memory_space<vmem>>
      %dma_wait3A_49 = tpu.memref_slice %arg2[%arg0, %mul3A_37] : memref<2x163840xi32, #tpu.memory_space<hbm>> -> memref<1x2048xi32, #tpu.memory_space<hbm>>
      %dma_wait3A_50 = tpu.memref_squeeze %dma_wait3A_49 : memref<1x2048xi32, #tpu.memory_space<hbm>> -> memref<2048xi32, #tpu.memory_space<hbm>>
      tpu.wait_dma2 semaphore(%dma_wait3A_45 : memref<!tpu.dma_semaphore, #tpu.memory_space<semaphore_mem>>) src(%dma_wait3A_50 : memref<2048xi32, #tpu.memory_space<hbm>>) dst(%dma_wait3A_48 : memref<2048xi32, #tpu.memory_space<vmem>>)
      %scan3A_51 = arith.constant 0 : i32
      %scan3A_52 = arith.constant 0 : i32
      %scan3A_53 = arith.constant 128 : i32
      %scan3A_54 = arith.addi %scan3A_52, %scan3A_53 : i32
      %scan3A_55 = arith.constant 1 : i32
      scf.for %scan3A_90 = %scan3A_52 to %scan3A_54 step %scan3A_55  : i32 {
        %mul3A_91 = arith.constant 16 : i32
        %mul3A_92 = arith.muli %scan3A_90, %mul3A_91 : i32
        %get3A = arith.constant 0 : i32
        %get3A_93 = arith.index_cast %get3A : i32 to index
        %get3A_94 = arith.index_cast %mul3A_92 : i32 to index
        %get3A_95 = tpu.vector_load %arg4[%get3A_93, %get3A_94] {strides = array<i32>} : memref<2x2048xi32, #tpu.memory_space<vmem>>, vector<16xi32>,
        %sub3A = vector.broadcast %mul3A_0 : i32 to vector<16xi32>
        %sub3A_96 = arith.subi %get3A_95, %sub3A : vector<16xi32>
        %ge3A = arith.constant 0 : i32
        %ge3A_97 = vector.broadcast %ge3A : i32 to vector<16xi32>
        %ge3A_98 = arith.cmpi sge, %sub3A_96, %ge3A_97 : vector<16xi32>
        %lt3A_99 = arith.constant 640 : i32
        %lt3A_100 = vector.broadcast %lt3A_99 : i32 to vector<16xi32>
        %lt3A_101 = arith.cmpi slt, %sub3A_96, %lt3A_100 : vector<16xi32>
        %and3A = arith.andi %ge3A_98, %lt3A_101 : vector<16xi1>
        %jit3A = arith.constant 0 : i32
        %broadcast_in_dim3A_102 = vector.broadcast %jit3A : i32 to vector<16xi32>
        %select_n3A = arith.select %and3A, %sub3A_96, %broadcast_in_dim3A_102 : vector<16xi1>, vector<16xi32>
        %gather3A = tpu.vector_load_idx %arg5[%select_n3A, %iota3A] masked %and3A : memref<640x16xf32, #tpu.memory_space<vmem>>[vector<16xi32>, vector<16xi32>], vector<16xf32>, vector<16xi1>
        %add3A_103 = arith.constant 1.000000e+00 : f32
        %add3A_104 = vector.broadcast %add3A_103 : f32 to vector<16xf32>
        %add3A_105 = arith.addf %gather3A, %add3A_104 : vector<16xf32>
        tpu.vector_store_idx %arg5[%select_n3A, %iota3A], %add3A_105 masked %and3A : memref<640x16xf32, #tpu.memory_space<vmem>>[vector<16xi32>, vector<16xi32>], vector<16xf32>, vector<16xi1>
      }
      %scan3A_56 = arith.constant 128 : i32
      %mul3A_57 = arith.constant 2 : i32
      %mul3A_58 = arith.muli %scan3A_28, %mul3A_57 : i32
      %add3A_59 = arith.constant 1 : i32
      %add3A_60 = arith.addi %mul3A_58, %add3A_59 : i32
      %add3A_61 = arith.constant 1 : i32
      %add3A_62 = arith.addi %add3A_60, %add3A_61 : i32
      %lt3A_63 = arith.constant 80 : i32
      %lt3A_64 = arith.cmpi slt, %add3A_62, %lt3A_63 : i32
      %convert_element_type3A_65 = arith.extui %lt3A_64 : i1 to i32
      %cond3A_66 = arith.constant 0 : i32
      %cond3A_67 = arith.cmpi ne, %convert_element_type3A_65, %cond3A_66 : i32
      scf.if %cond3A_67 {
        %add3A_90 = arith.constant 1 : i32
        %add3A_91 = arith.addi %add3A_60, %add3A_90 : i32
        %mul3A_92 = arith.constant 2048 : i32
        %mul3A_93 = arith.muli %add3A_91, %mul3A_92 : i32
        %dma_start3A_94 = arith.constant 0 : i32
        %dma_start3A_95 = arith.constant 0 : i32
        %dma_start3A_96 = arith.constant 0 : i32
        %dma_start3A_97 = tpu.memref_slice %arg4[%dma_start3A_94, %dma_start3A_96] : memref<2x2048xi32, #tpu.memory_space<vmem>> -> memref<1x2048xi32, #tpu.memory_space<vmem>>
        %dma_start3A_98 = tpu.memref_squeeze %dma_start3A_97 : memref<1x2048xi32, #tpu.memory_space<vmem>> -> memref<2048xi32, #tpu.memory_space<vmem>>
        %dma_start3A_99 = tpu.memref_slice %arg2[%arg0, %mul3A_93] : memref<2x163840xi32, #tpu.memory_space<hbm>> -> memref<1x2048xi32, #tpu.memory_space<hbm>>
        %dma_start3A_100 = tpu.memref_squeeze %dma_start3A_99 : memref<1x2048xi32, #tpu.memory_space<hbm>> -> memref<2048xi32, #tpu.memory_space<hbm>>
        %dma_start3A_101 = tpu.memref_slice %arg6[%dma_start3A_95] : memref<2x!tpu.dma_semaphore, #tpu.memory_space<semaphore_mem>> -> memref<1x!tpu.dma_semaphore, #tpu.memory_space<semaphore_mem>>
        %dma_start3A_102 = tpu.memref_squeeze %dma_start3A_101 : memref<1x!tpu.dma_semaphore, #tpu.memory_space<semaphore_mem>> -> memref<!tpu.dma_semaphore, #tpu.memory_space<semaphore_mem>>
        %dma_start3A_103 = arith.constant 0 : i32
        %dma_start3A_104 = tpu.memref_slice %arg4[%dma_start3A_94, %dma_start3A_103] : memref<2x2048xi32, #tpu.memory_space<vmem>> -> memref<1x2048xi32, #tpu.memory_space<vmem>>
        %dma_start3A_105 = tpu.memref_squeeze %dma_start3A_104 : memref<1x2048xi32, #tpu.memory_space<vmem>> -> memref<2048xi32, #tpu.memory_space<vmem>>
        %dma_start3A_106 = tpu.memref_slice %arg2[%arg0, %mul3A_93] : memref<2x163840xi32, #tpu.memory_space<hbm>> -> memref<1x2048xi32, #tpu.memory_space<hbm>>
        %dma_start3A_107 = tpu.memref_squeeze %dma_start3A_106 : memref<1x2048xi32, #tpu.memory_space<hbm>> -> memref<2048xi32, #tpu.memory_space<hbm>>
        tpu.enqueue_dma source(%dma_start3A_107 : memref<2048xi32, #tpu.memory_space<hbm>>) target(%dma_start3A_105 : memref<2048xi32, #tpu.memory_space<vmem>>) target_semaphore(%dma_start3A_102 : memref<!tpu.dma_semaphore, #tpu.memory_space<semaphore_mem>>)
      } else {
      }
      %mul3A_68 = arith.constant 2048 : i32
      %mul3A_69 = arith.muli %add3A_60, %mul3A_68 : i32
      %dma_wait3A_70 = arith.constant 1 : i32
      %dma_wait3A_71 = arith.constant 1 : i32
      %dma_wait3A_72 = arith.constant 0 : i32
      %dma_wait3A_73 = tpu.memref_slice %arg4[%dma_wait3A_70, %dma_wait3A_72] : memref<2x2048xi32, #tpu.memory_space<vmem>> -> memref<1x2048xi32, #tpu.memory_space<vmem>>
      %dma_wait3A_74 = tpu.memref_squeeze %dma_wait3A_73 : memref<1x2048xi32, #tpu.memory_space<vmem>> -> memref<2048xi32, #tpu.memory_space<vmem>>
      %dma_wait3A_75 = tpu.memref_slice %arg2[%arg0, %mul3A_69] : memref<2x163840xi32, #tpu.memory_space<hbm>> -> memref<1x2048xi32, #tpu.memory_space<hbm>>
      %dma_wait3A_76 = tpu.memref_squeeze %dma_wait3A_75 : memref<1x2048xi32, #tpu.memory_space<hbm>> -> memref<2048xi32, #tpu.memory_space<hbm>>
      %dma_wait3A_77 = tpu.memref_slice %arg6[%dma_wait3A_71] : memref<2x!tpu.dma_semaphore, #tpu.memory_space<semaphore_mem>> -> memref<1x!tpu.dma_semaphore, #tpu.memory_space<semaphore_mem>>
      %dma_wait3A_78 = tpu.memref_squeeze %dma_wait3A_77 : memref<1x!tpu.dma_semaphore, #tpu.memory_space<semaphore_mem>> -> memref<!tpu.dma_semaphore, #tpu.memory_space<semaphore_mem>>
      %dma_wait3A_79 = arith.constant 0 : i32
      %dma_wait3A_80 = tpu.memref_slice %arg4[%dma_wait3A_70, %dma_wait3A_79] : memref<2x2048xi32, #tpu.memory_space<vmem>> -> memref<1x2048xi32, #tpu.memory_space<vmem>>
      %dma_wait3A_81 = tpu.memref_squeeze %dma_wait3A_80 : memref<1x2048xi32, #tpu.memory_space<vmem>> -> memref<2048xi32, #tpu.memory_space<vmem>>
      %dma_wait3A_82 = tpu.memref_slice %arg2[%arg0, %mul3A_69] : memref<2x163840xi32, #tpu.memory_space<hbm>> -> memref<1x2048xi32, #tpu.memory_space<hbm>>
      %dma_wait3A_83 = tpu.memref_squeeze %dma_wait3A_82 : memref<1x2048xi32, #tpu.memory_space<hbm>> -> memref<2048xi32, #tpu.memory_space<hbm>>
      tpu.wait_dma2 semaphore(%dma_wait3A_78 : memref<!tpu.dma_semaphore, #tpu.memory_space<semaphore_mem>>) src(%dma_wait3A_83 : memref<2048xi32, #tpu.memory_space<hbm>>) dst(%dma_wait3A_81 : memref<2048xi32, #tpu.memory_space<vmem>>)
      %scan3A_84 = arith.constant 0 : i32
      %scan3A_85 = arith.constant 0 : i32
      %scan3A_86 = arith.constant 128 : i32
      %scan3A_87 = arith.addi %scan3A_85, %scan3A_86 : i32
      %scan3A_88 = arith.constant 1 : i32
      scf.for %scan3A_90 = %scan3A_85 to %scan3A_87 step %scan3A_88  : i32 {
        %mul3A_91 = arith.constant 16 : i32
        %mul3A_92 = arith.muli %scan3A_90, %mul3A_91 : i32
        %get3A = arith.constant 1 : i32
        %get3A_93 = arith.index_cast %get3A : i32 to index
        %get3A_94 = arith.index_cast %mul3A_92 : i32 to index
        %get3A_95 = tpu.vector_load %arg4[%get3A_93, %get3A_94] {strides = array<i32>} : memref<2x2048xi32, #tpu.memory_space<vmem>>, vector<16xi32>,
        %sub3A = vector.broadcast %mul3A_0 : i32 to vector<16xi32>
        %sub3A_96 = arith.subi %get3A_95, %sub3A : vector<16xi32>
        %ge3A = arith.constant 0 : i32
        %ge3A_97 = vector.broadcast %ge3A : i32 to vector<16xi32>
        %ge3A_98 = arith.cmpi sge, %sub3A_96, %ge3A_97 : vector<16xi32>
        %lt3A_99 = arith.constant 640 : i32
        %lt3A_100 = vector.broadcast %lt3A_99 : i32 to vector<16xi32>
        %lt3A_101 = arith.cmpi slt, %sub3A_96, %lt3A_100 : vector<16xi32>
        %and3A = arith.andi %ge3A_98, %lt3A_101 : vector<16xi1>
        %jit3A = arith.constant 0 : i32
        %broadcast_in_dim3A_102 = vector.broadcast %jit3A : i32 to vector<16xi32>
        %select_n3A = arith.select %and3A, %sub3A_96, %broadcast_in_dim3A_102 : vector<16xi1>, vector<16xi32>
        %gather3A = tpu.vector_load_idx %arg5[%select_n3A, %iota3A] masked %and3A : memref<640x16xf32, #tpu.memory_space<vmem>>[vector<16xi32>, vector<16xi32>], vector<16xf32>, vector<16xi1>
        %add3A_103 = arith.constant 1.000000e+00 : f32
        %add3A_104 = vector.broadcast %add3A_103 : f32 to vector<16xf32>
        %add3A_105 = arith.addf %gather3A, %add3A_104 : vector<16xf32>
        tpu.vector_store_idx %arg5[%select_n3A, %iota3A], %add3A_105 masked %and3A : memref<640x16xf32, #tpu.memory_space<vmem>>[vector<16xi32>, vector<16xi32>], vector<16xf32>, vector<16xi1>
      }
      %scan3A_89 = arith.constant 128 : i32
    }
    %scan3A_27 = arith.constant 40 : i32
    "tpu.region"() ({
      %run_scoped3A = tpu.sem_alloc : memref<!tpu.dma_semaphore, #tpu.memory_space<semaphore_mem>>
      %dma_start3A_28 = arith.constant 0 : i32
      %dma_start3A_29 = tpu.memref_slice %arg3[%arg0, %mul3A_0, %dma_start3A_28] : memref<2x10240x16xf32, #tpu.memory_space<hbm>> -> memref<1x640x16xf32, #tpu.memory_space<hbm>>
      %dma_start3A_30 = tpu.memref_squeeze %dma_start3A_29 : memref<1x640x16xf32, #tpu.memory_space<hbm>> -> memref<640x16xf32, #tpu.memory_space<hbm>>
      %dma_start3A_31 = arith.constant 0 : i32
      %dma_start3A_32 = tpu.memref_slice %arg3[%arg0, %mul3A_0, %dma_start3A_31] : memref<2x10240x16xf32, #tpu.memory_space<hbm>> -> memref<1x640x16xf32, #tpu.memory_space<hbm>>
      %dma_start3A_33 = tpu.memref_squeeze %dma_start3A_32 : memref<1x640x16xf32, #tpu.memory_space<hbm>> -> memref<640x16xf32, #tpu.memory_space<hbm>>
      tpu.enqueue_dma source(%arg5 : memref<640x16xf32, #tpu.memory_space<vmem>>) target(%dma_start3A_33 : memref<640x16xf32, #tpu.memory_space<hbm>>) target_semaphore(%run_scoped3A : memref<!tpu.dma_semaphore, #tpu.memory_space<semaphore_mem>>)
      %dma_wait3A = arith.constant 0 : i32
      %dma_wait3A_34 = tpu.memref_slice %arg3[%arg0, %mul3A_0, %dma_wait3A] : memref<2x10240x16xf32, #tpu.memory_space<hbm>> -> memref<1x640x16xf32, #tpu.memory_space<hbm>>
      %dma_wait3A_35 = tpu.memref_squeeze %dma_wait3A_34 : memref<1x640x16xf32, #tpu.memory_space<hbm>> -> memref<640x16xf32, #tpu.memory_space<hbm>>
      %dma_wait3A_36 = arith.constant 0 : i32
      %dma_wait3A_37 = tpu.memref_slice %arg3[%arg0, %mul3A_0, %dma_wait3A_36] : memref<2x10240x16xf32, #tpu.memory_space<hbm>> -> memref<1x640x16xf32, #tpu.memory_space<hbm>>
      %dma_wait3A_38 = tpu.memref_squeeze %dma_wait3A_37 : memref<1x640x16xf32, #tpu.memory_space<hbm>> -> memref<640x16xf32, #tpu.memory_space<hbm>>
      tpu.wait_dma2 semaphore(%run_scoped3A : memref<!tpu.dma_semaphore, #tpu.memory_space<semaphore_mem>>) src(%arg5 : memref<640x16xf32, #tpu.memory_space<vmem>>) dst(%dma_wait3A_38 : memref<640x16xf32, #tpu.memory_space<hbm>>)
      tpu.yield
    }) : () -> ()
    return
  }
}

#map = affine_map<(d0, d1) -> (0, 0)>
#map1 = affine_map<(d0, d1) -> (0, 0, 0)>
module attributes {stable_mosaic.version = 14 : i64} {
  func.func @_sc_spmm(%arg0: i32, %arg1: i32, %arg2: memref<10000x128xf32, #tpu.memory_space<hbm>>, %arg3: memref<16x160x128xi32, #tpu.memory_space<hbm>>, %arg4: memref<16x160x128xi32, #tpu.memory_space<hbm>>, %arg5: memref<632x128xf32, #tpu.memory_space<hbm>>, %arg6: memref<10112x128xf32, #tpu.memory_space<hbm>>, %arg7: memref<2x128xi32, #tpu.memory_space<vmem>>, %arg8: memref<80x128xi32, #tpu.memory_space<vmem>>, %arg9: memref<2x128x128xf32, #tpu.memory_space<vmem>>, %arg10: memref<2x!tpu.dma_semaphore, #tpu.memory_space<semaphore_mem>>, %arg11: memref<2x!tpu.dma_semaphore, #tpu.memory_space<semaphore_mem>>, %arg12: memref<2x!tpu.dma_semaphore, #tpu.memory_space<semaphore_mem>>, %arg13: memref<10112x128xf32, #tpu.memory_space<vmem_shared>>) attributes {dimension_semantics = [#tpu.dimension_semantics<core_parallel>, #tpu.dimension_semantics<subcore_parallel>], iteration_bounds = array<i64: 2, 16>, scalar_prefetch = 0 : i64, scratch_operands = 7 : i64, tpu.core_type = #tpu.core_type<sc_vector_subcore>, window_params = [{transform_indices = #map}, {transform_indices = #map1}, {transform_indices = #map1}, {transform_indices = #map}, {transform_indices = #map}]} {
    %eq3A = arith.constant 0 : i32
    %eq3A_0 = arith.cmpi eq, %arg0, %eq3A : i32
    %convert_element_type3A = arith.extui %eq3A_0 : i1 to i32
    %cond3A = arith.constant 0 : i32
    %cond3A_1 = arith.cmpi ne, %convert_element_type3A, %cond3A : i32
    scf.if %cond3A_1 {
      %mul3A = arith.constant 632 : i32
      %mul3A_2 = arith.muli %arg1, %mul3A : i32
      "tpu.region"() ({
        %run_scoped3A = tpu.sem_alloc : memref<!tpu.dma_semaphore, #tpu.memory_space<semaphore_mem>>
        %dma_start3A_179 = arith.constant 0 : i32
        %dma_start3A_180 = tpu.memref_slice %arg13[%mul3A_2, %dma_start3A_179] : memref<10112x128xf32, #tpu.memory_space<vmem_shared>> -> memref<632x128xf32, #tpu.memory_space<vmem_shared>>
        tpu.enqueue_dma source(%arg5 : memref<632x128xf32, #tpu.memory_space<hbm>>) target(%dma_start3A_180 : memref<632x128xf32, #tpu.memory_space<vmem_shared>>) target_semaphore(%run_scoped3A : memref<!tpu.dma_semaphore, #tpu.memory_space<semaphore_mem>>)
        %dma_wait3A_181 = arith.constant 0 : i32
        %dma_wait3A_182 = tpu.memref_slice %arg13[%mul3A_2, %dma_wait3A_181] : memref<10112x128xf32, #tpu.memory_space<vmem_shared>> -> memref<632x128xf32, #tpu.memory_space<vmem_shared>>
        tpu.wait_dma2 semaphore(%run_scoped3A : memref<!tpu.dma_semaphore, #tpu.memory_space<semaphore_mem>>) src(%arg5 : memref<632x128xf32, #tpu.memory_space<hbm>>) dst(%dma_wait3A_182 : memref<632x128xf32, #tpu.memory_space<vmem_shared>>)
        tpu.yield
      }) : () -> ()
      %barrier3A = arith.constant 0 : index
      tpu.barrier barrier_id(%barrier3A)
      "tpu.region"() ({
        %run_scoped3A = tpu.sem_alloc : memref<!tpu.dma_semaphore, #tpu.memory_space<semaphore_mem>>
        %dma_start3A_179 = arith.constant 0 : i32
        %dma_start3A_180 = arith.constant 0 : i32
        %dma_start3A_181 = tpu.memref_slice %arg4[%arg1, %dma_start3A_179, %dma_start3A_180] : memref<16x160x128xi32, #tpu.memory_space<hbm>> -> memref<1x80x128xi32, #tpu.memory_space<hbm>>
        %dma_start3A_182 = tpu.memref_squeeze %dma_start3A_181 : memref<1x80x128xi32, #tpu.memory_space<hbm>> -> memref<80x128xi32, #tpu.memory_space<hbm>>
        %dma_start3A_183 = arith.constant 0 : i32
        %dma_start3A_184 = arith.constant 0 : i32
        %dma_start3A_185 = tpu.memref_slice %arg4[%arg1, %dma_start3A_183, %dma_start3A_184] : memref<16x160x128xi32, #tpu.memory_space<hbm>> -> memref<1x80x128xi32, #tpu.memory_space<hbm>>
        %dma_start3A_186 = tpu.memref_squeeze %dma_start3A_185 : memref<1x80x128xi32, #tpu.memory_space<hbm>> -> memref<80x128xi32, #tpu.memory_space<hbm>>
        tpu.enqueue_dma source(%dma_start3A_186 : memref<80x128xi32, #tpu.memory_space<hbm>>) target(%arg8 : memref<80x128xi32, #tpu.memory_space<vmem>>) target_semaphore(%run_scoped3A : memref<!tpu.dma_semaphore, #tpu.memory_space<semaphore_mem>>)
        %dma_wait3A_187 = arith.constant 0 : i32
        %dma_wait3A_188 = arith.constant 0 : i32
        %dma_wait3A_189 = tpu.memref_slice %arg4[%arg1, %dma_wait3A_187, %dma_wait3A_188] : memref<16x160x128xi32, #tpu.memory_space<hbm>> -> memref<1x80x128xi32, #tpu.memory_space<hbm>>
        %dma_wait3A_190 = tpu.memref_squeeze %dma_wait3A_189 : memref<1x80x128xi32, #tpu.memory_space<hbm>> -> memref<80x128xi32, #tpu.memory_space<hbm>>
        %dma_wait3A_191 = arith.constant 0 : i32
        %dma_wait3A_192 = arith.constant 0 : i32
        %dma_wait3A_193 = tpu.memref_slice %arg4[%arg1, %dma_wait3A_191, %dma_wait3A_192] : memref<16x160x128xi32, #tpu.memory_space<hbm>> -> memref<1x80x128xi32, #tpu.memory_space<hbm>>
        %dma_wait3A_194 = tpu.memref_squeeze %dma_wait3A_193 : memref<1x80x128xi32, #tpu.memory_space<hbm>> -> memref<80x128xi32, #tpu.memory_space<hbm>>
        tpu.wait_dma2 semaphore(%run_scoped3A : memref<!tpu.dma_semaphore, #tpu.memory_space<semaphore_mem>>) src(%dma_wait3A_194 : memref<80x128xi32, #tpu.memory_space<hbm>>) dst(%arg8 : memref<80x128xi32, #tpu.memory_space<vmem>>)
        tpu.yield
      }) : () -> ()
      %dma_start3A = arith.constant 0 : i32
      %dma_start3A_3 = arith.constant 0 : i32
      %dma_start3A_4 = arith.constant 0 : i32
      %dma_start3A_5 = arith.constant 0 : i32
      %dma_start3A_6 = tpu.memref_slice %arg7[%dma_start3A_3, %dma_start3A_5] : memref<2x128xi32, #tpu.memory_space<vmem>> -> memref<1x128xi32, #tpu.memory_space<vmem>>
      %dma_start3A_7 = tpu.memref_squeeze %dma_start3A_6 : memref<1x128xi32, #tpu.memory_space<vmem>> -> memref<128xi32, #tpu.memory_space<vmem>>
      %dma_start3A_8 = arith.constant 0 : i32
      %dma_start3A_9 = tpu.memref_slice %arg3[%arg1, %dma_start3A, %dma_start3A_8] : memref<16x160x128xi32, #tpu.memory_space<hbm>> -> memref<1x1x128xi32, #tpu.memory_space<hbm>>
      %dma_start3A_10 = tpu.memref_squeeze %dma_start3A_9 : memref<1x1x128xi32, #tpu.memory_space<hbm>> -> memref<128xi32, #tpu.memory_space<hbm>>
      %dma_start3A_11 = tpu.memref_slice %arg10[%dma_start3A_4] : memref<2x!tpu.dma_semaphore, #tpu.memory_space<semaphore_mem>> -> memref<1x!tpu.dma_semaphore, #tpu.memory_space<semaphore_mem>>
      %dma_start3A_12 = tpu.memref_squeeze %dma_start3A_11 : memref<1x!tpu.dma_semaphore, #tpu.memory_space<semaphore_mem>> -> memref<!tpu.dma_semaphore, #tpu.memory_space<semaphore_mem>>
      %dma_start3A_13 = arith.constant 0 : i32
      %dma_start3A_14 = tpu.memref_slice %arg7[%dma_start3A_3, %dma_start3A_13] : memref<2x128xi32, #tpu.memory_space<vmem>> -> memref<1x128xi32, #tpu.memory_space<vmem>>
      %dma_start3A_15 = tpu.memref_squeeze %dma_start3A_14 : memref<1x128xi32, #tpu.memory_space<vmem>> -> memref<128xi32, #tpu.memory_space<vmem>>
      %dma_start3A_16 = arith.constant 0 : i32
      %dma_start3A_17 = tpu.memref_slice %arg3[%arg1, %dma_start3A, %dma_start3A_16] : memref<16x160x128xi32, #tpu.memory_space<hbm>> -> memref<1x1x128xi32, #tpu.memory_space<hbm>>
      %dma_start3A_18 = tpu.memref_squeeze %dma_start3A_17 : memref<1x1x128xi32, #tpu.memory_space<hbm>> -> memref<128xi32, #tpu.memory_space<hbm>>
      tpu.enqueue_dma source(%dma_start3A_18 : memref<128xi32, #tpu.memory_space<hbm>>) target(%dma_start3A_15 : memref<128xi32, #tpu.memory_space<vmem>>) target_semaphore(%dma_start3A_12 : memref<!tpu.dma_semaphore, #tpu.memory_space<semaphore_mem>>)
      %dma_start3A_19 = arith.constant 1 : i32
      %dma_start3A_20 = arith.constant 1 : i32
      %dma_start3A_21 = arith.constant 1 : i32
      %dma_start3A_22 = arith.constant 0 : i32
      %dma_start3A_23 = tpu.memref_slice %arg7[%dma_start3A_20, %dma_start3A_22] : memref<2x128xi32, #tpu.memory_space<vmem>> -> memref<1x128xi32, #tpu.memory_space<vmem>>
      %dma_start3A_24 = tpu.memref_squeeze %dma_start3A_23 : memref<1x128xi32, #tpu.memory_space<vmem>> -> memref<128xi32, #tpu.memory_space<vmem>>
      %dma_start3A_25 = arith.constant 0 : i32
      %dma_start3A_26 = tpu.memref_slice %arg3[%arg1, %dma_start3A_19, %dma_start3A_25] : memref<16x160x128xi32, #tpu.memory_space<hbm>> -> memref<1x1x128xi32, #tpu.memory_space<hbm>>
      %dma_start3A_27 = tpu.memref_squeeze %dma_start3A_26 : memref<1x1x128xi32, #tpu.memory_space<hbm>> -> memref<128xi32, #tpu.memory_space<hbm>>
      %dma_start3A_28 = tpu.memref_slice %arg10[%dma_start3A_21] : memref<2x!tpu.dma_semaphore, #tpu.memory_space<semaphore_mem>> -> memref<1x!tpu.dma_semaphore, #tpu.memory_space<semaphore_mem>>
      %dma_start3A_29 = tpu.memref_squeeze %dma_start3A_28 : memref<1x!tpu.dma_semaphore, #tpu.memory_space<semaphore_mem>> -> memref<!tpu.dma_semaphore, #tpu.memory_space<semaphore_mem>>
      %dma_start3A_30 = arith.constant 0 : i32
      %dma_start3A_31 = tpu.memref_slice %arg7[%dma_start3A_20, %dma_start3A_30] : memref<2x128xi32, #tpu.memory_space<vmem>> -> memref<1x128xi32, #tpu.memory_space<vmem>>
      %dma_start3A_32 = tpu.memref_squeeze %dma_start3A_31 : memref<1x128xi32, #tpu.memory_space<vmem>> -> memref<128xi32, #tpu.memory_space<vmem>>
      %dma_start3A_33 = arith.constant 0 : i32
      %dma_start3A_34 = tpu.memref_slice %arg3[%arg1, %dma_start3A_19, %dma_start3A_33] : memref<16x160x128xi32, #tpu.memory_space<hbm>> -> memref<1x1x128xi32, #tpu.memory_space<hbm>>
      %dma_start3A_35 = tpu.memref_squeeze %dma_start3A_34 : memref<1x1x128xi32, #tpu.memory_space<hbm>> -> memref<128xi32, #tpu.memory_space<hbm>>
      tpu.enqueue_dma source(%dma_start3A_35 : memref<128xi32, #tpu.memory_space<hbm>>) target(%dma_start3A_32 : memref<128xi32, #tpu.memory_space<vmem>>) target_semaphore(%dma_start3A_29 : memref<!tpu.dma_semaphore, #tpu.memory_space<semaphore_mem>>)
      %dma_wait3A = arith.constant 0 : i32
      %dma_wait3A_36 = arith.constant 0 : i32
      %dma_wait3A_37 = arith.constant 0 : i32
      %dma_wait3A_38 = arith.constant 0 : i32
      %dma_wait3A_39 = tpu.memref_slice %arg7[%dma_wait3A_36, %dma_wait3A_38] : memref<2x128xi32, #tpu.memory_space<vmem>> -> memref<1x128xi32, #tpu.memory_space<vmem>>
      %dma_wait3A_40 = tpu.memref_squeeze %dma_wait3A_39 : memref<1x128xi32, #tpu.memory_space<vmem>> -> memref<128xi32, #tpu.memory_space<vmem>>
      %dma_wait3A_41 = arith.constant 0 : i32
      %dma_wait3A_42 = tpu.memref_slice %arg3[%arg1, %dma_wait3A, %dma_wait3A_41] : memref<16x160x128xi32, #tpu.memory_space<hbm>> -> memref<1x1x128xi32, #tpu.memory_space<hbm>>
      %dma_wait3A_43 = tpu.memref_squeeze %dma_wait3A_42 : memref<1x1x128xi32, #tpu.memory_space<hbm>> -> memref<128xi32, #tpu.memory_space<hbm>>
      %dma_wait3A_44 = tpu.memref_slice %arg10[%dma_wait3A_37] : memref<2x!tpu.dma_semaphore, #tpu.memory_space<semaphore_mem>> -> memref<1x!tpu.dma_semaphore, #tpu.memory_space<semaphore_mem>>
      %dma_wait3A_45 = tpu.memref_squeeze %dma_wait3A_44 : memref<1x!tpu.dma_semaphore, #tpu.memory_space<semaphore_mem>> -> memref<!tpu.dma_semaphore, #tpu.memory_space<semaphore_mem>>
      %dma_wait3A_46 = arith.constant 0 : i32
      %dma_wait3A_47 = tpu.memref_slice %arg7[%dma_wait3A_36, %dma_wait3A_46] : memref<2x128xi32, #tpu.memory_space<vmem>> -> memref<1x128xi32, #tpu.memory_space<vmem>>
      %dma_wait3A_48 = tpu.memref_squeeze %dma_wait3A_47 : memref<1x128xi32, #tpu.memory_space<vmem>> -> memref<128xi32, #tpu.memory_space<vmem>>
      %dma_wait3A_49 = arith.constant 0 : i32
      %dma_wait3A_50 = tpu.memref_slice %arg3[%arg1, %dma_wait3A, %dma_wait3A_49] : memref<16x160x128xi32, #tpu.memory_space<hbm>> -> memref<1x1x128xi32, #tpu.memory_space<hbm>>
      %dma_wait3A_51 = tpu.memref_squeeze %dma_wait3A_50 : memref<1x1x128xi32, #tpu.memory_space<hbm>> -> memref<128xi32, #tpu.memory_space<hbm>>
      tpu.wait_dma2 semaphore(%dma_wait3A_45 : memref<!tpu.dma_semaphore, #tpu.memory_space<semaphore_mem>>) src(%dma_wait3A_51 : memref<128xi32, #tpu.memory_space<hbm>>) dst(%dma_wait3A_48 : memref<128xi32, #tpu.memory_space<vmem>>)
      %dma_start3A_52 = arith.constant 0 : i32
      %dma_start3A_53 = arith.constant 0 : i32
      %dma_start3A_54 = arith.constant 0 : i32
      %dma_start3A_55 = arith.constant 0 : i32
      %dma_start3A_56 = arith.constant 0 : i32
      %dma_start3A_57 = tpu.memref_slice %arg9[%dma_start3A_53, %dma_start3A_55, %dma_start3A_56] : memref<2x128x128xf32, #tpu.memory_space<vmem>> -> memref<1x128x128xf32, #tpu.memory_space<vmem>>
      %dma_start3A_58 = tpu.memref_squeeze %dma_start3A_57 : memref<1x128x128xf32, #tpu.memory_space<vmem>> -> memref<128x128xf32, #tpu.memory_space<vmem>>
      %dma_start3A_59 = arith.constant 0 : i32
      %dma_start3A_60 = tpu.memref_slice %arg7[%dma_start3A_52, %dma_start3A_59] : memref<2x128xi32, #tpu.memory_space<vmem>> -> memref<1x128xi32, #tpu.memory_space<vmem>>
      %dma_start3A_61 = tpu.memref_squeeze %dma_start3A_60 : memref<1x128xi32, #tpu.memory_space<vmem>> -> memref<128xi32, #tpu.memory_space<vmem>>
      %dma_start3A_62 = arith.constant 0 : i32
      %dma_start3A_63 = arith.constant 0 : i32
      %dma_start3A_64 = tpu.memref_slice %arg2[%dma_start3A_62, %dma_start3A_63] : memref<10000x128xf32, #tpu.memory_space<hbm>> -> memref<10000x128xf32, #tpu.memory_space<hbm>>
      %dma_start3A_65 = tpu.memref_slice %arg11[%dma_start3A_54] : memref<2x!tpu.dma_semaphore, #tpu.memory_space<semaphore_mem>> -> memref<1x!tpu.dma_semaphore, #tpu.memory_space<semaphore_mem>>
      %dma_start3A_66 = tpu.memref_squeeze %dma_start3A_65 : memref<1x!tpu.dma_semaphore, #tpu.memory_space<semaphore_mem>> -> memref<!tpu.dma_semaphore, #tpu.memory_space<semaphore_mem>>
      tpu.enqueue_indirect_dma source(%dma_start3A_64 : memref<10000x128xf32, #tpu.memory_space<hbm>>) target(%dma_start3A_58 : memref<128x128xf32, #tpu.memory_space<vmem>>) offsets(%dma_start3A_61 : memref<128xi32, #tpu.memory_space<vmem>>) semaphore(%dma_start3A_66 : memref<!tpu.dma_semaphore, #tpu.memory_space<semaphore_mem>>)
      %scan3A = arith.constant 0 : i32
      %scan3A_67 = arith.constant 0 : i32
      %scan3A_68 = arith.constant 40 : i32
      %scan3A_69 = arith.addi %scan3A_67, %scan3A_68 : i32
      %scan3A_70 = arith.constant 1 : i32
      scf.for %scan3A_179 = %scan3A_67 to %scan3A_69 step %scan3A_70  : i32 {
        %mul3A_180 = arith.constant 2 : i32
        %mul3A_181 = arith.muli %scan3A_179, %mul3A_180 : i32
        %add3A = arith.constant 0 : i32
        %add3A_182 = arith.addi %mul3A_181, %add3A : i32
        %ge3A = arith.constant 1 : i32
        %ge3A_183 = arith.cmpi sge, %add3A_182, %ge3A : i32
        %convert_element_type3A_184 = arith.extui %ge3A_183 : i1 to i32
        %cond3A_185 = arith.constant 0 : i32
        %cond3A_186 = arith.cmpi ne, %convert_element_type3A_184, %cond3A_185 : i32
        scf.if %cond3A_186 {
          %sub3A = arith.constant 1 : i32
          %sub3A_281 = arith.subi %add3A_182, %sub3A : i32
          %dma_wait3A_282 = arith.constant 1 : i32
          %dma_wait3A_283 = arith.constant 1 : i32
          %dma_wait3A_284 = arith.constant 0 : i32
          %dma_wait3A_285 = arith.constant 0 : i32
          %dma_wait3A_286 = tpu.memref_slice %arg9[%dma_wait3A_282, %dma_wait3A_284, %dma_wait3A_285] : memref<2x128x128xf32, #tpu.memory_space<vmem>> -> memref<1x128x128xf32, #tpu.memory_space<vmem>>
          %dma_wait3A_287 = tpu.memref_squeeze %dma_wait3A_286 : memref<1x128x128xf32, #tpu.memory_space<vmem>> -> memref<128x128xf32, #tpu.memory_space<vmem>>
          %dma_wait3A_288 = arith.constant 0 : i32
          %dma_wait3A_289 = tpu.memref_slice %arg8[%sub3A_281, %dma_wait3A_288] : memref<80x128xi32, #tpu.memory_space<vmem>> -> memref<1x128xi32, #tpu.memory_space<vmem>>
          %dma_wait3A_290 = tpu.memref_squeeze %dma_wait3A_289 : memref<1x128xi32, #tpu.memory_space<vmem>> -> memref<128xi32, #tpu.memory_space<vmem>>
          %dma_wait3A_291 = arith.constant 0 : i32
          %dma_wait3A_292 = arith.constant 0 : i32
          %dma_wait3A_293 = tpu.memref_slice %arg13[%dma_wait3A_291, %dma_wait3A_292] : memref<10112x128xf32, #tpu.memory_space<vmem_shared>> -> memref<10112x128xf32, #tpu.memory_space<vmem_shared>>
          %dma_wait3A_294 = tpu.memref_slice %arg12[%dma_wait3A_283] : memref<2x!tpu.dma_semaphore, #tpu.memory_space<semaphore_mem>> -> memref<1x!tpu.dma_semaphore, #tpu.memory_space<semaphore_mem>>
          %dma_wait3A_295 = tpu.memref_squeeze %dma_wait3A_294 : memref<1x!tpu.dma_semaphore, #tpu.memory_space<semaphore_mem>> -> memref<!tpu.dma_semaphore, #tpu.memory_space<semaphore_mem>>
          tpu.wait_indirect_dma semaphore(%dma_wait3A_295 : memref<!tpu.dma_semaphore, #tpu.memory_space<semaphore_mem>>) src(%dma_wait3A_287 : memref<128x128xf32, #tpu.memory_space<vmem>>) dst(%dma_wait3A_293 : memref<10112x128xf32, #tpu.memory_space<vmem_shared>>)
        } else {
        }
        %add3A_187 = arith.constant 1 : i32
        %add3A_188 = arith.addi %add3A_182, %add3A_187 : i32
        %lt3A = arith.constant 80 : i32
        %lt3A_189 = arith.cmpi slt, %add3A_188, %lt3A : i32
        %convert_element_type3A_190 = arith.extui %lt3A_189 : i1 to i32
        %cond3A_191 = arith.constant 0 : i32
        %cond3A_192 = arith.cmpi ne, %convert_element_type3A_190, %cond3A_191 : i32
        scf.if %cond3A_192 {
          %add3A_281 = arith.constant 0 : i32
          %add3A_282 = arith.addi %add3A_281, %add3A_182 : i32
          %add3A_283 = arith.constant 1 : i32
          %add3A_284 = arith.addi %add3A_282, %add3A_283 : i32
          %dma_wait3A_285 = arith.constant 1 : i32
          %dma_wait3A_286 = arith.constant 1 : i32
          %dma_wait3A_287 = arith.constant 0 : i32
          %dma_wait3A_288 = tpu.memref_slice %arg7[%dma_wait3A_285, %dma_wait3A_287] : memref<2x128xi32, #tpu.memory_space<vmem>> -> memref<1x128xi32, #tpu.memory_space<vmem>>
          %dma_wait3A_289 = tpu.memref_squeeze %dma_wait3A_288 : memref<1x128xi32, #tpu.memory_space<vmem>> -> memref<128xi32, #tpu.memory_space<vmem>>
          %dma_wait3A_290 = arith.constant 0 : i32
          %dma_wait3A_291 = tpu.memref_slice %arg3[%arg1, %add3A_284, %dma_wait3A_290] : memref<16x160x128xi32, #tpu.memory_space<hbm>> -> memref<1x1x128xi32, #tpu.memory_space<hbm>>
          %dma_wait3A_292 = tpu.memref_squeeze %dma_wait3A_291 : memref<1x1x128xi32, #tpu.memory_space<hbm>> -> memref<128xi32, #tpu.memory_space<hbm>>
          %dma_wait3A_293 = tpu.memref_slice %arg10[%dma_wait3A_286] : memref<2x!tpu.dma_semaphore, #tpu.memory_space<semaphore_mem>> -> memref<1x!tpu.dma_semaphore, #tpu.memory_space<semaphore_mem>>
          %dma_wait3A_294 = tpu.memref_squeeze %dma_wait3A_293 : memref<1x!tpu.dma_semaphore, #tpu.memory_space<semaphore_mem>> -> memref<!tpu.dma_semaphore, #tpu.memory_space<semaphore_mem>>
          %dma_wait3A_295 = arith.constant 0 : i32
          %dma_wait3A_296 = tpu.memref_slice %arg7[%dma_wait3A_285, %dma_wait3A_295] : memref<2x128xi32, #tpu.memory_space<vmem>> -> memref<1x128xi32, #tpu.memory_space<vmem>>
          %dma_wait3A_297 = tpu.memref_squeeze %dma_wait3A_296 : memref<1x128xi32, #tpu.memory_space<vmem>> -> memref<128xi32, #tpu.memory_space<vmem>>
          %dma_wait3A_298 = arith.constant 0 : i32
          %dma_wait3A_299 = tpu.memref_slice %arg3[%arg1, %add3A_284, %dma_wait3A_298] : memref<16x160x128xi32, #tpu.memory_space<hbm>> -> memref<1x1x128xi32, #tpu.memory_space<hbm>>
          %dma_wait3A_300 = tpu.memref_squeeze %dma_wait3A_299 : memref<1x1x128xi32, #tpu.memory_space<hbm>> -> memref<128xi32, #tpu.memory_space<hbm>>
          tpu.wait_dma2 semaphore(%dma_wait3A_294 : memref<!tpu.dma_semaphore, #tpu.memory_space<semaphore_mem>>) src(%dma_wait3A_300 : memref<128xi32, #tpu.memory_space<hbm>>) dst(%dma_wait3A_297 : memref<128xi32, #tpu.memory_space<vmem>>)
          %dma_start3A_301 = arith.constant 1 : i32
          %dma_start3A_302 = arith.constant 1 : i32
          %dma_start3A_303 = arith.constant 1 : i32
          %dma_start3A_304 = arith.constant 0 : i32
          %dma_start3A_305 = arith.constant 0 : i32
          %dma_start3A_306 = tpu.memref_slice %arg9[%dma_start3A_302, %dma_start3A_304, %dma_start3A_305] : memref<2x128x128xf32, #tpu.memory_space<vmem>> -> memref<1x128x128xf32, #tpu.memory_space<vmem>>
          %dma_start3A_307 = tpu.memref_squeeze %dma_start3A_306 : memref<1x128x128xf32, #tpu.memory_space<vmem>> -> memref<128x128xf32, #tpu.memory_space<vmem>>
          %dma_start3A_308 = arith.constant 0 : i32
          %dma_start3A_309 = tpu.memref_slice %arg7[%dma_start3A_301, %dma_start3A_308] : memref<2x128xi32, #tpu.memory_space<vmem>> -> memref<1x128xi32, #tpu.memory_space<vmem>>
          %dma_start3A_310 = tpu.memref_squeeze %dma_start3A_309 : memref<1x128xi32, #tpu.memory_space<vmem>> -> memref<128xi32, #tpu.memory_space<vmem>>
          %dma_start3A_311 = arith.constant 0 : i32
          %dma_start3A_312 = arith.constant 0 : i32
          %dma_start3A_313 = tpu.memref_slice %arg2[%dma_start3A_311, %dma_start3A_312] : memref<10000x128xf32, #tpu.memory_space<hbm>> -> memref<10000x128xf32, #tpu.memory_space<hbm>>
          %dma_start3A_314 = tpu.memref_slice %arg11[%dma_start3A_303] : memref<2x!tpu.dma_semaphore, #tpu.memory_space<semaphore_mem>> -> memref<1x!tpu.dma_semaphore, #tpu.memory_space<semaphore_mem>>
          %dma_start3A_315 = tpu.memref_squeeze %dma_start3A_314 : memref<1x!tpu.dma_semaphore, #tpu.memory_space<semaphore_mem>> -> memref<!tpu.dma_semaphore, #tpu.memory_space<semaphore_mem>>
          tpu.enqueue_indirect_dma source(%dma_start3A_313 : memref<10000x128xf32, #tpu.memory_space<hbm>>) target(%dma_start3A_307 : memref<128x128xf32, #tpu.memory_space<vmem>>) offsets(%dma_start3A_310 : memref<128xi32, #tpu.memory_space<vmem>>) semaphore(%dma_start3A_315 : memref<!tpu.dma_semaphore, #tpu.memory_space<semaphore_mem>>)
        } else {
        }
        %dma_wait3A_193 = arith.constant 0 : i32
        %dma_wait3A_194 = arith.constant 0 : i32
        %dma_wait3A_195 = arith.constant 0 : i32
        %dma_wait3A_196 = arith.constant 0 : i32
        %dma_wait3A_197 = arith.constant 0 : i32
        %dma_wait3A_198 = tpu.memref_slice %arg9[%dma_wait3A_194, %dma_wait3A_196, %dma_wait3A_197] : memref<2x128x128xf32, #tpu.memory_space<vmem>> -> memref<1x128x128xf32, #tpu.memory_space<vmem>>
        %dma_wait3A_199 = tpu.memref_squeeze %dma_wait3A_198 : memref<1x128x128xf32, #tpu.memory_space<vmem>> -> memref<128x128xf32, #tpu.memory_space<vmem>>
        %dma_wait3A_200 = arith.constant 0 : i32
        %dma_wait3A_201 = tpu.memref_slice %arg7[%dma_wait3A_193, %dma_wait3A_200] : memref<2x128xi32, #tpu.memory_space<vmem>> -> memref<1x128xi32, #tpu.memory_space<vmem>>
        %dma_wait3A_202 = tpu.memref_squeeze %dma_wait3A_201 : memref<1x128xi32, #tpu.memory_space<vmem>> -> memref<128xi32, #tpu.memory_space<vmem>>
        %dma_wait3A_203 = arith.constant 0 : i32
        %dma_wait3A_204 = arith.constant 0 : i32
        %dma_wait3A_205 = tpu.memref_slice %arg2[%dma_wait3A_203, %dma_wait3A_204] : memref<10000x128xf32, #tpu.memory_space<hbm>> -> memref<10000x128xf32, #tpu.memory_space<hbm>>
        %dma_wait3A_206 = tpu.memref_slice %arg11[%dma_wait3A_195] : memref<2x!tpu.dma_semaphore, #tpu.memory_space<semaphore_mem>> -> memref<1x!tpu.dma_semaphore, #tpu.memory_space<semaphore_mem>>
        %dma_wait3A_207 = tpu.memref_squeeze %dma_wait3A_206 : memref<1x!tpu.dma_semaphore, #tpu.memory_space<semaphore_mem>> -> memref<!tpu.dma_semaphore, #tpu.memory_space<semaphore_mem>>
        tpu.wait_indirect_dma semaphore(%dma_wait3A_207 : memref<!tpu.dma_semaphore, #tpu.memory_space<semaphore_mem>>) src(%dma_wait3A_205 : memref<10000x128xf32, #tpu.memory_space<hbm>>) dst(%dma_wait3A_199 : memref<128x128xf32, #tpu.memory_space<vmem>>)
        %dma_start3A_208 = arith.constant 0 : i32
        %dma_start3A_209 = arith.constant 0 : i32
        %dma_start3A_210 = arith.constant 0 : i32
        %dma_start3A_211 = arith.constant 0 : i32
        %dma_start3A_212 = tpu.memref_slice %arg9[%dma_start3A_208, %dma_start3A_210, %dma_start3A_211] : memref<2x128x128xf32, #tpu.memory_space<vmem>> -> memref<1x128x128xf32, #tpu.memory_space<vmem>>
        %dma_start3A_213 = tpu.memref_squeeze %dma_start3A_212 : memref<1x128x128xf32, #tpu.memory_space<vmem>> -> memref<128x128xf32, #tpu.memory_space<vmem>>
        %dma_start3A_214 = arith.constant 0 : i32
        %dma_start3A_215 = tpu.memref_slice %arg8[%add3A_182, %dma_start3A_214] : memref<80x128xi32, #tpu.memory_space<vmem>> -> memref<1x128xi32, #tpu.memory_space<vmem>>
        %dma_start3A_216 = tpu.memref_squeeze %dma_start3A_215 : memref<1x128xi32, #tpu.memory_space<vmem>> -> memref<128xi32, #tpu.memory_space<vmem>>
        %dma_start3A_217 = arith.constant 0 : i32
        %dma_start3A_218 = arith.constant 0 : i32
        %dma_start3A_219 = tpu.memref_slice %arg13[%dma_start3A_217, %dma_start3A_218] : memref<10112x128xf32, #tpu.memory_space<vmem_shared>> -> memref<10112x128xf32, #tpu.memory_space<vmem_shared>>
        %dma_start3A_220 = tpu.memref_slice %arg12[%dma_start3A_209] : memref<2x!tpu.dma_semaphore, #tpu.memory_space<semaphore_mem>> -> memref<1x!tpu.dma_semaphore, #tpu.memory_space<semaphore_mem>>
        %dma_start3A_221 = tpu.memref_squeeze %dma_start3A_220 : memref<1x!tpu.dma_semaphore, #tpu.memory_space<semaphore_mem>> -> memref<!tpu.dma_semaphore, #tpu.memory_space<semaphore_mem>>
        tpu.enqueue_indirect_dma source(%dma_start3A_213 : memref<128x128xf32, #tpu.memory_space<vmem>>) target(%dma_start3A_219 : memref<10112x128xf32, #tpu.memory_space<vmem_shared>>) offsets(%dma_start3A_216 : memref<128xi32, #tpu.memory_space<vmem>>) semaphore(%dma_start3A_221 : memref<!tpu.dma_semaphore, #tpu.memory_space<semaphore_mem>>) {add = true}
        %add3A_222 = arith.constant 2 : i32
        %add3A_223 = arith.addi %add3A_182, %add3A_222 : i32
        %lt3A_224 = arith.constant 80 : i32
        %lt3A_225 = arith.cmpi slt, %add3A_223, %lt3A_224 : i32
        %convert_element_type3A_226 = arith.extui %lt3A_225 : i1 to i32
        %cond3A_227 = arith.constant 0 : i32
        %cond3A_228 = arith.cmpi ne, %convert_element_type3A_226, %cond3A_227 : i32
        scf.if %cond3A_228 {
          %add3A_281 = arith.constant 0 : i32
          %add3A_282 = arith.addi %add3A_281, %add3A_182 : i32
          %add3A_283 = arith.constant 2 : i32
          %add3A_284 = arith.addi %add3A_282, %add3A_283 : i32
          %dma_start3A_285 = arith.constant 0 : i32
          %dma_start3A_286 = arith.constant 0 : i32
          %dma_start3A_287 = arith.constant 0 : i32
          %dma_start3A_288 = tpu.memref_slice %arg7[%dma_start3A_285, %dma_start3A_287] : memref<2x128xi32, #tpu.memory_space<vmem>> -> memref<1x128xi32, #tpu.memory_space<vmem>>
          %dma_start3A_289 = tpu.memref_squeeze %dma_start3A_288 : memref<1x128xi32, #tpu.memory_space<vmem>> -> memref<128xi32, #tpu.memory_space<vmem>>
          %dma_start3A_290 = arith.constant 0 : i32
          %dma_start3A_291 = tpu.memref_slice %arg3[%arg1, %add3A_284, %dma_start3A_290] : memref<16x160x128xi32, #tpu.memory_space<hbm>> -> memref<1x1x128xi32, #tpu.memory_space<hbm>>
          %dma_start3A_292 = tpu.memref_squeeze %dma_start3A_291 : memref<1x1x128xi32, #tpu.memory_space<hbm>> -> memref<128xi32, #tpu.memory_space<hbm>>
          %dma_start3A_293 = tpu.memref_slice %arg10[%dma_start3A_286] : memref<2x!tpu.dma_semaphore, #tpu.memory_space<semaphore_mem>> -> memref<1x!tpu.dma_semaphore, #tpu.memory_space<semaphore_mem>>
          %dma_start3A_294 = tpu.memref_squeeze %dma_start3A_293 : memref<1x!tpu.dma_semaphore, #tpu.memory_space<semaphore_mem>> -> memref<!tpu.dma_semaphore, #tpu.memory_space<semaphore_mem>>
          %dma_start3A_295 = arith.constant 0 : i32
          %dma_start3A_296 = tpu.memref_slice %arg7[%dma_start3A_285, %dma_start3A_295] : memref<2x128xi32, #tpu.memory_space<vmem>> -> memref<1x128xi32, #tpu.memory_space<vmem>>
          %dma_start3A_297 = tpu.memref_squeeze %dma_start3A_296 : memref<1x128xi32, #tpu.memory_space<vmem>> -> memref<128xi32, #tpu.memory_space<vmem>>
          %dma_start3A_298 = arith.constant 0 : i32
          %dma_start3A_299 = tpu.memref_slice %arg3[%arg1, %add3A_284, %dma_start3A_298] : memref<16x160x128xi32, #tpu.memory_space<hbm>> -> memref<1x1x128xi32, #tpu.memory_space<hbm>>
          %dma_start3A_300 = tpu.memref_squeeze %dma_start3A_299 : memref<1x1x128xi32, #tpu.memory_space<hbm>> -> memref<128xi32, #tpu.memory_space<hbm>>
          tpu.enqueue_dma source(%dma_start3A_300 : memref<128xi32, #tpu.memory_space<hbm>>) target(%dma_start3A_297 : memref<128xi32, #tpu.memory_space<vmem>>) target_semaphore(%dma_start3A_294 : memref<!tpu.dma_semaphore, #tpu.memory_space<semaphore_mem>>)
        } else {
        }
        %mul3A_229 = arith.constant 2 : i32
        %mul3A_230 = arith.muli %scan3A_179, %mul3A_229 : i32
        %add3A_231 = arith.constant 1 : i32
        %add3A_232 = arith.addi %mul3A_230, %add3A_231 : i32
        %ge3A_233 = arith.constant 1 : i32
        %ge3A_234 = arith.cmpi sge, %add3A_232, %ge3A_233 : i32
        %convert_element_type3A_235 = arith.extui %ge3A_234 : i1 to i32
        %cond3A_236 = arith.constant 0 : i32
        %cond3A_237 = arith.cmpi ne, %convert_element_type3A_235, %cond3A_236 : i32
        scf.if %cond3A_237 {
          %sub3A = arith.constant 1 : i32
          %sub3A_281 = arith.subi %add3A_232, %sub3A : i32
          %dma_wait3A_282 = arith.constant 0 : i32
          %dma_wait3A_283 = arith.constant 0 : i32
          %dma_wait3A_284 = arith.constant 0 : i32
          %dma_wait3A_285 = arith.constant 0 : i32
          %dma_wait3A_286 = tpu.memref_slice %arg9[%dma_wait3A_282, %dma_wait3A_284, %dma_wait3A_285] : memref<2x128x128xf32, #tpu.memory_space<vmem>> -> memref<1x128x128xf32, #tpu.memory_space<vmem>>
          %dma_wait3A_287 = tpu.memref_squeeze %dma_wait3A_286 : memref<1x128x128xf32, #tpu.memory_space<vmem>> -> memref<128x128xf32, #tpu.memory_space<vmem>>
          %dma_wait3A_288 = arith.constant 0 : i32
          %dma_wait3A_289 = tpu.memref_slice %arg8[%sub3A_281, %dma_wait3A_288] : memref<80x128xi32, #tpu.memory_space<vmem>> -> memref<1x128xi32, #tpu.memory_space<vmem>>
          %dma_wait3A_290 = tpu.memref_squeeze %dma_wait3A_289 : memref<1x128xi32, #tpu.memory_space<vmem>> -> memref<128xi32, #tpu.memory_space<vmem>>
          %dma_wait3A_291 = arith.constant 0 : i32
          %dma_wait3A_292 = arith.constant 0 : i32
          %dma_wait3A_293 = tpu.memref_slice %arg13[%dma_wait3A_291, %dma_wait3A_292] : memref<10112x128xf32, #tpu.memory_space<vmem_shared>> -> memref<10112x128xf32, #tpu.memory_space<vmem_shared>>
          %dma_wait3A_294 = tpu.memref_slice %arg12[%dma_wait3A_283] : memref<2x!tpu.dma_semaphore, #tpu.memory_space<semaphore_mem>> -> memref<1x!tpu.dma_semaphore, #tpu.memory_space<semaphore_mem>>
          %dma_wait3A_295 = tpu.memref_squeeze %dma_wait3A_294 : memref<1x!tpu.dma_semaphore, #tpu.memory_space<semaphore_mem>> -> memref<!tpu.dma_semaphore, #tpu.memory_space<semaphore_mem>>
          tpu.wait_indirect_dma semaphore(%dma_wait3A_295 : memref<!tpu.dma_semaphore, #tpu.memory_space<semaphore_mem>>) src(%dma_wait3A_287 : memref<128x128xf32, #tpu.memory_space<vmem>>) dst(%dma_wait3A_293 : memref<10112x128xf32, #tpu.memory_space<vmem_shared>>)
        } else {
        }
        %add3A_238 = arith.constant 1 : i32
        %add3A_239 = arith.addi %add3A_232, %add3A_238 : i32
        %lt3A_240 = arith.constant 80 : i32
        %lt3A_241 = arith.cmpi slt, %add3A_239, %lt3A_240 : i32
        %convert_element_type3A_242 = arith.extui %lt3A_241 : i1 to i32
        %cond3A_243 = arith.constant 0 : i32
        %cond3A_244 = arith.cmpi ne, %convert_element_type3A_242, %cond3A_243 : i32
        scf.if %cond3A_244 {
          %add3A_281 = arith.constant 0 : i32
          %add3A_282 = arith.addi %add3A_281, %add3A_232 : i32
          %add3A_283 = arith.constant 1 : i32
          %add3A_284 = arith.addi %add3A_282, %add3A_283 : i32
          %dma_wait3A_285 = arith.constant 0 : i32
          %dma_wait3A_286 = arith.constant 0 : i32
          %dma_wait3A_287 = arith.constant 0 : i32
          %dma_wait3A_288 = tpu.memref_slice %arg7[%dma_wait3A_285, %dma_wait3A_287] : memref<2x128xi32, #tpu.memory_space<vmem>> -> memref<1x128xi32, #tpu.memory_space<vmem>>
          %dma_wait3A_289 = tpu.memref_squeeze %dma_wait3A_288 : memref<1x128xi32, #tpu.memory_space<vmem>> -> memref<128xi32, #tpu.memory_space<vmem>>
          %dma_wait3A_290 = arith.constant 0 : i32
          %dma_wait3A_291 = tpu.memref_slice %arg3[%arg1, %add3A_284, %dma_wait3A_290] : memref<16x160x128xi32, #tpu.memory_space<hbm>> -> memref<1x1x128xi32, #tpu.memory_space<hbm>>
          %dma_wait3A_292 = tpu.memref_squeeze %dma_wait3A_291 : memref<1x1x128xi32, #tpu.memory_space<hbm>> -> memref<128xi32, #tpu.memory_space<hbm>>
          %dma_wait3A_293 = tpu.memref_slice %arg10[%dma_wait3A_286] : memref<2x!tpu.dma_semaphore, #tpu.memory_space<semaphore_mem>> -> memref<1x!tpu.dma_semaphore, #tpu.memory_space<semaphore_mem>>
          %dma_wait3A_294 = tpu.memref_squeeze %dma_wait3A_293 : memref<1x!tpu.dma_semaphore, #tpu.memory_space<semaphore_mem>> -> memref<!tpu.dma_semaphore, #tpu.memory_space<semaphore_mem>>
          %dma_wait3A_295 = arith.constant 0 : i32
          %dma_wait3A_296 = tpu.memref_slice %arg7[%dma_wait3A_285, %dma_wait3A_295] : memref<2x128xi32, #tpu.memory_space<vmem>> -> memref<1x128xi32, #tpu.memory_space<vmem>>
          %dma_wait3A_297 = tpu.memref_squeeze %dma_wait3A_296 : memref<1x128xi32, #tpu.memory_space<vmem>> -> memref<128xi32, #tpu.memory_space<vmem>>
          %dma_wait3A_298 = arith.constant 0 : i32
          %dma_wait3A_299 = tpu.memref_slice %arg3[%arg1, %add3A_284, %dma_wait3A_298] : memref<16x160x128xi32, #tpu.memory_space<hbm>> -> memref<1x1x128xi32, #tpu.memory_space<hbm>>
          %dma_wait3A_300 = tpu.memref_squeeze %dma_wait3A_299 : memref<1x1x128xi32, #tpu.memory_space<hbm>> -> memref<128xi32, #tpu.memory_space<hbm>>
          tpu.wait_dma2 semaphore(%dma_wait3A_294 : memref<!tpu.dma_semaphore, #tpu.memory_space<semaphore_mem>>) src(%dma_wait3A_300 : memref<128xi32, #tpu.memory_space<hbm>>) dst(%dma_wait3A_297 : memref<128xi32, #tpu.memory_space<vmem>>)
          %dma_start3A_301 = arith.constant 0 : i32
          %dma_start3A_302 = arith.constant 0 : i32
          %dma_start3A_303 = arith.constant 0 : i32
          %dma_start3A_304 = arith.constant 0 : i32
          %dma_start3A_305 = arith.constant 0 : i32
          %dma_start3A_306 = tpu.memref_slice %arg9[%dma_start3A_302, %dma_start3A_304, %dma_start3A_305] : memref<2x128x128xf32, #tpu.memory_space<vmem>> -> memref<1x128x128xf32, #tpu.memory_space<vmem>>
          %dma_start3A_307 = tpu.memref_squeeze %dma_start3A_306 : memref<1x128x128xf32, #tpu.memory_space<vmem>> -> memref<128x128xf32, #tpu.memory_space<vmem>>
          %dma_start3A_308 = arith.constant 0 : i32
          %dma_start3A_309 = tpu.memref_slice %arg7[%dma_start3A_301, %dma_start3A_308] : memref<2x128xi32, #tpu.memory_space<vmem>> -> memref<1x128xi32, #tpu.memory_space<vmem>>
          %dma_start3A_310 = tpu.memref_squeeze %dma_start3A_309 : memref<1x128xi32, #tpu.memory_space<vmem>> -> memref<128xi32, #tpu.memory_space<vmem>>
          %dma_start3A_311 = arith.constant 0 : i32
          %dma_start3A_312 = arith.constant 0 : i32
          %dma_start3A_313 = tpu.memref_slice %arg2[%dma_start3A_311, %dma_start3A_312] : memref<10000x128xf32, #tpu.memory_space<hbm>> -> memref<10000x128xf32, #tpu.memory_space<hbm>>
          %dma_start3A_314 = tpu.memref_slice %arg11[%dma_start3A_303] : memref<2x!tpu.dma_semaphore, #tpu.memory_space<semaphore_mem>> -> memref<1x!tpu.dma_semaphore, #tpu.memory_space<semaphore_mem>>
          %dma_start3A_315 = tpu.memref_squeeze %dma_start3A_314 : memref<1x!tpu.dma_semaphore, #tpu.memory_space<semaphore_mem>> -> memref<!tpu.dma_semaphore, #tpu.memory_space<semaphore_mem>>
          tpu.enqueue_indirect_dma source(%dma_start3A_313 : memref<10000x128xf32, #tpu.memory_space<hbm>>) target(%dma_start3A_307 : memref<128x128xf32, #tpu.memory_space<vmem>>) offsets(%dma_start3A_310 : memref<128xi32, #tpu.memory_space<vmem>>) semaphore(%dma_start3A_315 : memref<!tpu.dma_semaphore, #tpu.memory_space<semaphore_mem>>)
        } else {
        }
        %dma_wait3A_245 = arith.constant 1 : i32
        %dma_wait3A_246 = arith.constant 1 : i32
        %dma_wait3A_247 = arith.constant 1 : i32
        %dma_wait3A_248 = arith.constant 0 : i32
        %dma_wait3A_249 = arith.constant 0 : i32
        %dma_wait3A_250 = tpu.memref_slice %arg9[%dma_wait3A_246, %dma_wait3A_248, %dma_wait3A_249] : memref<2x128x128xf32, #tpu.memory_space<vmem>> -> memref<1x128x128xf32, #tpu.memory_space<vmem>>
        %dma_wait3A_251 = tpu.memref_squeeze %dma_wait3A_250 : memref<1x128x128xf32, #tpu.memory_space<vmem>> -> memref<128x128xf32, #tpu.memory_space<vmem>>
        %dma_wait3A_252 = arith.constant 0 : i32
        %dma_wait3A_253 = tpu.memref_slice %arg7[%dma_wait3A_245, %dma_wait3A_252] : memref<2x128xi32, #tpu.memory_space<vmem>> -> memref<1x128xi32, #tpu.memory_space<vmem>>
        %dma_wait3A_254 = tpu.memref_squeeze %dma_wait3A_253 : memref<1x128xi32, #tpu.memory_space<vmem>> -> memref<128xi32, #tpu.memory_space<vmem>>
        %dma_wait3A_255 = arith.constant 0 : i32
        %dma_wait3A_256 = arith.constant 0 : i32
        %dma_wait3A_257 = tpu.memref_slice %arg2[%dma_wait3A_255, %dma_wait3A_256] : memref<10000x128xf32, #tpu.memory_space<hbm>> -> memref<10000x128xf32, #tpu.memory_space<hbm>>
        %dma_wait3A_258 = tpu.memref_slice %arg11[%dma_wait3A_247] : memref<2x!tpu.dma_semaphore, #tpu.memory_space<semaphore_mem>> -> memref<1x!tpu.dma_semaphore, #tpu.memory_space<semaphore_mem>>
        %dma_wait3A_259 = tpu.memref_squeeze %dma_wait3A_258 : memref<1x!tpu.dma_semaphore, #tpu.memory_space<semaphore_mem>> -> memref<!tpu.dma_semaphore, #tpu.memory_space<semaphore_mem>>
        tpu.wait_indirect_dma semaphore(%dma_wait3A_259 : memref<!tpu.dma_semaphore, #tpu.memory_space<semaphore_mem>>) src(%dma_wait3A_257 : memref<10000x128xf32, #tpu.memory_space<hbm>>) dst(%dma_wait3A_251 : memref<128x128xf32, #tpu.memory_space<vmem>>)
        %dma_start3A_260 = arith.constant 1 : i32
        %dma_start3A_261 = arith.constant 1 : i32
        %dma_start3A_262 = arith.constant 0 : i32
        %dma_start3A_263 = arith.constant 0 : i32
        %dma_start3A_264 = tpu.memref_slice %arg9[%dma_start3A_260, %dma_start3A_262, %dma_start3A_263] : memref<2x128x128xf32, #tpu.memory_space<vmem>> -> memref<1x128x128xf32, #tpu.memory_space<vmem>>
        %dma_start3A_265 = tpu.memref_squeeze %dma_start3A_264 : memref<1x128x128xf32, #tpu.memory_space<vmem>> -> memref<128x128xf32, #tpu.memory_space<vmem>>
        %dma_start3A_266 = arith.constant 0 : i32
        %dma_start3A_267 = tpu.memref_slice %arg8[%add3A_232, %dma_start3A_266] : memref<80x128xi32, #tpu.memory_space<vmem>> -> memref<1x128xi32, #tpu.memory_space<vmem>>
        %dma_start3A_268 = tpu.memref_squeeze %dma_start3A_267 : memref<1x128xi32, #tpu.memory_space<vmem>> -> memref<128xi32, #tpu.memory_space<vmem>>
        %dma_start3A_269 = arith.constant 0 : i32
        %dma_start3A_270 = arith.constant 0 : i32
        %dma_start3A_271 = tpu.memref_slice %arg13[%dma_start3A_269, %dma_start3A_270] : memref<10112x128xf32, #tpu.memory_space<vmem_shared>> -> memref<10112x128xf32, #tpu.memory_space<vmem_shared>>
        %dma_start3A_272 = tpu.memref_slice %arg12[%dma_start3A_261] : memref<2x!tpu.dma_semaphore, #tpu.memory_space<semaphore_mem>> -> memref<1x!tpu.dma_semaphore, #tpu.memory_space<semaphore_mem>>
        %dma_start3A_273 = tpu.memref_squeeze %dma_start3A_272 : memref<1x!tpu.dma_semaphore, #tpu.memory_space<semaphore_mem>> -> memref<!tpu.dma_semaphore, #tpu.memory_space<semaphore_mem>>
        tpu.enqueue_indirect_dma source(%dma_start3A_265 : memref<128x128xf32, #tpu.memory_space<vmem>>) target(%dma_start3A_271 : memref<10112x128xf32, #tpu.memory_space<vmem_shared>>) offsets(%dma_start3A_268 : memref<128xi32, #tpu.memory_space<vmem>>) semaphore(%dma_start3A_273 : memref<!tpu.dma_semaphore, #tpu.memory_space<semaphore_mem>>) {add = true}
        %add3A_274 = arith.constant 2 : i32
        %add3A_275 = arith.addi %add3A_232, %add3A_274 : i32
        %lt3A_276 = arith.constant 80 : i32
        %lt3A_277 = arith.cmpi slt, %add3A_275, %lt3A_276 : i32
        %convert_element_type3A_278 = arith.extui %lt3A_277 : i1 to i32
        %cond3A_279 = arith.constant 0 : i32
        %cond3A_280 = arith.cmpi ne, %convert_element_type3A_278, %cond3A_279 : i32
        scf.if %cond3A_280 {
          %add3A_281 = arith.constant 0 : i32
          %add3A_282 = arith.addi %add3A_281, %add3A_232 : i32
          %add3A_283 = arith.constant 2 : i32
          %add3A_284 = arith.addi %add3A_282, %add3A_283 : i32
          %dma_start3A_285 = arith.constant 1 : i32
          %dma_start3A_286 = arith.constant 1 : i32
          %dma_start3A_287 = arith.constant 0 : i32
          %dma_start3A_288 = tpu.memref_slice %arg7[%dma_start3A_285, %dma_start3A_287] : memref<2x128xi32, #tpu.memory_space<vmem>> -> memref<1x128xi32, #tpu.memory_space<vmem>>
          %dma_start3A_289 = tpu.memref_squeeze %dma_start3A_288 : memref<1x128xi32, #tpu.memory_space<vmem>> -> memref<128xi32, #tpu.memory_space<vmem>>
          %dma_start3A_290 = arith.constant 0 : i32
          %dma_start3A_291 = tpu.memref_slice %arg3[%arg1, %add3A_284, %dma_start3A_290] : memref<16x160x128xi32, #tpu.memory_space<hbm>> -> memref<1x1x128xi32, #tpu.memory_space<hbm>>
          %dma_start3A_292 = tpu.memref_squeeze %dma_start3A_291 : memref<1x1x128xi32, #tpu.memory_space<hbm>> -> memref<128xi32, #tpu.memory_space<hbm>>
          %dma_start3A_293 = tpu.memref_slice %arg10[%dma_start3A_286] : memref<2x!tpu.dma_semaphore, #tpu.memory_space<semaphore_mem>> -> memref<1x!tpu.dma_semaphore, #tpu.memory_space<semaphore_mem>>
          %dma_start3A_294 = tpu.memref_squeeze %dma_start3A_293 : memref<1x!tpu.dma_semaphore, #tpu.memory_space<semaphore_mem>> -> memref<!tpu.dma_semaphore, #tpu.memory_space<semaphore_mem>>
          %dma_start3A_295 = arith.constant 0 : i32
          %dma_start3A_296 = tpu.memref_slice %arg7[%dma_start3A_285, %dma_start3A_295] : memref<2x128xi32, #tpu.memory_space<vmem>> -> memref<1x128xi32, #tpu.memory_space<vmem>>
          %dma_start3A_297 = tpu.memref_squeeze %dma_start3A_296 : memref<1x128xi32, #tpu.memory_space<vmem>> -> memref<128xi32, #tpu.memory_space<vmem>>
          %dma_start3A_298 = arith.constant 0 : i32
          %dma_start3A_299 = tpu.memref_slice %arg3[%arg1, %add3A_284, %dma_start3A_298] : memref<16x160x128xi32, #tpu.memory_space<hbm>> -> memref<1x1x128xi32, #tpu.memory_space<hbm>>
          %dma_start3A_300 = tpu.memref_squeeze %dma_start3A_299 : memref<1x1x128xi32, #tpu.memory_space<hbm>> -> memref<128xi32, #tpu.memory_space<hbm>>
          tpu.enqueue_dma source(%dma_start3A_300 : memref<128xi32, #tpu.memory_space<hbm>>) target(%dma_start3A_297 : memref<128xi32, #tpu.memory_space<vmem>>) target_semaphore(%dma_start3A_294 : memref<!tpu.dma_semaphore, #tpu.memory_space<semaphore_mem>>)
        } else {
        }
      }
      %scan3A_71 = arith.constant 40 : i32
      %dma_wait3A_72 = arith.constant 1 : i32
      %dma_wait3A_73 = arith.constant 79 : i32
      %dma_wait3A_74 = arith.constant 1 : i32
      %dma_wait3A_75 = arith.constant 0 : i32
      %dma_wait3A_76 = arith.constant 0 : i32
      %dma_wait3A_77 = tpu.memref_slice %arg9[%dma_wait3A_72, %dma_wait3A_75, %dma_wait3A_76] : memref<2x128x128xf32, #tpu.memory_space<vmem>> -> memref<1x128x128xf32, #tpu.memory_space<vmem>>
      %dma_wait3A_78 = tpu.memref_squeeze %dma_wait3A_77 : memref<1x128x128xf32, #tpu.memory_space<vmem>> -> memref<128x128xf32, #tpu.memory_space<vmem>>
      %dma_wait3A_79 = arith.constant 0 : i32
      %dma_wait3A_80 = tpu.memref_slice %arg8[%dma_wait3A_73, %dma_wait3A_79] : memref<80x128xi32, #tpu.memory_space<vmem>> -> memref<1x128xi32, #tpu.memory_space<vmem>>
      %dma_wait3A_81 = tpu.memref_squeeze %dma_wait3A_80 : memref<1x128xi32, #tpu.memory_space<vmem>> -> memref<128xi32, #tpu.memory_space<vmem>>
      %dma_wait3A_82 = arith.constant 0 : i32
      %dma_wait3A_83 = arith.constant 0 : i32
      %dma_wait3A_84 = tpu.memref_slice %arg13[%dma_wait3A_82, %dma_wait3A_83] : memref<10112x128xf32, #tpu.memory_space<vmem_shared>> -> memref<10112x128xf32, #tpu.memory_space<vmem_shared>>
      %dma_wait3A_85 = tpu.memref_slice %arg12[%dma_wait3A_74] : memref<2x!tpu.dma_semaphore, #tpu.memory_space<semaphore_mem>> -> memref<1x!tpu.dma_semaphore, #tpu.memory_space<semaphore_mem>>
      %dma_wait3A_86 = tpu.memref_squeeze %dma_wait3A_85 : memref<1x!tpu.dma_semaphore, #tpu.memory_space<semaphore_mem>> -> memref<!tpu.dma_semaphore, #tpu.memory_space<semaphore_mem>>
      tpu.wait_indirect_dma semaphore(%dma_wait3A_86 : memref<!tpu.dma_semaphore, #tpu.memory_space<semaphore_mem>>) src(%dma_wait3A_78 : memref<128x128xf32, #tpu.memory_space<vmem>>) dst(%dma_wait3A_84 : memref<10112x128xf32, #tpu.memory_space<vmem_shared>>)
      "tpu.region"() ({
        %run_scoped3A = tpu.sem_alloc : memref<!tpu.dma_semaphore, #tpu.memory_space<semaphore_mem>>
        %dma_start3A_179 = arith.constant 80 : i32
        %dma_start3A_180 = arith.constant 0 : i32
        %dma_start3A_181 = tpu.memref_slice %arg4[%arg1, %dma_start3A_179, %dma_start3A_180] : memref<16x160x128xi32, #tpu.memory_space<hbm>> -> memref<1x80x128xi32, #tpu.memory_space<hbm>>
        %dma_start3A_182 = tpu.memref_squeeze %dma_start3A_181 : memref<1x80x128xi32, #tpu.memory_space<hbm>> -> memref<80x128xi32, #tpu.memory_space<hbm>>
        %dma_start3A_183 = arith.constant 80 : i32
        %dma_start3A_184 = arith.constant 0 : i32
        %dma_start3A_185 = tpu.memref_slice %arg4[%arg1, %dma_start3A_183, %dma_start3A_184] : memref<16x160x128xi32, #tpu.memory_space<hbm>> -> memref<1x80x128xi32, #tpu.memory_space<hbm>>
        %dma_start3A_186 = tpu.memref_squeeze %dma_start3A_185 : memref<1x80x128xi32, #tpu.memory_space<hbm>> -> memref<80x128xi32, #tpu.memory_space<hbm>>
        tpu.enqueue_dma source(%dma_start3A_186 : memref<80x128xi32, #tpu.memory_space<hbm>>) target(%arg8 : memref<80x128xi32, #tpu.memory_space<vmem>>) target_semaphore(%run_scoped3A : memref<!tpu.dma_semaphore, #tpu.memory_space<semaphore_mem>>)
        %dma_wait3A_187 = arith.constant 80 : i32
        %dma_wait3A_188 = arith.constant 0 : i32
        %dma_wait3A_189 = tpu.memref_slice %arg4[%arg1, %dma_wait3A_187, %dma_wait3A_188] : memref<16x160x128xi32, #tpu.memory_space<hbm>> -> memref<1x80x128xi32, #tpu.memory_space<hbm>>
        %dma_wait3A_190 = tpu.memref_squeeze %dma_wait3A_189 : memref<1x80x128xi32, #tpu.memory_space<hbm>> -> memref<80x128xi32, #tpu.memory_space<hbm>>
        %dma_wait3A_191 = arith.constant 80 : i32
        %dma_wait3A_192 = arith.constant 0 : i32
        %dma_wait3A_193 = tpu.memref_slice %arg4[%arg1, %dma_wait3A_191, %dma_wait3A_192] : memref<16x160x128xi32, #tpu.memory_space<hbm>> -> memref<1x80x128xi32, #tpu.memory_space<hbm>>
        %dma_wait3A_194 = tpu.memref_squeeze %dma_wait3A_193 : memref<1x80x128xi32, #tpu.memory_space<hbm>> -> memref<80x128xi32, #tpu.memory_space<hbm>>
        tpu.wait_dma2 semaphore(%run_scoped3A : memref<!tpu.dma_semaphore, #tpu.memory_space<semaphore_mem>>) src(%dma_wait3A_194 : memref<80x128xi32, #tpu.memory_space<hbm>>) dst(%arg8 : memref<80x128xi32, #tpu.memory_space<vmem>>)
        tpu.yield
      }) : () -> ()
      %dma_start3A_87 = arith.constant 80 : i32
      %dma_start3A_88 = arith.constant 0 : i32
      %dma_start3A_89 = arith.constant 0 : i32
      %dma_start3A_90 = arith.constant 0 : i32
      %dma_start3A_91 = tpu.memref_slice %arg7[%dma_start3A_88, %dma_start3A_90] : memref<2x128xi32, #tpu.memory_space<vmem>> -> memref<1x128xi32, #tpu.memory_space<vmem>>
      %dma_start3A_92 = tpu.memref_squeeze %dma_start3A_91 : memref<1x128xi32, #tpu.memory_space<vmem>> -> memref<128xi32, #tpu.memory_space<vmem>>
      %dma_start3A_93 = arith.constant 0 : i32
      %dma_start3A_94 = tpu.memref_slice %arg3[%arg1, %dma_start3A_87, %dma_start3A_93] : memref<16x160x128xi32, #tpu.memory_space<hbm>> -> memref<1x1x128xi32, #tpu.memory_space<hbm>>
      %dma_start3A_95 = tpu.memref_squeeze %dma_start3A_94 : memref<1x1x128xi32, #tpu.memory_space<hbm>> -> memref<128xi32, #tpu.memory_space<hbm>>
      %dma_start3A_96 = tpu.memref_slice %arg10[%dma_start3A_89] : memref<2x!tpu.dma_semaphore, #tpu.memory_space<semaphore_mem>> -> memref<1x!tpu.dma_semaphore, #tpu.memory_space<semaphore_mem>>
      %dma_start3A_97 = tpu.memref_squeeze %dma_start3A_96 : memref<1x!tpu.dma_semaphore, #tpu.memory_space<semaphore_mem>> -> memref<!tpu.dma_semaphore, #tpu.memory_space<semaphore_mem>>
      %dma_start3A_98 = arith.constant 0 : i32
      %dma_start3A_99 = tpu.memref_slice %arg7[%dma_start3A_88, %dma_start3A_98] : memref<2x128xi32, #tpu.memory_space<vmem>> -> memref<1x128xi32, #tpu.memory_space<vmem>>
      %dma_start3A_100 = tpu.memref_squeeze %dma_start3A_99 : memref<1x128xi32, #tpu.memory_space<vmem>> -> memref<128xi32, #tpu.memory_space<vmem>>
      %dma_start3A_101 = arith.constant 0 : i32
      %dma_start3A_102 = tpu.memref_slice %arg3[%arg1, %dma_start3A_87, %dma_start3A_101] : memref<16x160x128xi32, #tpu.memory_space<hbm>> -> memref<1x1x128xi32, #tpu.memory_space<hbm>>
      %dma_start3A_103 = tpu.memref_squeeze %dma_start3A_102 : memref<1x1x128xi32, #tpu.memory_space<hbm>> -> memref<128xi32, #tpu.memory_space<hbm>>
      tpu.enqueue_dma source(%dma_start3A_103 : memref<128xi32, #tpu.memory_space<hbm>>) target(%dma_start3A_100 : memref<128xi32, #tpu.memory_space<vmem>>) target_semaphore(%dma_start3A_97 : memref<!tpu.dma_semaphore, #tpu.memory_space<semaphore_mem>>)
      %dma_start3A_104 = arith.constant 81 : i32
      %dma_start3A_105 = arith.constant 1 : i32
      %dma_start3A_106 = arith.constant 1 : i32
      %dma_start3A_107 = arith.constant 0 : i32
      %dma_start3A_108 = tpu.memref_slice %arg7[%dma_start3A_105, %dma_start3A_107] : memref<2x128xi32, #tpu.memory_space<vmem>> -> memref<1x128xi32, #tpu.memory_space<vmem>>
      %dma_start3A_109 = tpu.memref_squeeze %dma_start3A_108 : memref<1x128xi32, #tpu.memory_space<vmem>> -> memref<128xi32, #tpu.memory_space<vmem>>
      %dma_start3A_110 = arith.constant 0 : i32
      %dma_start3A_111 = tpu.memref_slice %arg3[%arg1, %dma_start3A_104, %dma_start3A_110] : memref<16x160x128xi32, #tpu.memory_space<hbm>> -> memref<1x1x128xi32, #tpu.memory_space<hbm>>
      %dma_start3A_112 = tpu.memref_squeeze %dma_start3A_111 : memref<1x1x128xi32, #tpu.memory_space<hbm>> -> memref<128xi32, #tpu.memory_space<hbm>>
      %dma_start3A_113 = tpu.memref_slice %arg10[%dma_start3A_106] : memref<2x!tpu.dma_semaphore, #tpu.memory_space<semaphore_mem>> -> memref<1x!tpu.dma_semaphore, #tpu.memory_space<semaphore_mem>>
      %dma_start3A_114 = tpu.memref_squeeze %dma_start3A_113 : memref<1x!tpu.dma_semaphore, #tpu.memory_space<semaphore_mem>> -> memref<!tpu.dma_semaphore, #tpu.memory_space<semaphore_mem>>
      %dma_start3A_115 = arith.constant 0 : i32
      %dma_start3A_116 = tpu.memref_slice %arg7[%dma_start3A_105, %dma_start3A_115] : memref<2x128xi32, #tpu.memory_space<vmem>> -> memref<1x128xi32, #tpu.memory_space<vmem>>
      %dma_start3A_117 = tpu.memref_squeeze %dma_start3A_116 : memref<1x128xi32, #tpu.memory_space<vmem>> -> memref<128xi32, #tpu.memory_space<vmem>>
      %dma_start3A_118 = arith.constant 0 : i32
      %dma_start3A_119 = tpu.memref_slice %arg3[%arg1, %dma_start3A_104, %dma_start3A_118] : memref<16x160x128xi32, #tpu.memory_space<hbm>> -> memref<1x1x128xi32, #tpu.memory_space<hbm>>
      %dma_start3A_120 = tpu.memref_squeeze %dma_start3A_119 : memref<1x1x128xi32, #tpu.memory_space<hbm>> -> memref<128xi32, #tpu.memory_space<hbm>>
      tpu.enqueue_dma source(%dma_start3A_120 : memref<128xi32, #tpu.memory_space<hbm>>) target(%dma_start3A_117 : memref<128xi32, #tpu.memory_space<vmem>>) target_semaphore(%dma_start3A_114 : memref<!tpu.dma_semaphore, #tpu.memory_space<semaphore_mem>>)
      %dma_wait3A_121 = arith.constant 80 : i32
      %dma_wait3A_122 = arith.constant 0 : i32
      %dma_wait3A_123 = arith.constant 0 : i32
      %dma_wait3A_124 = arith.constant 0 : i32
      %dma_wait3A_125 = tpu.memref_slice %arg7[%dma_wait3A_122, %dma_wait3A_124] : memref<2x128xi32, #tpu.memory_space<vmem>> -> memref<1x128xi32, #tpu.memory_space<vmem>>
      %dma_wait3A_126 = tpu.memref_squeeze %dma_wait3A_125 : memref<1x128xi32, #tpu.memory_space<vmem>> -> memref<128xi32, #tpu.memory_space<vmem>>
      %dma_wait3A_127 = arith.constant 0 : i32
      %dma_wait3A_128 = tpu.memref_slice %arg3[%arg1, %dma_wait3A_121, %dma_wait3A_127] : memref<16x160x128xi32, #tpu.memory_space<hbm>> -> memref<1x1x128xi32, #tpu.memory_space<hbm>>
      %dma_wait3A_129 = tpu.memref_squeeze %dma_wait3A_128 : memref<1x1x128xi32, #tpu.memory_space<hbm>> -> memref<128xi32, #tpu.memory_space<hbm>>
      %dma_wait3A_130 = tpu.memref_slice %arg10[%dma_wait3A_123] : memref<2x!tpu.dma_semaphore, #tpu.memory_space<semaphore_mem>> -> memref<1x!tpu.dma_semaphore, #tpu.memory_space<semaphore_mem>>
      %dma_wait3A_131 = tpu.memref_squeeze %dma_wait3A_130 : memref<1x!tpu.dma_semaphore, #tpu.memory_space<semaphore_mem>> -> memref<!tpu.dma_semaphore, #tpu.memory_space<semaphore_mem>>
      %dma_wait3A_132 = arith.constant 0 : i32
      %dma_wait3A_133 = tpu.memref_slice %arg7[%dma_wait3A_122, %dma_wait3A_132] : memref<2x128xi32, #tpu.memory_space<vmem>> -> memref<1x128xi32, #tpu.memory_space<vmem>>
      %dma_wait3A_134 = tpu.memref_squeeze %dma_wait3A_133 : memref<1x128xi32, #tpu.memory_space<vmem>> -> memref<128xi32, #tpu.memory_space<vmem>>
      %dma_wait3A_135 = arith.constant 0 : i32
      %dma_wait3A_136 = tpu.memref_slice %arg3[%arg1, %dma_wait3A_121, %dma_wait3A_135] : memref<16x160x128xi32, #tpu.memory_space<hbm>> -> memref<1x1x128xi32, #tpu.memory_space<hbm>>
      %dma_wait3A_137 = tpu.memref_squeeze %dma_wait3A_136 : memref<1x1x128xi32, #tpu.memory_space<hbm>> -> memref<128xi32, #tpu.memory_space<hbm>>
      tpu.wait_dma2 semaphore(%dma_wait3A_131 : memref<!tpu.dma_semaphore, #tpu.memory_space<semaphore_mem>>) src(%dma_wait3A_137 : memref<128xi32, #tpu.memory_space<hbm>>) dst(%dma_wait3A_134 : memref<128xi32, #tpu.memory_space<vmem>>)
      %dma_start3A_138 = arith.constant 0 : i32
      %dma_start3A_139 = arith.constant 0 : i32
      %dma_start3A_140 = arith.constant 0 : i32
      %dma_start3A_141 = arith.constant 0 : i32
      %dma_start3A_142 = arith.constant 0 : i32
      %dma_start3A_143 = tpu.memref_slice %arg9[%dma_start3A_139, %dma_start3A_141, %dma_start3A_142] : memref<2x128x128xf32, #tpu.memory_space<vmem>> -> memref<1x128x128xf32, #tpu.memory_space<vmem>>
      %dma_start3A_144 = tpu.memref_squeeze %dma_start3A_143 : memref<1x128x128xf32, #tpu.memory_space<vmem>> -> memref<128x128xf32, #tpu.memory_space<vmem>>
      %dma_start3A_145 = arith.constant 0 : i32
      %dma_start3A_146 = tpu.memref_slice %arg7[%dma_start3A_138, %dma_start3A_145] : memref<2x128xi32, #tpu.memory_space<vmem>> -> memref<1x128xi32, #tpu.memory_space<vmem>>
      %dma_start3A_147 = tpu.memref_squeeze %dma_start3A_146 : memref<1x128xi32, #tpu.memory_space<vmem>> -> memref<128xi32, #tpu.memory_space<vmem>>
      %dma_start3A_148 = arith.constant 0 : i32
      %dma_start3A_149 = arith.constant 0 : i32
      %dma_start3A_150 = tpu.memref_slice %arg2[%dma_start3A_148, %dma_start3A_149] : memref<10000x128xf32, #tpu.memory_space<hbm>> -> memref<10000x128xf32, #tpu.memory_space<hbm>>
      %dma_start3A_151 = tpu.memref_slice %arg11[%dma_start3A_140] : memref<2x!tpu.dma_semaphore, #tpu.memory_space<semaphore_mem>> -> memref<1x!tpu.dma_semaphore, #tpu.memory_space<semaphore_mem>>
      %dma_start3A_152 = tpu.memref_squeeze %dma_start3A_151 : memref<1x!tpu.dma_semaphore, #tpu.memory_space<semaphore_mem>> -> memref<!tpu.dma_semaphore, #tpu.memory_space<semaphore_mem>>
      tpu.enqueue_indirect_dma source(%dma_start3A_150 : memref<10000x128xf32, #tpu.memory_space<hbm>>) target(%dma_start3A_144 : memref<128x128xf32, #tpu.memory_space<vmem>>) offsets(%dma_start3A_147 : memref<128xi32, #tpu.memory_space<vmem>>) semaphore(%dma_start3A_152 : memref<!tpu.dma_semaphore, #tpu.memory_space<semaphore_mem>>)
      %scan3A_153 = arith.constant 0 : i32
      %scan3A_154 = arith.constant 0 : i32
      %scan3A_155 = arith.constant 40 : i32
      %scan3A_156 = arith.addi %scan3A_154, %scan3A_155 : i32
      %scan3A_157 = arith.constant 1 : i32
      scf.for %scan3A_179 = %scan3A_154 to %scan3A_156 step %scan3A_157  : i32 {
        %mul3A_180 = arith.constant 2 : i32
        %mul3A_181 = arith.muli %scan3A_179, %mul3A_180 : i32
        %add3A = arith.constant 0 : i32
        %add3A_182 = arith.addi %mul3A_181, %add3A : i32
        %ge3A = arith.constant 1 : i32
        %ge3A_183 = arith.cmpi sge, %add3A_182, %ge3A : i32
        %convert_element_type3A_184 = arith.extui %ge3A_183 : i1 to i32
        %cond3A_185 = arith.constant 0 : i32
        %cond3A_186 = arith.cmpi ne, %convert_element_type3A_184, %cond3A_185 : i32
        scf.if %cond3A_186 {
          %sub3A = arith.constant 1 : i32
          %sub3A_281 = arith.subi %add3A_182, %sub3A : i32
          %dma_wait3A_282 = arith.constant 1 : i32
          %dma_wait3A_283 = arith.constant 1 : i32
          %dma_wait3A_284 = arith.constant 0 : i32
          %dma_wait3A_285 = arith.constant 0 : i32
          %dma_wait3A_286 = tpu.memref_slice %arg9[%dma_wait3A_282, %dma_wait3A_284, %dma_wait3A_285] : memref<2x128x128xf32, #tpu.memory_space<vmem>> -> memref<1x128x128xf32, #tpu.memory_space<vmem>>
          %dma_wait3A_287 = tpu.memref_squeeze %dma_wait3A_286 : memref<1x128x128xf32, #tpu.memory_space<vmem>> -> memref<128x128xf32, #tpu.memory_space<vmem>>
          %dma_wait3A_288 = arith.constant 0 : i32
          %dma_wait3A_289 = tpu.memref_slice %arg8[%sub3A_281, %dma_wait3A_288] : memref<80x128xi32, #tpu.memory_space<vmem>> -> memref<1x128xi32, #tpu.memory_space<vmem>>
          %dma_wait3A_290 = tpu.memref_squeeze %dma_wait3A_289 : memref<1x128xi32, #tpu.memory_space<vmem>> -> memref<128xi32, #tpu.memory_space<vmem>>
          %dma_wait3A_291 = arith.constant 0 : i32
          %dma_wait3A_292 = arith.constant 0 : i32
          %dma_wait3A_293 = tpu.memref_slice %arg13[%dma_wait3A_291, %dma_wait3A_292] : memref<10112x128xf32, #tpu.memory_space<vmem_shared>> -> memref<10112x128xf32, #tpu.memory_space<vmem_shared>>
          %dma_wait3A_294 = tpu.memref_slice %arg12[%dma_wait3A_283] : memref<2x!tpu.dma_semaphore, #tpu.memory_space<semaphore_mem>> -> memref<1x!tpu.dma_semaphore, #tpu.memory_space<semaphore_mem>>
          %dma_wait3A_295 = tpu.memref_squeeze %dma_wait3A_294 : memref<1x!tpu.dma_semaphore, #tpu.memory_space<semaphore_mem>> -> memref<!tpu.dma_semaphore, #tpu.memory_space<semaphore_mem>>
          tpu.wait_indirect_dma semaphore(%dma_wait3A_295 : memref<!tpu.dma_semaphore, #tpu.memory_space<semaphore_mem>>) src(%dma_wait3A_287 : memref<128x128xf32, #tpu.memory_space<vmem>>) dst(%dma_wait3A_293 : memref<10112x128xf32, #tpu.memory_space<vmem_shared>>)
        } else {
        }
        %add3A_187 = arith.constant 1 : i32
        %add3A_188 = arith.addi %add3A_182, %add3A_187 : i32
        %lt3A = arith.constant 80 : i32
        %lt3A_189 = arith.cmpi slt, %add3A_188, %lt3A : i32
        %convert_element_type3A_190 = arith.extui %lt3A_189 : i1 to i32
        %cond3A_191 = arith.constant 0 : i32
        %cond3A_192 = arith.cmpi ne, %convert_element_type3A_190, %cond3A_191 : i32
        scf.if %cond3A_192 {
          %add3A_281 = arith.constant 80 : i32
          %add3A_282 = arith.addi %add3A_281, %add3A_182 : i32
          %add3A_283 = arith.constant 1 : i32
          %add3A_284 = arith.addi %add3A_282, %add3A_283 : i32
          %dma_wait3A_285 = arith.constant 1 : i32
          %dma_wait3A_286 = arith.constant 1 : i32
          %dma_wait3A_287 = arith.constant 0 : i32
          %dma_wait3A_288 = tpu.memref_slice %arg7[%dma_wait3A_285, %dma_wait3A_287] : memref<2x128xi32, #tpu.memory_space<vmem>> -> memref<1x128xi32, #tpu.memory_space<vmem>>
          %dma_wait3A_289 = tpu.memref_squeeze %dma_wait3A_288 : memref<1x128xi32, #tpu.memory_space<vmem>> -> memref<128xi32, #tpu.memory_space<vmem>>
          %dma_wait3A_290 = arith.constant 0 : i32
          %dma_wait3A_291 = tpu.memref_slice %arg3[%arg1, %add3A_284, %dma_wait3A_290] : memref<16x160x128xi32, #tpu.memory_space<hbm>> -> memref<1x1x128xi32, #tpu.memory_space<hbm>>
          %dma_wait3A_292 = tpu.memref_squeeze %dma_wait3A_291 : memref<1x1x128xi32, #tpu.memory_space<hbm>> -> memref<128xi32, #tpu.memory_space<hbm>>
          %dma_wait3A_293 = tpu.memref_slice %arg10[%dma_wait3A_286] : memref<2x!tpu.dma_semaphore, #tpu.memory_space<semaphore_mem>> -> memref<1x!tpu.dma_semaphore, #tpu.memory_space<semaphore_mem>>
          %dma_wait3A_294 = tpu.memref_squeeze %dma_wait3A_293 : memref<1x!tpu.dma_semaphore, #tpu.memory_space<semaphore_mem>> -> memref<!tpu.dma_semaphore, #tpu.memory_space<semaphore_mem>>
          %dma_wait3A_295 = arith.constant 0 : i32
          %dma_wait3A_296 = tpu.memref_slice %arg7[%dma_wait3A_285, %dma_wait3A_295] : memref<2x128xi32, #tpu.memory_space<vmem>> -> memref<1x128xi32, #tpu.memory_space<vmem>>
          %dma_wait3A_297 = tpu.memref_squeeze %dma_wait3A_296 : memref<1x128xi32, #tpu.memory_space<vmem>> -> memref<128xi32, #tpu.memory_space<vmem>>
          %dma_wait3A_298 = arith.constant 0 : i32
          %dma_wait3A_299 = tpu.memref_slice %arg3[%arg1, %add3A_284, %dma_wait3A_298] : memref<16x160x128xi32, #tpu.memory_space<hbm>> -> memref<1x1x128xi32, #tpu.memory_space<hbm>>
          %dma_wait3A_300 = tpu.memref_squeeze %dma_wait3A_299 : memref<1x1x128xi32, #tpu.memory_space<hbm>> -> memref<128xi32, #tpu.memory_space<hbm>>
          tpu.wait_dma2 semaphore(%dma_wait3A_294 : memref<!tpu.dma_semaphore, #tpu.memory_space<semaphore_mem>>) src(%dma_wait3A_300 : memref<128xi32, #tpu.memory_space<hbm>>) dst(%dma_wait3A_297 : memref<128xi32, #tpu.memory_space<vmem>>)
          %dma_start3A_301 = arith.constant 1 : i32
          %dma_start3A_302 = arith.constant 1 : i32
          %dma_start3A_303 = arith.constant 1 : i32
          %dma_start3A_304 = arith.constant 0 : i32
          %dma_start3A_305 = arith.constant 0 : i32
          %dma_start3A_306 = tpu.memref_slice %arg9[%dma_start3A_302, %dma_start3A_304, %dma_start3A_305] : memref<2x128x128xf32, #tpu.memory_space<vmem>> -> memref<1x128x128xf32, #tpu.memory_space<vmem>>
          %dma_start3A_307 = tpu.memref_squeeze %dma_start3A_306 : memref<1x128x128xf32, #tpu.memory_space<vmem>> -> memref<128x128xf32, #tpu.memory_space<vmem>>
          %dma_start3A_308 = arith.constant 0 : i32
          %dma_start3A_309 = tpu.memref_slice %arg7[%dma_start3A_301, %dma_start3A_308] : memref<2x128xi32, #tpu.memory_space<vmem>> -> memref<1x128xi32, #tpu.memory_space<vmem>>
          %dma_start3A_310 = tpu.memref_squeeze %dma_start3A_309 : memref<1x128xi32, #tpu.memory_space<vmem>> -> memref<128xi32, #tpu.memory_space<vmem>>
          %dma_start3A_311 = arith.constant 0 : i32
          %dma_start3A_312 = arith.constant 0 : i32
          %dma_start3A_313 = tpu.memref_slice %arg2[%dma_start3A_311, %dma_start3A_312] : memref<10000x128xf32, #tpu.memory_space<hbm>> -> memref<10000x128xf32, #tpu.memory_space<hbm>>
          %dma_start3A_314 = tpu.memref_slice %arg11[%dma_start3A_303] : memref<2x!tpu.dma_semaphore, #tpu.memory_space<semaphore_mem>> -> memref<1x!tpu.dma_semaphore, #tpu.memory_space<semaphore_mem>>
          %dma_start3A_315 = tpu.memref_squeeze %dma_start3A_314 : memref<1x!tpu.dma_semaphore, #tpu.memory_space<semaphore_mem>> -> memref<!tpu.dma_semaphore, #tpu.memory_space<semaphore_mem>>
          tpu.enqueue_indirect_dma source(%dma_start3A_313 : memref<10000x128xf32, #tpu.memory_space<hbm>>) target(%dma_start3A_307 : memref<128x128xf32, #tpu.memory_space<vmem>>) offsets(%dma_start3A_310 : memref<128xi32, #tpu.memory_space<vmem>>) semaphore(%dma_start3A_315 : memref<!tpu.dma_semaphore, #tpu.memory_space<semaphore_mem>>)
        } else {
        }
        %dma_wait3A_193 = arith.constant 0 : i32
        %dma_wait3A_194 = arith.constant 0 : i32
        %dma_wait3A_195 = arith.constant 0 : i32
        %dma_wait3A_196 = arith.constant 0 : i32
        %dma_wait3A_197 = arith.constant 0 : i32
        %dma_wait3A_198 = tpu.memref_slice %arg9[%dma_wait3A_194, %dma_wait3A_196, %dma_wait3A_197] : memref<2x128x128xf32, #tpu.memory_space<vmem>> -> memref<1x128x128xf32, #tpu.memory_space<vmem>>
        %dma_wait3A_199 = tpu.memref_squeeze %dma_wait3A_198 : memref<1x128x128xf32, #tpu.memory_space<vmem>> -> memref<128x128xf32, #tpu.memory_space<vmem>>
        %dma_wait3A_200 = arith.constant 0 : i32
        %dma_wait3A_201 = tpu.memref_slice %arg7[%dma_wait3A_193, %dma_wait3A_200] : memref<2x128xi32, #tpu.memory_space<vmem>> -> memref<1x128xi32, #tpu.memory_space<vmem>>
        %dma_wait3A_202 = tpu.memref_squeeze %dma_wait3A_201 : memref<1x128xi32, #tpu.memory_space<vmem>> -> memref<128xi32, #tpu.memory_space<vmem>>
        %dma_wait3A_203 = arith.constant 0 : i32
        %dma_wait3A_204 = arith.constant 0 : i32
        %dma_wait3A_205 = tpu.memref_slice %arg2[%dma_wait3A_203, %dma_wait3A_204] : memref<10000x128xf32, #tpu.memory_space<hbm>> -> memref<10000x128xf32, #tpu.memory_space<hbm>>
        %dma_wait3A_206 = tpu.memref_slice %arg11[%dma_wait3A_195] : memref<2x!tpu.dma_semaphore, #tpu.memory_space<semaphore_mem>> -> memref<1x!tpu.dma_semaphore, #tpu.memory_space<semaphore_mem>>
        %dma_wait3A_207 = tpu.memref_squeeze %dma_wait3A_206 : memref<1x!tpu.dma_semaphore, #tpu.memory_space<semaphore_mem>> -> memref<!tpu.dma_semaphore, #tpu.memory_space<semaphore_mem>>
        tpu.wait_indirect_dma semaphore(%dma_wait3A_207 : memref<!tpu.dma_semaphore, #tpu.memory_space<semaphore_mem>>) src(%dma_wait3A_205 : memref<10000x128xf32, #tpu.memory_space<hbm>>) dst(%dma_wait3A_199 : memref<128x128xf32, #tpu.memory_space<vmem>>)
        %dma_start3A_208 = arith.constant 0 : i32
        %dma_start3A_209 = arith.constant 0 : i32
        %dma_start3A_210 = arith.constant 0 : i32
        %dma_start3A_211 = arith.constant 0 : i32
        %dma_start3A_212 = tpu.memref_slice %arg9[%dma_start3A_208, %dma_start3A_210, %dma_start3A_211] : memref<2x128x128xf32, #tpu.memory_space<vmem>> -> memref<1x128x128xf32, #tpu.memory_space<vmem>>
        %dma_start3A_213 = tpu.memref_squeeze %dma_start3A_212 : memref<1x128x128xf32, #tpu.memory_space<vmem>> -> memref<128x128xf32, #tpu.memory_space<vmem>>
        %dma_start3A_214 = arith.constant 0 : i32
        %dma_start3A_215 = tpu.memref_slice %arg8[%add3A_182, %dma_start3A_214] : memref<80x128xi32, #tpu.memory_space<vmem>> -> memref<1x128xi32, #tpu.memory_space<vmem>>
        %dma_start3A_216 = tpu.memref_squeeze %dma_start3A_215 : memref<1x128xi32, #tpu.memory_space<vmem>> -> memref<128xi32, #tpu.memory_space<vmem>>
        %dma_start3A_217 = arith.constant 0 : i32
        %dma_start3A_218 = arith.constant 0 : i32
        %dma_start3A_219 = tpu.memref_slice %arg13[%dma_start3A_217, %dma_start3A_218] : memref<10112x128xf32, #tpu.memory_space<vmem_shared>> -> memref<10112x128xf32, #tpu.memory_space<vmem_shared>>
        %dma_start3A_220 = tpu.memref_slice %arg12[%dma_start3A_209] : memref<2x!tpu.dma_semaphore, #tpu.memory_space<semaphore_mem>> -> memref<1x!tpu.dma_semaphore, #tpu.memory_space<semaphore_mem>>
        %dma_start3A_221 = tpu.memref_squeeze %dma_start3A_220 : memref<1x!tpu.dma_semaphore, #tpu.memory_space<semaphore_mem>> -> memref<!tpu.dma_semaphore, #tpu.memory_space<semaphore_mem>>
        tpu.enqueue_indirect_dma source(%dma_start3A_213 : memref<128x128xf32, #tpu.memory_space<vmem>>) target(%dma_start3A_219 : memref<10112x128xf32, #tpu.memory_space<vmem_shared>>) offsets(%dma_start3A_216 : memref<128xi32, #tpu.memory_space<vmem>>) semaphore(%dma_start3A_221 : memref<!tpu.dma_semaphore, #tpu.memory_space<semaphore_mem>>) {add = true}
        %add3A_222 = arith.constant 2 : i32
        %add3A_223 = arith.addi %add3A_182, %add3A_222 : i32
        %lt3A_224 = arith.constant 80 : i32
        %lt3A_225 = arith.cmpi slt, %add3A_223, %lt3A_224 : i32
        %convert_element_type3A_226 = arith.extui %lt3A_225 : i1 to i32
        %cond3A_227 = arith.constant 0 : i32
        %cond3A_228 = arith.cmpi ne, %convert_element_type3A_226, %cond3A_227 : i32
        scf.if %cond3A_228 {
          %add3A_281 = arith.constant 80 : i32
          %add3A_282 = arith.addi %add3A_281, %add3A_182 : i32
          %add3A_283 = arith.constant 2 : i32
          %add3A_284 = arith.addi %add3A_282, %add3A_283 : i32
          %dma_start3A_285 = arith.constant 0 : i32
          %dma_start3A_286 = arith.constant 0 : i32
          %dma_start3A_287 = arith.constant 0 : i32
          %dma_start3A_288 = tpu.memref_slice %arg7[%dma_start3A_285, %dma_start3A_287] : memref<2x128xi32, #tpu.memory_space<vmem>> -> memref<1x128xi32, #tpu.memory_space<vmem>>
          %dma_start3A_289 = tpu.memref_squeeze %dma_start3A_288 : memref<1x128xi32, #tpu.memory_space<vmem>> -> memref<128xi32, #tpu.memory_space<vmem>>
          %dma_start3A_290 = arith.constant 0 : i32
          %dma_start3A_291 = tpu.memref_slice %arg3[%arg1, %add3A_284, %dma_start3A_290] : memref<16x160x128xi32, #tpu.memory_space<hbm>> -> memref<1x1x128xi32, #tpu.memory_space<hbm>>
          %dma_start3A_292 = tpu.memref_squeeze %dma_start3A_291 : memref<1x1x128xi32, #tpu.memory_space<hbm>> -> memref<128xi32, #tpu.memory_space<hbm>>
          %dma_start3A_293 = tpu.memref_slice %arg10[%dma_start3A_286] : memref<2x!tpu.dma_semaphore, #tpu.memory_space<semaphore_mem>> -> memref<1x!tpu.dma_semaphore, #tpu.memory_space<semaphore_mem>>
          %dma_start3A_294 = tpu.memref_squeeze %dma_start3A_293 : memref<1x!tpu.dma_semaphore, #tpu.memory_space<semaphore_mem>> -> memref<!tpu.dma_semaphore, #tpu.memory_space<semaphore_mem>>
          %dma_start3A_295 = arith.constant 0 : i32
          %dma_start3A_296 = tpu.memref_slice %arg7[%dma_start3A_285, %dma_start3A_295] : memref<2x128xi32, #tpu.memory_space<vmem>> -> memref<1x128xi32, #tpu.memory_space<vmem>>
          %dma_start3A_297 = tpu.memref_squeeze %dma_start3A_296 : memref<1x128xi32, #tpu.memory_space<vmem>> -> memref<128xi32, #tpu.memory_space<vmem>>
          %dma_start3A_298 = arith.constant 0 : i32
          %dma_start3A_299 = tpu.memref_slice %arg3[%arg1, %add3A_284, %dma_start3A_298] : memref<16x160x128xi32, #tpu.memory_space<hbm>> -> memref<1x1x128xi32, #tpu.memory_space<hbm>>
          %dma_start3A_300 = tpu.memref_squeeze %dma_start3A_299 : memref<1x1x128xi32, #tpu.memory_space<hbm>> -> memref<128xi32, #tpu.memory_space<hbm>>
          tpu.enqueue_dma source(%dma_start3A_300 : memref<128xi32, #tpu.memory_space<hbm>>) target(%dma_start3A_297 : memref<128xi32, #tpu.memory_space<vmem>>) target_semaphore(%dma_start3A_294 : memref<!tpu.dma_semaphore, #tpu.memory_space<semaphore_mem>>)
        } else {
        }
        %mul3A_229 = arith.constant 2 : i32
        %mul3A_230 = arith.muli %scan3A_179, %mul3A_229 : i32
        %add3A_231 = arith.constant 1 : i32
        %add3A_232 = arith.addi %mul3A_230, %add3A_231 : i32
        %ge3A_233 = arith.constant 1 : i32
        %ge3A_234 = arith.cmpi sge, %add3A_232, %ge3A_233 : i32
        %convert_element_type3A_235 = arith.extui %ge3A_234 : i1 to i32
        %cond3A_236 = arith.constant 0 : i32
        %cond3A_237 = arith.cmpi ne, %convert_element_type3A_235, %cond3A_236 : i32
        scf.if %cond3A_237 {
          %sub3A = arith.constant 1 : i32
          %sub3A_281 = arith.subi %add3A_232, %sub3A : i32
          %dma_wait3A_282 = arith.constant 0 : i32
          %dma_wait3A_283 = arith.constant 0 : i32
          %dma_wait3A_284 = arith.constant 0 : i32
          %dma_wait3A_285 = arith.constant 0 : i32
          %dma_wait3A_286 = tpu.memref_slice %arg9[%dma_wait3A_282, %dma_wait3A_284, %dma_wait3A_285] : memref<2x128x128xf32, #tpu.memory_space<vmem>> -> memref<1x128x128xf32, #tpu.memory_space<vmem>>
          %dma_wait3A_287 = tpu.memref_squeeze %dma_wait3A_286 : memref<1x128x128xf32, #tpu.memory_space<vmem>> -> memref<128x128xf32, #tpu.memory_space<vmem>>
          %dma_wait3A_288 = arith.constant 0 : i32
          %dma_wait3A_289 = tpu.memref_slice %arg8[%sub3A_281, %dma_wait3A_288] : memref<80x128xi32, #tpu.memory_space<vmem>> -> memref<1x128xi32, #tpu.memory_space<vmem>>
          %dma_wait3A_290 = tpu.memref_squeeze %dma_wait3A_289 : memref<1x128xi32, #tpu.memory_space<vmem>> -> memref<128xi32, #tpu.memory_space<vmem>>
          %dma_wait3A_291 = arith.constant 0 : i32
          %dma_wait3A_292 = arith.constant 0 : i32
          %dma_wait3A_293 = tpu.memref_slice %arg13[%dma_wait3A_291, %dma_wait3A_292] : memref<10112x128xf32, #tpu.memory_space<vmem_shared>> -> memref<10112x128xf32, #tpu.memory_space<vmem_shared>>
          %dma_wait3A_294 = tpu.memref_slice %arg12[%dma_wait3A_283] : memref<2x!tpu.dma_semaphore, #tpu.memory_space<semaphore_mem>> -> memref<1x!tpu.dma_semaphore, #tpu.memory_space<semaphore_mem>>
          %dma_wait3A_295 = tpu.memref_squeeze %dma_wait3A_294 : memref<1x!tpu.dma_semaphore, #tpu.memory_space<semaphore_mem>> -> memref<!tpu.dma_semaphore, #tpu.memory_space<semaphore_mem>>
          tpu.wait_indirect_dma semaphore(%dma_wait3A_295 : memref<!tpu.dma_semaphore, #tpu.memory_space<semaphore_mem>>) src(%dma_wait3A_287 : memref<128x128xf32, #tpu.memory_space<vmem>>) dst(%dma_wait3A_293 : memref<10112x128xf32, #tpu.memory_space<vmem_shared>>)
        } else {
        }
        %add3A_238 = arith.constant 1 : i32
        %add3A_239 = arith.addi %add3A_232, %add3A_238 : i32
        %lt3A_240 = arith.constant 80 : i32
        %lt3A_241 = arith.cmpi slt, %add3A_239, %lt3A_240 : i32
        %convert_element_type3A_242 = arith.extui %lt3A_241 : i1 to i32
        %cond3A_243 = arith.constant 0 : i32
        %cond3A_244 = arith.cmpi ne, %convert_element_type3A_242, %cond3A_243 : i32
        scf.if %cond3A_244 {
          %add3A_281 = arith.constant 80 : i32
          %add3A_282 = arith.addi %add3A_281, %add3A_232 : i32
          %add3A_283 = arith.constant 1 : i32
          %add3A_284 = arith.addi %add3A_282, %add3A_283 : i32
          %dma_wait3A_285 = arith.constant 0 : i32
          %dma_wait3A_286 = arith.constant 0 : i32
          %dma_wait3A_287 = arith.constant 0 : i32
          %dma_wait3A_288 = tpu.memref_slice %arg7[%dma_wait3A_285, %dma_wait3A_287] : memref<2x128xi32, #tpu.memory_space<vmem>> -> memref<1x128xi32, #tpu.memory_space<vmem>>
          %dma_wait3A_289 = tpu.memref_squeeze %dma_wait3A_288 : memref<1x128xi32, #tpu.memory_space<vmem>> -> memref<128xi32, #tpu.memory_space<vmem>>
          %dma_wait3A_290 = arith.constant 0 : i32
          %dma_wait3A_291 = tpu.memref_slice %arg3[%arg1, %add3A_284, %dma_wait3A_290] : memref<16x160x128xi32, #tpu.memory_space<hbm>> -> memref<1x1x128xi32, #tpu.memory_space<hbm>>
          %dma_wait3A_292 = tpu.memref_squeeze %dma_wait3A_291 : memref<1x1x128xi32, #tpu.memory_space<hbm>> -> memref<128xi32, #tpu.memory_space<hbm>>
          %dma_wait3A_293 = tpu.memref_slice %arg10[%dma_wait3A_286] : memref<2x!tpu.dma_semaphore, #tpu.memory_space<semaphore_mem>> -> memref<1x!tpu.dma_semaphore, #tpu.memory_space<semaphore_mem>>
          %dma_wait3A_294 = tpu.memref_squeeze %dma_wait3A_293 : memref<1x!tpu.dma_semaphore, #tpu.memory_space<semaphore_mem>> -> memref<!tpu.dma_semaphore, #tpu.memory_space<semaphore_mem>>
          %dma_wait3A_295 = arith.constant 0 : i32
          %dma_wait3A_296 = tpu.memref_slice %arg7[%dma_wait3A_285, %dma_wait3A_295] : memref<2x128xi32, #tpu.memory_space<vmem>> -> memref<1x128xi32, #tpu.memory_space<vmem>>
          %dma_wait3A_297 = tpu.memref_squeeze %dma_wait3A_296 : memref<1x128xi32, #tpu.memory_space<vmem>> -> memref<128xi32, #tpu.memory_space<vmem>>
          %dma_wait3A_298 = arith.constant 0 : i32
          %dma_wait3A_299 = tpu.memref_slice %arg3[%arg1, %add3A_284, %dma_wait3A_298] : memref<16x160x128xi32, #tpu.memory_space<hbm>> -> memref<1x1x128xi32, #tpu.memory_space<hbm>>
          %dma_wait3A_300 = tpu.memref_squeeze %dma_wait3A_299 : memref<1x1x128xi32, #tpu.memory_space<hbm>> -> memref<128xi32, #tpu.memory_space<hbm>>
          tpu.wait_dma2 semaphore(%dma_wait3A_294 : memref<!tpu.dma_semaphore, #tpu.memory_space<semaphore_mem>>) src(%dma_wait3A_300 : memref<128xi32, #tpu.memory_space<hbm>>) dst(%dma_wait3A_297 : memref<128xi32, #tpu.memory_space<vmem>>)
          %dma_start3A_301 = arith.constant 0 : i32
          %dma_start3A_302 = arith.constant 0 : i32
          %dma_start3A_303 = arith.constant 0 : i32
          %dma_start3A_304 = arith.constant 0 : i32
          %dma_start3A_305 = arith.constant 0 : i32
          %dma_start3A_306 = tpu.memref_slice %arg9[%dma_start3A_302, %dma_start3A_304, %dma_start3A_305] : memref<2x128x128xf32, #tpu.memory_space<vmem>> -> memref<1x128x128xf32, #tpu.memory_space<vmem>>
          %dma_start3A_307 = tpu.memref_squeeze %dma_start3A_306 : memref<1x128x128xf32, #tpu.memory_space<vmem>> -> memref<128x128xf32, #tpu.memory_space<vmem>>
          %dma_start3A_308 = arith.constant 0 : i32
          %dma_start3A_309 = tpu.memref_slice %arg7[%dma_start3A_301, %dma_start3A_308] : memref<2x128xi32, #tpu.memory_space<vmem>> -> memref<1x128xi32, #tpu.memory_space<vmem>>
          %dma_start3A_310 = tpu.memref_squeeze %dma_start3A_309 : memref<1x128xi32, #tpu.memory_space<vmem>> -> memref<128xi32, #tpu.memory_space<vmem>>
          %dma_start3A_311 = arith.constant 0 : i32
          %dma_start3A_312 = arith.constant 0 : i32
          %dma_start3A_313 = tpu.memref_slice %arg2[%dma_start3A_311, %dma_start3A_312] : memref<10000x128xf32, #tpu.memory_space<hbm>> -> memref<10000x128xf32, #tpu.memory_space<hbm>>
          %dma_start3A_314 = tpu.memref_slice %arg11[%dma_start3A_303] : memref<2x!tpu.dma_semaphore, #tpu.memory_space<semaphore_mem>> -> memref<1x!tpu.dma_semaphore, #tpu.memory_space<semaphore_mem>>
          %dma_start3A_315 = tpu.memref_squeeze %dma_start3A_314 : memref<1x!tpu.dma_semaphore, #tpu.memory_space<semaphore_mem>> -> memref<!tpu.dma_semaphore, #tpu.memory_space<semaphore_mem>>
          tpu.enqueue_indirect_dma source(%dma_start3A_313 : memref<10000x128xf32, #tpu.memory_space<hbm>>) target(%dma_start3A_307 : memref<128x128xf32, #tpu.memory_space<vmem>>) offsets(%dma_start3A_310 : memref<128xi32, #tpu.memory_space<vmem>>) semaphore(%dma_start3A_315 : memref<!tpu.dma_semaphore, #tpu.memory_space<semaphore_mem>>)
        } else {
        }
        %dma_wait3A_245 = arith.constant 1 : i32
        %dma_wait3A_246 = arith.constant 1 : i32
        %dma_wait3A_247 = arith.constant 1 : i32
        %dma_wait3A_248 = arith.constant 0 : i32
        %dma_wait3A_249 = arith.constant 0 : i32
        %dma_wait3A_250 = tpu.memref_slice %arg9[%dma_wait3A_246, %dma_wait3A_248, %dma_wait3A_249] : memref<2x128x128xf32, #tpu.memory_space<vmem>> -> memref<1x128x128xf32, #tpu.memory_space<vmem>>
        %dma_wait3A_251 = tpu.memref_squeeze %dma_wait3A_250 : memref<1x128x128xf32, #tpu.memory_space<vmem>> -> memref<128x128xf32, #tpu.memory_space<vmem>>
        %dma_wait3A_252 = arith.constant 0 : i32
        %dma_wait3A_253 = tpu.memref_slice %arg7[%dma_wait3A_245, %dma_wait3A_252] : memref<2x128xi32, #tpu.memory_space<vmem>> -> memref<1x128xi32, #tpu.memory_space<vmem>>
        %dma_wait3A_254 = tpu.memref_squeeze %dma_wait3A_253 : memref<1x128xi32, #tpu.memory_space<vmem>> -> memref<128xi32, #tpu.memory_space<vmem>>
        %dma_wait3A_255 = arith.constant 0 : i32
        %dma_wait3A_256 = arith.constant 0 : i32
        %dma_wait3A_257 = tpu.memref_slice %arg2[%dma_wait3A_255, %dma_wait3A_256] : memref<10000x128xf32, #tpu.memory_space<hbm>> -> memref<10000x128xf32, #tpu.memory_space<hbm>>
        %dma_wait3A_258 = tpu.memref_slice %arg11[%dma_wait3A_247] : memref<2x!tpu.dma_semaphore, #tpu.memory_space<semaphore_mem>> -> memref<1x!tpu.dma_semaphore, #tpu.memory_space<semaphore_mem>>
        %dma_wait3A_259 = tpu.memref_squeeze %dma_wait3A_258 : memref<1x!tpu.dma_semaphore, #tpu.memory_space<semaphore_mem>> -> memref<!tpu.dma_semaphore, #tpu.memory_space<semaphore_mem>>
        tpu.wait_indirect_dma semaphore(%dma_wait3A_259 : memref<!tpu.dma_semaphore, #tpu.memory_space<semaphore_mem>>) src(%dma_wait3A_257 : memref<10000x128xf32, #tpu.memory_space<hbm>>) dst(%dma_wait3A_251 : memref<128x128xf32, #tpu.memory_space<vmem>>)
        %dma_start3A_260 = arith.constant 1 : i32
        %dma_start3A_261 = arith.constant 1 : i32
        %dma_start3A_262 = arith.constant 0 : i32
        %dma_start3A_263 = arith.constant 0 : i32
        %dma_start3A_264 = tpu.memref_slice %arg9[%dma_start3A_260, %dma_start3A_262, %dma_start3A_263] : memref<2x128x128xf32, #tpu.memory_space<vmem>> -> memref<1x128x128xf32, #tpu.memory_space<vmem>>
        %dma_start3A_265 = tpu.memref_squeeze %dma_start3A_264 : memref<1x128x128xf32, #tpu.memory_space<vmem>> -> memref<128x128xf32, #tpu.memory_space<vmem>>
        %dma_start3A_266 = arith.constant 0 : i32
        %dma_start3A_267 = tpu.memref_slice %arg8[%add3A_232, %dma_start3A_266] : memref<80x128xi32, #tpu.memory_space<vmem>> -> memref<1x128xi32, #tpu.memory_space<vmem>>
        %dma_start3A_268 = tpu.memref_squeeze %dma_start3A_267 : memref<1x128xi32, #tpu.memory_space<vmem>> -> memref<128xi32, #tpu.memory_space<vmem>>
        %dma_start3A_269 = arith.constant 0 : i32
        %dma_start3A_270 = arith.constant 0 : i32
        %dma_start3A_271 = tpu.memref_slice %arg13[%dma_start3A_269, %dma_start3A_270] : memref<10112x128xf32, #tpu.memory_space<vmem_shared>> -> memref<10112x128xf32, #tpu.memory_space<vmem_shared>>
        %dma_start3A_272 = tpu.memref_slice %arg12[%dma_start3A_261] : memref<2x!tpu.dma_semaphore, #tpu.memory_space<semaphore_mem>> -> memref<1x!tpu.dma_semaphore, #tpu.memory_space<semaphore_mem>>
        %dma_start3A_273 = tpu.memref_squeeze %dma_start3A_272 : memref<1x!tpu.dma_semaphore, #tpu.memory_space<semaphore_mem>> -> memref<!tpu.dma_semaphore, #tpu.memory_space<semaphore_mem>>
        tpu.enqueue_indirect_dma source(%dma_start3A_265 : memref<128x128xf32, #tpu.memory_space<vmem>>) target(%dma_start3A_271 : memref<10112x128xf32, #tpu.memory_space<vmem_shared>>) offsets(%dma_start3A_268 : memref<128xi32, #tpu.memory_space<vmem>>) semaphore(%dma_start3A_273 : memref<!tpu.dma_semaphore, #tpu.memory_space<semaphore_mem>>) {add = true}
        %add3A_274 = arith.constant 2 : i32
        %add3A_275 = arith.addi %add3A_232, %add3A_274 : i32
        %lt3A_276 = arith.constant 80 : i32
        %lt3A_277 = arith.cmpi slt, %add3A_275, %lt3A_276 : i32
        %convert_element_type3A_278 = arith.extui %lt3A_277 : i1 to i32
        %cond3A_279 = arith.constant 0 : i32
        %cond3A_280 = arith.cmpi ne, %convert_element_type3A_278, %cond3A_279 : i32
        scf.if %cond3A_280 {
          %add3A_281 = arith.constant 80 : i32
          %add3A_282 = arith.addi %add3A_281, %add3A_232 : i32
          %add3A_283 = arith.constant 2 : i32
          %add3A_284 = arith.addi %add3A_282, %add3A_283 : i32
          %dma_start3A_285 = arith.constant 1 : i32
          %dma_start3A_286 = arith.constant 1 : i32
          %dma_start3A_287 = arith.constant 0 : i32
          %dma_start3A_288 = tpu.memref_slice %arg7[%dma_start3A_285, %dma_start3A_287] : memref<2x128xi32, #tpu.memory_space<vmem>> -> memref<1x128xi32, #tpu.memory_space<vmem>>
          %dma_start3A_289 = tpu.memref_squeeze %dma_start3A_288 : memref<1x128xi32, #tpu.memory_space<vmem>> -> memref<128xi32, #tpu.memory_space<vmem>>
          %dma_start3A_290 = arith.constant 0 : i32
          %dma_start3A_291 = tpu.memref_slice %arg3[%arg1, %add3A_284, %dma_start3A_290] : memref<16x160x128xi32, #tpu.memory_space<hbm>> -> memref<1x1x128xi32, #tpu.memory_space<hbm>>
          %dma_start3A_292 = tpu.memref_squeeze %dma_start3A_291 : memref<1x1x128xi32, #tpu.memory_space<hbm>> -> memref<128xi32, #tpu.memory_space<hbm>>
          %dma_start3A_293 = tpu.memref_slice %arg10[%dma_start3A_286] : memref<2x!tpu.dma_semaphore, #tpu.memory_space<semaphore_mem>> -> memref<1x!tpu.dma_semaphore, #tpu.memory_space<semaphore_mem>>
          %dma_start3A_294 = tpu.memref_squeeze %dma_start3A_293 : memref<1x!tpu.dma_semaphore, #tpu.memory_space<semaphore_mem>> -> memref<!tpu.dma_semaphore, #tpu.memory_space<semaphore_mem>>
          %dma_start3A_295 = arith.constant 0 : i32
          %dma_start3A_296 = tpu.memref_slice %arg7[%dma_start3A_285, %dma_start3A_295] : memref<2x128xi32, #tpu.memory_space<vmem>> -> memref<1x128xi32, #tpu.memory_space<vmem>>
          %dma_start3A_297 = tpu.memref_squeeze %dma_start3A_296 : memref<1x128xi32, #tpu.memory_space<vmem>> -> memref<128xi32, #tpu.memory_space<vmem>>
          %dma_start3A_298 = arith.constant 0 : i32
          %dma_start3A_299 = tpu.memref_slice %arg3[%arg1, %add3A_284, %dma_start3A_298] : memref<16x160x128xi32, #tpu.memory_space<hbm>> -> memref<1x1x128xi32, #tpu.memory_space<hbm>>
          %dma_start3A_300 = tpu.memref_squeeze %dma_start3A_299 : memref<1x1x128xi32, #tpu.memory_space<hbm>> -> memref<128xi32, #tpu.memory_space<hbm>>
          tpu.enqueue_dma source(%dma_start3A_300 : memref<128xi32, #tpu.memory_space<hbm>>) target(%dma_start3A_297 : memref<128xi32, #tpu.memory_space<vmem>>) target_semaphore(%dma_start3A_294 : memref<!tpu.dma_semaphore, #tpu.memory_space<semaphore_mem>>)
        } else {
        }
      }
      %scan3A_158 = arith.constant 40 : i32
      %dma_wait3A_159 = arith.constant 1 : i32
      %dma_wait3A_160 = arith.constant 79 : i32
      %dma_wait3A_161 = arith.constant 1 : i32
      %dma_wait3A_162 = arith.constant 0 : i32
      %dma_wait3A_163 = arith.constant 0 : i32
      %dma_wait3A_164 = tpu.memref_slice %arg9[%dma_wait3A_159, %dma_wait3A_162, %dma_wait3A_163] : memref<2x128x128xf32, #tpu.memory_space<vmem>> -> memref<1x128x128xf32, #tpu.memory_space<vmem>>
      %dma_wait3A_165 = tpu.memref_squeeze %dma_wait3A_164 : memref<1x128x128xf32, #tpu.memory_space<vmem>> -> memref<128x128xf32, #tpu.memory_space<vmem>>
      %dma_wait3A_166 = arith.constant 0 : i32
      %dma_wait3A_167 = tpu.memref_slice %arg8[%dma_wait3A_160, %dma_wait3A_166] : memref<80x128xi32, #tpu.memory_space<vmem>> -> memref<1x128xi32, #tpu.memory_space<vmem>>
      %dma_wait3A_168 = tpu.memref_squeeze %dma_wait3A_167 : memref<1x128xi32, #tpu.memory_space<vmem>> -> memref<128xi32, #tpu.memory_space<vmem>>
      %dma_wait3A_169 = arith.constant 0 : i32
      %dma_wait3A_170 = arith.constant 0 : i32
      %dma_wait3A_171 = tpu.memref_slice %arg13[%dma_wait3A_169, %dma_wait3A_170] : memref<10112x128xf32, #tpu.memory_space<vmem_shared>> -> memref<10112x128xf32, #tpu.memory_space<vmem_shared>>
      %dma_wait3A_172 = tpu.memref_slice %arg12[%dma_wait3A_161] : memref<2x!tpu.dma_semaphore, #tpu.memory_space<semaphore_mem>> -> memref<1x!tpu.dma_semaphore, #tpu.memory_space<semaphore_mem>>
      %dma_wait3A_173 = tpu.memref_squeeze %dma_wait3A_172 : memref<1x!tpu.dma_semaphore, #tpu.memory_space<semaphore_mem>> -> memref<!tpu.dma_semaphore, #tpu.memory_space<semaphore_mem>>
      tpu.wait_indirect_dma semaphore(%dma_wait3A_173 : memref<!tpu.dma_semaphore, #tpu.memory_space<semaphore_mem>>) src(%dma_wait3A_165 : memref<128x128xf32, #tpu.memory_space<vmem>>) dst(%dma_wait3A_171 : memref<10112x128xf32, #tpu.memory_space<vmem_shared>>)
      %barrier3A_174 = arith.constant 0 : index
      tpu.barrier barrier_id(%barrier3A_174)
      %mul3A_175 = arith.constant 632 : i32
      %mul3A_176 = arith.muli %arg1, %mul3A_175 : i32
      %mul3A_177 = arith.constant 632 : i32
      %mul3A_178 = arith.muli %arg1, %mul3A_177 : i32
      "tpu.region"() ({
        %run_scoped3A = tpu.sem_alloc : memref<!tpu.dma_semaphore, #tpu.memory_space<semaphore_mem>>
        %dma_start3A_179 = arith.constant 0 : i32
        %dma_start3A_180 = tpu.memref_slice %arg6[%mul3A_178, %dma_start3A_179] : memref<10112x128xf32, #tpu.memory_space<hbm>> -> memref<632x128xf32, #tpu.memory_space<hbm>>
        %dma_start3A_181 = arith.constant 0 : i32
        %dma_start3A_182 = tpu.memref_slice %arg13[%mul3A_176, %dma_start3A_181] : memref<10112x128xf32, #tpu.memory_space<vmem_shared>> -> memref<632x128xf32, #tpu.memory_space<vmem_shared>>
        tpu.enqueue_dma source(%dma_start3A_182 : memref<632x128xf32, #tpu.memory_space<vmem_shared>>) target(%dma_start3A_180 : memref<632x128xf32, #tpu.memory_space<hbm>>) target_semaphore(%run_scoped3A : memref<!tpu.dma_semaphore, #tpu.memory_space<semaphore_mem>>)
        %dma_wait3A_183 = arith.constant 0 : i32
        %dma_wait3A_184 = tpu.memref_slice %arg6[%mul3A_178, %dma_wait3A_183] : memref<10112x128xf32, #tpu.memory_space<hbm>> -> memref<632x128xf32, #tpu.memory_space<hbm>>
        %dma_wait3A_185 = arith.constant 0 : i32
        %dma_wait3A_186 = tpu.memref_slice %arg13[%mul3A_176, %dma_wait3A_185] : memref<10112x128xf32, #tpu.memory_space<vmem_shared>> -> memref<632x128xf32, #tpu.memory_space<vmem_shared>>
        tpu.wait_dma2 semaphore(%run_scoped3A : memref<!tpu.dma_semaphore, #tpu.memory_space<semaphore_mem>>) src(%dma_wait3A_186 : memref<632x128xf32, #tpu.memory_space<vmem_shared>>) dst(%dma_wait3A_184 : memref<632x128xf32, #tpu.memory_space<hbm>>)
        tpu.yield
      }) : () -> ()
    } else {
    }
    return
  }
}

#map = affine_map<(d0, d1) -> (0, 0)>
#map1 = affine_map<(d0, d1) -> (0, 0, 0)>
module attributes {stable_mosaic.version = 14 : i64} {
  func.func @_sc_spmm(%arg0: i32, %arg1: i32, %arg2: memref<10000x128xf32, #tpu.memory_space<hbm>>, %arg3: memref<16x160x128xi32, #tpu.memory_space<hbm>>, %arg4: memref<16x160x128xi32, #tpu.memory_space<hbm>>, %arg5: memref<632x128xf32, #tpu.memory_space<hbm>>, %arg6: memref<10112x128xf32, #tpu.memory_space<hbm>>, %arg7: memref<2x128xi32, #tpu.memory_space<vmem>>, %arg8: memref<80x128xi32, #tpu.memory_space<vmem>>, %arg9: memref<2x128x128xf32, #tpu.memory_space<vmem>>, %arg10: memref<2x!tpu.dma_semaphore, #tpu.memory_space<semaphore_mem>>, %arg11: memref<2x!tpu.dma_semaphore, #tpu.memory_space<semaphore_mem>>, %arg12: memref<2x!tpu.dma_semaphore, #tpu.memory_space<semaphore_mem>>, %arg13: memref<10112x128xf32, #tpu.memory_space<vmem_shared>>) attributes {dimension_semantics = [#tpu.dimension_semantics<core_parallel>, #tpu.dimension_semantics<subcore_parallel>], iteration_bounds = array<i64: 2, 16>, scalar_prefetch = 0 : i64, scratch_operands = 7 : i64, tpu.core_type = #tpu.core_type<sc_vector_subcore>, window_params = [{transform_indices = #map}, {transform_indices = #map1}, {transform_indices = #map1}, {transform_indices = #map}, {transform_indices = #map}]} {
    %eq3A = arith.constant 0 : i32
    %eq3A_0 = arith.cmpi eq, %arg0, %eq3A : i32
    %convert_element_type3A = arith.extui %eq3A_0 : i1 to i32
    %cond3A = arith.constant 0 : i32
    %cond3A_1 = arith.cmpi ne, %convert_element_type3A, %cond3A : i32
    scf.if %cond3A_1 {
      %mul3A = arith.constant 632 : i32
      %mul3A_2 = arith.muli %arg1, %mul3A : i32
      "tpu.region"() ({
        %run_scoped3A = tpu.sem_alloc : memref<!tpu.dma_semaphore, #tpu.memory_space<semaphore_mem>>
        %dma_start3A_179 = arith.constant 0 : i32
        %dma_start3A_180 = tpu.memref_slice %arg13[%mul3A_2, %dma_start3A_179] : memref<10112x128xf32, #tpu.memory_space<vmem_shared>> -> memref<632x128xf32, #tpu.memory_space<vmem_shared>>
        tpu.enqueue_dma source(%arg5 : memref<632x128xf32, #tpu.memory_space<hbm>>) target(%dma_start3A_180 : memref<632x128xf32, #tpu.memory_space<vmem_shared>>) target_semaphore(%run_scoped3A : memref<!tpu.dma_semaphore, #tpu.memory_space<semaphore_mem>>)
        %dma_wait3A_181 = arith.constant 0 : i32
        %dma_wait3A_182 = tpu.memref_slice %arg13[%mul3A_2, %dma_wait3A_181] : memref<10112x128xf32, #tpu.memory_space<vmem_shared>> -> memref<632x128xf32, #tpu.memory_space<vmem_shared>>
        tpu.wait_dma2 semaphore(%run_scoped3A : memref<!tpu.dma_semaphore, #tpu.memory_space<semaphore_mem>>) src(%arg5 : memref<632x128xf32, #tpu.memory_space<hbm>>) dst(%dma_wait3A_182 : memref<632x128xf32, #tpu.memory_space<vmem_shared>>)
        tpu.yield
      }) : () -> ()
      %barrier3A = arith.constant 0 : index
      tpu.barrier barrier_id(%barrier3A)
      "tpu.region"() ({
        %run_scoped3A = tpu.sem_alloc : memref<!tpu.dma_semaphore, #tpu.memory_space<semaphore_mem>>
        %dma_start3A_179 = arith.constant 0 : i32
        %dma_start3A_180 = arith.constant 0 : i32
        %dma_start3A_181 = tpu.memref_slice %arg4[%arg1, %dma_start3A_179, %dma_start3A_180] : memref<16x160x128xi32, #tpu.memory_space<hbm>> -> memref<1x80x128xi32, #tpu.memory_space<hbm>>
        %dma_start3A_182 = tpu.memref_squeeze %dma_start3A_181 : memref<1x80x128xi32, #tpu.memory_space<hbm>> -> memref<80x128xi32, #tpu.memory_space<hbm>>
        %dma_start3A_183 = arith.constant 0 : i32
        %dma_start3A_184 = arith.constant 0 : i32
        %dma_start3A_185 = tpu.memref_slice %arg4[%arg1, %dma_start3A_183, %dma_start3A_184] : memref<16x160x128xi32, #tpu.memory_space<hbm>> -> memref<1x80x128xi32, #tpu.memory_space<hbm>>
        %dma_start3A_186 = tpu.memref_squeeze %dma_start3A_185 : memref<1x80x128xi32, #tpu.memory_space<hbm>> -> memref<80x128xi32, #tpu.memory_space<hbm>>
        tpu.enqueue_dma source(%dma_start3A_186 : memref<80x128xi32, #tpu.memory_space<hbm>>) target(%arg8 : memref<80x128xi32, #tpu.memory_space<vmem>>) target_semaphore(%run_scoped3A : memref<!tpu.dma_semaphore, #tpu.memory_space<semaphore_mem>>)
        %dma_wait3A_187 = arith.constant 0 : i32
        %dma_wait3A_188 = arith.constant 0 : i32
        %dma_wait3A_189 = tpu.memref_slice %arg4[%arg1, %dma_wait3A_187, %dma_wait3A_188] : memref<16x160x128xi32, #tpu.memory_space<hbm>> -> memref<1x80x128xi32, #tpu.memory_space<hbm>>
        %dma_wait3A_190 = tpu.memref_squeeze %dma_wait3A_189 : memref<1x80x128xi32, #tpu.memory_space<hbm>> -> memref<80x128xi32, #tpu.memory_space<hbm>>
        %dma_wait3A_191 = arith.constant 0 : i32
        %dma_wait3A_192 = arith.constant 0 : i32
        %dma_wait3A_193 = tpu.memref_slice %arg4[%arg1, %dma_wait3A_191, %dma_wait3A_192] : memref<16x160x128xi32, #tpu.memory_space<hbm>> -> memref<1x80x128xi32, #tpu.memory_space<hbm>>
        %dma_wait3A_194 = tpu.memref_squeeze %dma_wait3A_193 : memref<1x80x128xi32, #tpu.memory_space<hbm>> -> memref<80x128xi32, #tpu.memory_space<hbm>>
        tpu.wait_dma2 semaphore(%run_scoped3A : memref<!tpu.dma_semaphore, #tpu.memory_space<semaphore_mem>>) src(%dma_wait3A_194 : memref<80x128xi32, #tpu.memory_space<hbm>>) dst(%arg8 : memref<80x128xi32, #tpu.memory_space<vmem>>)
        tpu.yield
      }) : () -> ()
      %dma_start3A = arith.constant 0 : i32
      %dma_start3A_3 = arith.constant 0 : i32
      %dma_start3A_4 = arith.constant 0 : i32
      %dma_start3A_5 = arith.constant 0 : i32
      %dma_start3A_6 = tpu.memref_slice %arg7[%dma_start3A_3, %dma_start3A_5] : memref<2x128xi32, #tpu.memory_space<vmem>> -> memref<1x128xi32, #tpu.memory_space<vmem>>
      %dma_start3A_7 = tpu.memref_squeeze %dma_start3A_6 : memref<1x128xi32, #tpu.memory_space<vmem>> -> memref<128xi32, #tpu.memory_space<vmem>>
      %dma_start3A_8 = arith.constant 0 : i32
      %dma_start3A_9 = tpu.memref_slice %arg3[%arg1, %dma_start3A, %dma_start3A_8] : memref<16x160x128xi32, #tpu.memory_space<hbm>> -> memref<1x1x128xi32, #tpu.memory_space<hbm>>
      %dma_start3A_10 = tpu.memref_squeeze %dma_start3A_9 : memref<1x1x128xi32, #tpu.memory_space<hbm>> -> memref<128xi32, #tpu.memory_space<hbm>>
      %dma_start3A_11 = tpu.memref_slice %arg10[%dma_start3A_4] : memref<2x!tpu.dma_semaphore, #tpu.memory_space<semaphore_mem>> -> memref<1x!tpu.dma_semaphore, #tpu.memory_space<semaphore_mem>>
      %dma_start3A_12 = tpu.memref_squeeze %dma_start3A_11 : memref<1x!tpu.dma_semaphore, #tpu.memory_space<semaphore_mem>> -> memref<!tpu.dma_semaphore, #tpu.memory_space<semaphore_mem>>
      %dma_start3A_13 = arith.constant 0 : i32
      %dma_start3A_14 = tpu.memref_slice %arg7[%dma_start3A_3, %dma_start3A_13] : memref<2x128xi32, #tpu.memory_space<vmem>> -> memref<1x128xi32, #tpu.memory_space<vmem>>
      %dma_start3A_15 = tpu.memref_squeeze %dma_start3A_14 : memref<1x128xi32, #tpu.memory_space<vmem>> -> memref<128xi32, #tpu.memory_space<vmem>>
      %dma_start3A_16 = arith.constant 0 : i32
      %dma_start3A_17 = tpu.memref_slice %arg3[%arg1, %dma_start3A, %dma_start3A_16] : memref<16x160x128xi32, #tpu.memory_space<hbm>> -> memref<1x1x128xi32, #tpu.memory_space<hbm>>
      %dma_start3A_18 = tpu.memref_squeeze %dma_start3A_17 : memref<1x1x128xi32, #tpu.memory_space<hbm>> -> memref<128xi32, #tpu.memory_space<hbm>>
      tpu.enqueue_dma source(%dma_start3A_18 : memref<128xi32, #tpu.memory_space<hbm>>) target(%dma_start3A_15 : memref<128xi32, #tpu.memory_space<vmem>>) target_semaphore(%dma_start3A_12 : memref<!tpu.dma_semaphore, #tpu.memory_space<semaphore_mem>>)
      %dma_start3A_19 = arith.constant 1 : i32
      %dma_start3A_20 = arith.constant 1 : i32
      %dma_start3A_21 = arith.constant 1 : i32
      %dma_start3A_22 = arith.constant 0 : i32
      %dma_start3A_23 = tpu.memref_slice %arg7[%dma_start3A_20, %dma_start3A_22] : memref<2x128xi32, #tpu.memory_space<vmem>> -> memref<1x128xi32, #tpu.memory_space<vmem>>
      %dma_start3A_24 = tpu.memref_squeeze %dma_start3A_23 : memref<1x128xi32, #tpu.memory_space<vmem>> -> memref<128xi32, #tpu.memory_space<vmem>>
      %dma_start3A_25 = arith.constant 0 : i32
      %dma_start3A_26 = tpu.memref_slice %arg3[%arg1, %dma_start3A_19, %dma_start3A_25] : memref<16x160x128xi32, #tpu.memory_space<hbm>> -> memref<1x1x128xi32, #tpu.memory_space<hbm>>
      %dma_start3A_27 = tpu.memref_squeeze %dma_start3A_26 : memref<1x1x128xi32, #tpu.memory_space<hbm>> -> memref<128xi32, #tpu.memory_space<hbm>>
      %dma_start3A_28 = tpu.memref_slice %arg10[%dma_start3A_21] : memref<2x!tpu.dma_semaphore, #tpu.memory_space<semaphore_mem>> -> memref<1x!tpu.dma_semaphore, #tpu.memory_space<semaphore_mem>>
      %dma_start3A_29 = tpu.memref_squeeze %dma_start3A_28 : memref<1x!tpu.dma_semaphore, #tpu.memory_space<semaphore_mem>> -> memref<!tpu.dma_semaphore, #tpu.memory_space<semaphore_mem>>
      %dma_start3A_30 = arith.constant 0 : i32
      %dma_start3A_31 = tpu.memref_slice %arg7[%dma_start3A_20, %dma_start3A_30] : memref<2x128xi32, #tpu.memory_space<vmem>> -> memref<1x128xi32, #tpu.memory_space<vmem>>
      %dma_start3A_32 = tpu.memref_squeeze %dma_start3A_31 : memref<1x128xi32, #tpu.memory_space<vmem>> -> memref<128xi32, #tpu.memory_space<vmem>>
      %dma_start3A_33 = arith.constant 0 : i32
      %dma_start3A_34 = tpu.memref_slice %arg3[%arg1, %dma_start3A_19, %dma_start3A_33] : memref<16x160x128xi32, #tpu.memory_space<hbm>> -> memref<1x1x128xi32, #tpu.memory_space<hbm>>
      %dma_start3A_35 = tpu.memref_squeeze %dma_start3A_34 : memref<1x1x128xi32, #tpu.memory_space<hbm>> -> memref<128xi32, #tpu.memory_space<hbm>>
      tpu.enqueue_dma source(%dma_start3A_35 : memref<128xi32, #tpu.memory_space<hbm>>) target(%dma_start3A_32 : memref<128xi32, #tpu.memory_space<vmem>>) target_semaphore(%dma_start3A_29 : memref<!tpu.dma_semaphore, #tpu.memory_space<semaphore_mem>>)
      %dma_wait3A = arith.constant 0 : i32
      %dma_wait3A_36 = arith.constant 0 : i32
      %dma_wait3A_37 = arith.constant 0 : i32
      %dma_wait3A_38 = arith.constant 0 : i32
      %dma_wait3A_39 = tpu.memref_slice %arg7[%dma_wait3A_36, %dma_wait3A_38] : memref<2x128xi32, #tpu.memory_space<vmem>> -> memref<1x128xi32, #tpu.memory_space<vmem>>
      %dma_wait3A_40 = tpu.memref_squeeze %dma_wait3A_39 : memref<1x128xi32, #tpu.memory_space<vmem>> -> memref<128xi32, #tpu.memory_space<vmem>>
      %dma_wait3A_41 = arith.constant 0 : i32
      %dma_wait3A_42 = tpu.memref_slice %arg3[%arg1, %dma_wait3A, %dma_wait3A_41] : memref<16x160x128xi32, #tpu.memory_space<hbm>> -> memref<1x1x128xi32, #tpu.memory_space<hbm>>
      %dma_wait3A_43 = tpu.memref_squeeze %dma_wait3A_42 : memref<1x1x128xi32, #tpu.memory_space<hbm>> -> memref<128xi32, #tpu.memory_space<hbm>>
      %dma_wait3A_44 = tpu.memref_slice %arg10[%dma_wait3A_37] : memref<2x!tpu.dma_semaphore, #tpu.memory_space<semaphore_mem>> -> memref<1x!tpu.dma_semaphore, #tpu.memory_space<semaphore_mem>>
      %dma_wait3A_45 = tpu.memref_squeeze %dma_wait3A_44 : memref<1x!tpu.dma_semaphore, #tpu.memory_space<semaphore_mem>> -> memref<!tpu.dma_semaphore, #tpu.memory_space<semaphore_mem>>
      %dma_wait3A_46 = arith.constant 0 : i32
      %dma_wait3A_47 = tpu.memref_slice %arg7[%dma_wait3A_36, %dma_wait3A_46] : memref<2x128xi32, #tpu.memory_space<vmem>> -> memref<1x128xi32, #tpu.memory_space<vmem>>
      %dma_wait3A_48 = tpu.memref_squeeze %dma_wait3A_47 : memref<1x128xi32, #tpu.memory_space<vmem>> -> memref<128xi32, #tpu.memory_space<vmem>>
      %dma_wait3A_49 = arith.constant 0 : i32
      %dma_wait3A_50 = tpu.memref_slice %arg3[%arg1, %dma_wait3A, %dma_wait3A_49] : memref<16x160x128xi32, #tpu.memory_space<hbm>> -> memref<1x1x128xi32, #tpu.memory_space<hbm>>
      %dma_wait3A_51 = tpu.memref_squeeze %dma_wait3A_50 : memref<1x1x128xi32, #tpu.memory_space<hbm>> -> memref<128xi32, #tpu.memory_space<hbm>>
      tpu.wait_dma2 semaphore(%dma_wait3A_45 : memref<!tpu.dma_semaphore, #tpu.memory_space<semaphore_mem>>) src(%dma_wait3A_51 : memref<128xi32, #tpu.memory_space<hbm>>) dst(%dma_wait3A_48 : memref<128xi32, #tpu.memory_space<vmem>>)
      %dma_start3A_52 = arith.constant 0 : i32
      %dma_start3A_53 = arith.constant 0 : i32
      %dma_start3A_54 = arith.constant 0 : i32
      %dma_start3A_55 = arith.constant 0 : i32
      %dma_start3A_56 = arith.constant 0 : i32
      %dma_start3A_57 = tpu.memref_slice %arg9[%dma_start3A_53, %dma_start3A_55, %dma_start3A_56] : memref<2x128x128xf32, #tpu.memory_space<vmem>> -> memref<1x128x128xf32, #tpu.memory_space<vmem>>
      %dma_start3A_58 = tpu.memref_squeeze %dma_start3A_57 : memref<1x128x128xf32, #tpu.memory_space<vmem>> -> memref<128x128xf32, #tpu.memory_space<vmem>>
      %dma_start3A_59 = arith.constant 0 : i32
      %dma_start3A_60 = tpu.memref_slice %arg7[%dma_start3A_52, %dma_start3A_59] : memref<2x128xi32, #tpu.memory_space<vmem>> -> memref<1x128xi32, #tpu.memory_space<vmem>>
      %dma_start3A_61 = tpu.memref_squeeze %dma_start3A_60 : memref<1x128xi32, #tpu.memory_space<vmem>> -> memref<128xi32, #tpu.memory_space<vmem>>
      %dma_start3A_62 = arith.constant 0 : i32
      %dma_start3A_63 = arith.constant 0 : i32
      %dma_start3A_64 = tpu.memref_slice %arg2[%dma_start3A_62, %dma_start3A_63] : memref<10000x128xf32, #tpu.memory_space<hbm>> -> memref<10000x128xf32, #tpu.memory_space<hbm>>
      %dma_start3A_65 = tpu.memref_slice %arg11[%dma_start3A_54] : memref<2x!tpu.dma_semaphore, #tpu.memory_space<semaphore_mem>> -> memref<1x!tpu.dma_semaphore, #tpu.memory_space<semaphore_mem>>
      %dma_start3A_66 = tpu.memref_squeeze %dma_start3A_65 : memref<1x!tpu.dma_semaphore, #tpu.memory_space<semaphore_mem>> -> memref<!tpu.dma_semaphore, #tpu.memory_space<semaphore_mem>>
      tpu.enqueue_indirect_dma source(%dma_start3A_64 : memref<10000x128xf32, #tpu.memory_space<hbm>>) target(%dma_start3A_58 : memref<128x128xf32, #tpu.memory_space<vmem>>) offsets(%dma_start3A_61 : memref<128xi32, #tpu.memory_space<vmem>>) semaphore(%dma_start3A_66 : memref<!tpu.dma_semaphore, #tpu.memory_space<semaphore_mem>>)
      %scan3A = arith.constant 0 : i32
      %scan3A_67 = arith.constant 0 : i32
      %scan3A_68 = arith.constant 40 : i32
      %scan3A_69 = arith.addi %scan3A_67, %scan3A_68 : i32
      %scan3A_70 = arith.constant 1 : i32
      scf.for %scan3A_179 = %scan3A_67 to %scan3A_69 step %scan3A_70  : i32 {
        %mul3A_180 = arith.constant 2 : i32
        %mul3A_181 = arith.muli %scan3A_179, %mul3A_180 : i32
        %add3A = arith.constant 0 : i32
        %add3A_182 = arith.addi %mul3A_181, %add3A : i32
        %ge3A = arith.constant 1 : i32
        %ge3A_183 = arith.cmpi sge, %add3A_182, %ge3A : i32
        %convert_element_type3A_184 = arith.extui %ge3A_183 : i1 to i32
        %cond3A_185 = arith.constant 0 : i32
        %cond3A_186 = arith.cmpi ne, %convert_element_type3A_184, %cond3A_185 : i32
        scf.if %cond3A_186 {
          %sub3A = arith.constant 1 : i32
          %sub3A_281 = arith.subi %add3A_182, %sub3A : i32
          %dma_wait3A_282 = arith.constant 1 : i32
          %dma_wait3A_283 = arith.constant 1 : i32
          %dma_wait3A_284 = arith.constant 0 : i32
          %dma_wait3A_285 = arith.constant 0 : i32
          %dma_wait3A_286 = tpu.memref_slice %arg9[%dma_wait3A_282, %dma_wait3A_284, %dma_wait3A_285] : memref<2x128x128xf32, #tpu.memory_space<vmem>> -> memref<1x128x128xf32, #tpu.memory_space<vmem>>
          %dma_wait3A_287 = tpu.memref_squeeze %dma_wait3A_286 : memref<1x128x128xf32, #tpu.memory_space<vmem>> -> memref<128x128xf32, #tpu.memory_space<vmem>>
          %dma_wait3A_288 = arith.constant 0 : i32
          %dma_wait3A_289 = tpu.memref_slice %arg8[%sub3A_281, %dma_wait3A_288] : memref<80x128xi32, #tpu.memory_space<vmem>> -> memref<1x128xi32, #tpu.memory_space<vmem>>
          %dma_wait3A_290 = tpu.memref_squeeze %dma_wait3A_289 : memref<1x128xi32, #tpu.memory_space<vmem>> -> memref<128xi32, #tpu.memory_space<vmem>>
          %dma_wait3A_291 = arith.constant 0 : i32
          %dma_wait3A_292 = arith.constant 0 : i32
          %dma_wait3A_293 = tpu.memref_slice %arg13[%dma_wait3A_291, %dma_wait3A_292] : memref<10112x128xf32, #tpu.memory_space<vmem_shared>> -> memref<10112x128xf32, #tpu.memory_space<vmem_shared>>
          %dma_wait3A_294 = tpu.memref_slice %arg12[%dma_wait3A_283] : memref<2x!tpu.dma_semaphore, #tpu.memory_space<semaphore_mem>> -> memref<1x!tpu.dma_semaphore, #tpu.memory_space<semaphore_mem>>
          %dma_wait3A_295 = tpu.memref_squeeze %dma_wait3A_294 : memref<1x!tpu.dma_semaphore, #tpu.memory_space<semaphore_mem>> -> memref<!tpu.dma_semaphore, #tpu.memory_space<semaphore_mem>>
          tpu.wait_indirect_dma semaphore(%dma_wait3A_295 : memref<!tpu.dma_semaphore, #tpu.memory_space<semaphore_mem>>) src(%dma_wait3A_287 : memref<128x128xf32, #tpu.memory_space<vmem>>) dst(%dma_wait3A_293 : memref<10112x128xf32, #tpu.memory_space<vmem_shared>>)
        } else {
        }
        %add3A_187 = arith.constant 1 : i32
        %add3A_188 = arith.addi %add3A_182, %add3A_187 : i32
        %lt3A = arith.constant 80 : i32
        %lt3A_189 = arith.cmpi slt, %add3A_188, %lt3A : i32
        %convert_element_type3A_190 = arith.extui %lt3A_189 : i1 to i32
        %cond3A_191 = arith.constant 0 : i32
        %cond3A_192 = arith.cmpi ne, %convert_element_type3A_190, %cond3A_191 : i32
        scf.if %cond3A_192 {
          %add3A_281 = arith.constant 0 : i32
          %add3A_282 = arith.addi %add3A_281, %add3A_182 : i32
          %add3A_283 = arith.constant 1 : i32
          %add3A_284 = arith.addi %add3A_282, %add3A_283 : i32
          %dma_wait3A_285 = arith.constant 1 : i32
          %dma_wait3A_286 = arith.constant 1 : i32
          %dma_wait3A_287 = arith.constant 0 : i32
          %dma_wait3A_288 = tpu.memref_slice %arg7[%dma_wait3A_285, %dma_wait3A_287] : memref<2x128xi32, #tpu.memory_space<vmem>> -> memref<1x128xi32, #tpu.memory_space<vmem>>
          %dma_wait3A_289 = tpu.memref_squeeze %dma_wait3A_288 : memref<1x128xi32, #tpu.memory_space<vmem>> -> memref<128xi32, #tpu.memory_space<vmem>>
          %dma_wait3A_290 = arith.constant 0 : i32
          %dma_wait3A_291 = tpu.memref_slice %arg3[%arg1, %add3A_284, %dma_wait3A_290] : memref<16x160x128xi32, #tpu.memory_space<hbm>> -> memref<1x1x128xi32, #tpu.memory_space<hbm>>
          %dma_wait3A_292 = tpu.memref_squeeze %dma_wait3A_291 : memref<1x1x128xi32, #tpu.memory_space<hbm>> -> memref<128xi32, #tpu.memory_space<hbm>>
          %dma_wait3A_293 = tpu.memref_slice %arg10[%dma_wait3A_286] : memref<2x!tpu.dma_semaphore, #tpu.memory_space<semaphore_mem>> -> memref<1x!tpu.dma_semaphore, #tpu.memory_space<semaphore_mem>>
          %dma_wait3A_294 = tpu.memref_squeeze %dma_wait3A_293 : memref<1x!tpu.dma_semaphore, #tpu.memory_space<semaphore_mem>> -> memref<!tpu.dma_semaphore, #tpu.memory_space<semaphore_mem>>
          %dma_wait3A_295 = arith.constant 0 : i32
          %dma_wait3A_296 = tpu.memref_slice %arg7[%dma_wait3A_285, %dma_wait3A_295] : memref<2x128xi32, #tpu.memory_space<vmem>> -> memref<1x128xi32, #tpu.memory_space<vmem>>
          %dma_wait3A_297 = tpu.memref_squeeze %dma_wait3A_296 : memref<1x128xi32, #tpu.memory_space<vmem>> -> memref<128xi32, #tpu.memory_space<vmem>>
          %dma_wait3A_298 = arith.constant 0 : i32
          %dma_wait3A_299 = tpu.memref_slice %arg3[%arg1, %add3A_284, %dma_wait3A_298] : memref<16x160x128xi32, #tpu.memory_space<hbm>> -> memref<1x1x128xi32, #tpu.memory_space<hbm>>
          %dma_wait3A_300 = tpu.memref_squeeze %dma_wait3A_299 : memref<1x1x128xi32, #tpu.memory_space<hbm>> -> memref<128xi32, #tpu.memory_space<hbm>>
          tpu.wait_dma2 semaphore(%dma_wait3A_294 : memref<!tpu.dma_semaphore, #tpu.memory_space<semaphore_mem>>) src(%dma_wait3A_300 : memref<128xi32, #tpu.memory_space<hbm>>) dst(%dma_wait3A_297 : memref<128xi32, #tpu.memory_space<vmem>>)
          %dma_start3A_301 = arith.constant 1 : i32
          %dma_start3A_302 = arith.constant 1 : i32
          %dma_start3A_303 = arith.constant 1 : i32
          %dma_start3A_304 = arith.constant 0 : i32
          %dma_start3A_305 = arith.constant 0 : i32
          %dma_start3A_306 = tpu.memref_slice %arg9[%dma_start3A_302, %dma_start3A_304, %dma_start3A_305] : memref<2x128x128xf32, #tpu.memory_space<vmem>> -> memref<1x128x128xf32, #tpu.memory_space<vmem>>
          %dma_start3A_307 = tpu.memref_squeeze %dma_start3A_306 : memref<1x128x128xf32, #tpu.memory_space<vmem>> -> memref<128x128xf32, #tpu.memory_space<vmem>>
          %dma_start3A_308 = arith.constant 0 : i32
          %dma_start3A_309 = tpu.memref_slice %arg7[%dma_start3A_301, %dma_start3A_308] : memref<2x128xi32, #tpu.memory_space<vmem>> -> memref<1x128xi32, #tpu.memory_space<vmem>>
          %dma_start3A_310 = tpu.memref_squeeze %dma_start3A_309 : memref<1x128xi32, #tpu.memory_space<vmem>> -> memref<128xi32, #tpu.memory_space<vmem>>
          %dma_start3A_311 = arith.constant 0 : i32
          %dma_start3A_312 = arith.constant 0 : i32
          %dma_start3A_313 = tpu.memref_slice %arg2[%dma_start3A_311, %dma_start3A_312] : memref<10000x128xf32, #tpu.memory_space<hbm>> -> memref<10000x128xf32, #tpu.memory_space<hbm>>
          %dma_start3A_314 = tpu.memref_slice %arg11[%dma_start3A_303] : memref<2x!tpu.dma_semaphore, #tpu.memory_space<semaphore_mem>> -> memref<1x!tpu.dma_semaphore, #tpu.memory_space<semaphore_mem>>
          %dma_start3A_315 = tpu.memref_squeeze %dma_start3A_314 : memref<1x!tpu.dma_semaphore, #tpu.memory_space<semaphore_mem>> -> memref<!tpu.dma_semaphore, #tpu.memory_space<semaphore_mem>>
          tpu.enqueue_indirect_dma source(%dma_start3A_313 : memref<10000x128xf32, #tpu.memory_space<hbm>>) target(%dma_start3A_307 : memref<128x128xf32, #tpu.memory_space<vmem>>) offsets(%dma_start3A_310 : memref<128xi32, #tpu.memory_space<vmem>>) semaphore(%dma_start3A_315 : memref<!tpu.dma_semaphore, #tpu.memory_space<semaphore_mem>>)
        } else {
        }
        %dma_wait3A_193 = arith.constant 0 : i32
        %dma_wait3A_194 = arith.constant 0 : i32
        %dma_wait3A_195 = arith.constant 0 : i32
        %dma_wait3A_196 = arith.constant 0 : i32
        %dma_wait3A_197 = arith.constant 0 : i32
        %dma_wait3A_198 = tpu.memref_slice %arg9[%dma_wait3A_194, %dma_wait3A_196, %dma_wait3A_197] : memref<2x128x128xf32, #tpu.memory_space<vmem>> -> memref<1x128x128xf32, #tpu.memory_space<vmem>>
        %dma_wait3A_199 = tpu.memref_squeeze %dma_wait3A_198 : memref<1x128x128xf32, #tpu.memory_space<vmem>> -> memref<128x128xf32, #tpu.memory_space<vmem>>
        %dma_wait3A_200 = arith.constant 0 : i32
        %dma_wait3A_201 = tpu.memref_slice %arg7[%dma_wait3A_193, %dma_wait3A_200] : memref<2x128xi32, #tpu.memory_space<vmem>> -> memref<1x128xi32, #tpu.memory_space<vmem>>
        %dma_wait3A_202 = tpu.memref_squeeze %dma_wait3A_201 : memref<1x128xi32, #tpu.memory_space<vmem>> -> memref<128xi32, #tpu.memory_space<vmem>>
        %dma_wait3A_203 = arith.constant 0 : i32
        %dma_wait3A_204 = arith.constant 0 : i32
        %dma_wait3A_205 = tpu.memref_slice %arg2[%dma_wait3A_203, %dma_wait3A_204] : memref<10000x128xf32, #tpu.memory_space<hbm>> -> memref<10000x128xf32, #tpu.memory_space<hbm>>
        %dma_wait3A_206 = tpu.memref_slice %arg11[%dma_wait3A_195] : memref<2x!tpu.dma_semaphore, #tpu.memory_space<semaphore_mem>> -> memref<1x!tpu.dma_semaphore, #tpu.memory_space<semaphore_mem>>
        %dma_wait3A_207 = tpu.memref_squeeze %dma_wait3A_206 : memref<1x!tpu.dma_semaphore, #tpu.memory_space<semaphore_mem>> -> memref<!tpu.dma_semaphore, #tpu.memory_space<semaphore_mem>>
        tpu.wait_indirect_dma semaphore(%dma_wait3A_207 : memref<!tpu.dma_semaphore, #tpu.memory_space<semaphore_mem>>) src(%dma_wait3A_205 : memref<10000x128xf32, #tpu.memory_space<hbm>>) dst(%dma_wait3A_199 : memref<128x128xf32, #tpu.memory_space<vmem>>)
        %dma_start3A_208 = arith.constant 0 : i32
        %dma_start3A_209 = arith.constant 0 : i32
        %dma_start3A_210 = arith.constant 0 : i32
        %dma_start3A_211 = arith.constant 0 : i32
        %dma_start3A_212 = tpu.memref_slice %arg9[%dma_start3A_208, %dma_start3A_210, %dma_start3A_211] : memref<2x128x128xf32, #tpu.memory_space<vmem>> -> memref<1x128x128xf32, #tpu.memory_space<vmem>>
        %dma_start3A_213 = tpu.memref_squeeze %dma_start3A_212 : memref<1x128x128xf32, #tpu.memory_space<vmem>> -> memref<128x128xf32, #tpu.memory_space<vmem>>
        %dma_start3A_214 = arith.constant 0 : i32
        %dma_start3A_215 = tpu.memref_slice %arg8[%add3A_182, %dma_start3A_214] : memref<80x128xi32, #tpu.memory_space<vmem>> -> memref<1x128xi32, #tpu.memory_space<vmem>>
        %dma_start3A_216 = tpu.memref_squeeze %dma_start3A_215 : memref<1x128xi32, #tpu.memory_space<vmem>> -> memref<128xi32, #tpu.memory_space<vmem>>
        %dma_start3A_217 = arith.constant 0 : i32
        %dma_start3A_218 = arith.constant 0 : i32
        %dma_start3A_219 = tpu.memref_slice %arg13[%dma_start3A_217, %dma_start3A_218] : memref<10112x128xf32, #tpu.memory_space<vmem_shared>> -> memref<10112x128xf32, #tpu.memory_space<vmem_shared>>
        %dma_start3A_220 = tpu.memref_slice %arg12[%dma_start3A_209] : memref<2x!tpu.dma_semaphore, #tpu.memory_space<semaphore_mem>> -> memref<1x!tpu.dma_semaphore, #tpu.memory_space<semaphore_mem>>
        %dma_start3A_221 = tpu.memref_squeeze %dma_start3A_220 : memref<1x!tpu.dma_semaphore, #tpu.memory_space<semaphore_mem>> -> memref<!tpu.dma_semaphore, #tpu.memory_space<semaphore_mem>>
        tpu.enqueue_indirect_dma source(%dma_start3A_213 : memref<128x128xf32, #tpu.memory_space<vmem>>) target(%dma_start3A_219 : memref<10112x128xf32, #tpu.memory_space<vmem_shared>>) offsets(%dma_start3A_216 : memref<128xi32, #tpu.memory_space<vmem>>) semaphore(%dma_start3A_221 : memref<!tpu.dma_semaphore, #tpu.memory_space<semaphore_mem>>) {add = true}
        %add3A_222 = arith.constant 2 : i32
        %add3A_223 = arith.addi %add3A_182, %add3A_222 : i32
        %lt3A_224 = arith.constant 80 : i32
        %lt3A_225 = arith.cmpi slt, %add3A_223, %lt3A_224 : i32
        %convert_element_type3A_226 = arith.extui %lt3A_225 : i1 to i32
        %cond3A_227 = arith.constant 0 : i32
        %cond3A_228 = arith.cmpi ne, %convert_element_type3A_226, %cond3A_227 : i32
        scf.if %cond3A_228 {
          %add3A_281 = arith.constant 0 : i32
          %add3A_282 = arith.addi %add3A_281, %add3A_182 : i32
          %add3A_283 = arith.constant 2 : i32
          %add3A_284 = arith.addi %add3A_282, %add3A_283 : i32
          %dma_start3A_285 = arith.constant 0 : i32
          %dma_start3A_286 = arith.constant 0 : i32
          %dma_start3A_287 = arith.constant 0 : i32
          %dma_start3A_288 = tpu.memref_slice %arg7[%dma_start3A_285, %dma_start3A_287] : memref<2x128xi32, #tpu.memory_space<vmem>> -> memref<1x128xi32, #tpu.memory_space<vmem>>
          %dma_start3A_289 = tpu.memref_squeeze %dma_start3A_288 : memref<1x128xi32, #tpu.memory_space<vmem>> -> memref<128xi32, #tpu.memory_space<vmem>>
          %dma_start3A_290 = arith.constant 0 : i32
          %dma_start3A_291 = tpu.memref_slice %arg3[%arg1, %add3A_284, %dma_start3A_290] : memref<16x160x128xi32, #tpu.memory_space<hbm>> -> memref<1x1x128xi32, #tpu.memory_space<hbm>>
          %dma_start3A_292 = tpu.memref_squeeze %dma_start3A_291 : memref<1x1x128xi32, #tpu.memory_space<hbm>> -> memref<128xi32, #tpu.memory_space<hbm>>
          %dma_start3A_293 = tpu.memref_slice %arg10[%dma_start3A_286] : memref<2x!tpu.dma_semaphore, #tpu.memory_space<semaphore_mem>> -> memref<1x!tpu.dma_semaphore, #tpu.memory_space<semaphore_mem>>
          %dma_start3A_294 = tpu.memref_squeeze %dma_start3A_293 : memref<1x!tpu.dma_semaphore, #tpu.memory_space<semaphore_mem>> -> memref<!tpu.dma_semaphore, #tpu.memory_space<semaphore_mem>>
          %dma_start3A_295 = arith.constant 0 : i32
          %dma_start3A_296 = tpu.memref_slice %arg7[%dma_start3A_285, %dma_start3A_295] : memref<2x128xi32, #tpu.memory_space<vmem>> -> memref<1x128xi32, #tpu.memory_space<vmem>>
          %dma_start3A_297 = tpu.memref_squeeze %dma_start3A_296 : memref<1x128xi32, #tpu.memory_space<vmem>> -> memref<128xi32, #tpu.memory_space<vmem>>
          %dma_start3A_298 = arith.constant 0 : i32
          %dma_start3A_299 = tpu.memref_slice %arg3[%arg1, %add3A_284, %dma_start3A_298] : memref<16x160x128xi32, #tpu.memory_space<hbm>> -> memref<1x1x128xi32, #tpu.memory_space<hbm>>
          %dma_start3A_300 = tpu.memref_squeeze %dma_start3A_299 : memref<1x1x128xi32, #tpu.memory_space<hbm>> -> memref<128xi32, #tpu.memory_space<hbm>>
          tpu.enqueue_dma source(%dma_start3A_300 : memref<128xi32, #tpu.memory_space<hbm>>) target(%dma_start3A_297 : memref<128xi32, #tpu.memory_space<vmem>>) target_semaphore(%dma_start3A_294 : memref<!tpu.dma_semaphore, #tpu.memory_space<semaphore_mem>>)
        } else {
        }
        %mul3A_229 = arith.constant 2 : i32
        %mul3A_230 = arith.muli %scan3A_179, %mul3A_229 : i32
        %add3A_231 = arith.constant 1 : i32
        %add3A_232 = arith.addi %mul3A_230, %add3A_231 : i32
        %ge3A_233 = arith.constant 1 : i32
        %ge3A_234 = arith.cmpi sge, %add3A_232, %ge3A_233 : i32
        %convert_element_type3A_235 = arith.extui %ge3A_234 : i1 to i32
        %cond3A_236 = arith.constant 0 : i32
        %cond3A_237 = arith.cmpi ne, %convert_element_type3A_235, %cond3A_236 : i32
        scf.if %cond3A_237 {
          %sub3A = arith.constant 1 : i32
          %sub3A_281 = arith.subi %add3A_232, %sub3A : i32
          %dma_wait3A_282 = arith.constant 0 : i32
          %dma_wait3A_283 = arith.constant 0 : i32
          %dma_wait3A_284 = arith.constant 0 : i32
          %dma_wait3A_285 = arith.constant 0 : i32
          %dma_wait3A_286 = tpu.memref_slice %arg9[%dma_wait3A_282, %dma_wait3A_284, %dma_wait3A_285] : memref<2x128x128xf32, #tpu.memory_space<vmem>> -> memref<1x128x128xf32, #tpu.memory_space<vmem>>
          %dma_wait3A_287 = tpu.memref_squeeze %dma_wait3A_286 : memref<1x128x128xf32, #tpu.memory_space<vmem>> -> memref<128x128xf32, #tpu.memory_space<vmem>>
          %dma_wait3A_288 = arith.constant 0 : i32
          %dma_wait3A_289 = tpu.memref_slice %arg8[%sub3A_281, %dma_wait3A_288] : memref<80x128xi32, #tpu.memory_space<vmem>> -> memref<1x128xi32, #tpu.memory_space<vmem>>
          %dma_wait3A_290 = tpu.memref_squeeze %dma_wait3A_289 : memref<1x128xi32, #tpu.memory_space<vmem>> -> memref<128xi32, #tpu.memory_space<vmem>>
          %dma_wait3A_291 = arith.constant 0 : i32
          %dma_wait3A_292 = arith.constant 0 : i32
          %dma_wait3A_293 = tpu.memref_slice %arg13[%dma_wait3A_291, %dma_wait3A_292] : memref<10112x128xf32, #tpu.memory_space<vmem_shared>> -> memref<10112x128xf32, #tpu.memory_space<vmem_shared>>
          %dma_wait3A_294 = tpu.memref_slice %arg12[%dma_wait3A_283] : memref<2x!tpu.dma_semaphore, #tpu.memory_space<semaphore_mem>> -> memref<1x!tpu.dma_semaphore, #tpu.memory_space<semaphore_mem>>
          %dma_wait3A_295 = tpu.memref_squeeze %dma_wait3A_294 : memref<1x!tpu.dma_semaphore, #tpu.memory_space<semaphore_mem>> -> memref<!tpu.dma_semaphore, #tpu.memory_space<semaphore_mem>>
          tpu.wait_indirect_dma semaphore(%dma_wait3A_295 : memref<!tpu.dma_semaphore, #tpu.memory_space<semaphore_mem>>) src(%dma_wait3A_287 : memref<128x128xf32, #tpu.memory_space<vmem>>) dst(%dma_wait3A_293 : memref<10112x128xf32, #tpu.memory_space<vmem_shared>>)
        } else {
        }
        %add3A_238 = arith.constant 1 : i32
        %add3A_239 = arith.addi %add3A_232, %add3A_238 : i32
        %lt3A_240 = arith.constant 80 : i32
        %lt3A_241 = arith.cmpi slt, %add3A_239, %lt3A_240 : i32
        %convert_element_type3A_242 = arith.extui %lt3A_241 : i1 to i32
        %cond3A_243 = arith.constant 0 : i32
        %cond3A_244 = arith.cmpi ne, %convert_element_type3A_242, %cond3A_243 : i32
        scf.if %cond3A_244 {
          %add3A_281 = arith.constant 0 : i32
          %add3A_282 = arith.addi %add3A_281, %add3A_232 : i32
          %add3A_283 = arith.constant 1 : i32
          %add3A_284 = arith.addi %add3A_282, %add3A_283 : i32
          %dma_wait3A_285 = arith.constant 0 : i32
          %dma_wait3A_286 = arith.constant 0 : i32
          %dma_wait3A_287 = arith.constant 0 : i32
          %dma_wait3A_288 = tpu.memref_slice %arg7[%dma_wait3A_285, %dma_wait3A_287] : memref<2x128xi32, #tpu.memory_space<vmem>> -> memref<1x128xi32, #tpu.memory_space<vmem>>
          %dma_wait3A_289 = tpu.memref_squeeze %dma_wait3A_288 : memref<1x128xi32, #tpu.memory_space<vmem>> -> memref<128xi32, #tpu.memory_space<vmem>>
          %dma_wait3A_290 = arith.constant 0 : i32
          %dma_wait3A_291 = tpu.memref_slice %arg3[%arg1, %add3A_284, %dma_wait3A_290] : memref<16x160x128xi32, #tpu.memory_space<hbm>> -> memref<1x1x128xi32, #tpu.memory_space<hbm>>
          %dma_wait3A_292 = tpu.memref_squeeze %dma_wait3A_291 : memref<1x1x128xi32, #tpu.memory_space<hbm>> -> memref<128xi32, #tpu.memory_space<hbm>>
          %dma_wait3A_293 = tpu.memref_slice %arg10[%dma_wait3A_286] : memref<2x!tpu.dma_semaphore, #tpu.memory_space<semaphore_mem>> -> memref<1x!tpu.dma_semaphore, #tpu.memory_space<semaphore_mem>>
          %dma_wait3A_294 = tpu.memref_squeeze %dma_wait3A_293 : memref<1x!tpu.dma_semaphore, #tpu.memory_space<semaphore_mem>> -> memref<!tpu.dma_semaphore, #tpu.memory_space<semaphore_mem>>
          %dma_wait3A_295 = arith.constant 0 : i32
          %dma_wait3A_296 = tpu.memref_slice %arg7[%dma_wait3A_285, %dma_wait3A_295] : memref<2x128xi32, #tpu.memory_space<vmem>> -> memref<1x128xi32, #tpu.memory_space<vmem>>
          %dma_wait3A_297 = tpu.memref_squeeze %dma_wait3A_296 : memref<1x128xi32, #tpu.memory_space<vmem>> -> memref<128xi32, #tpu.memory_space<vmem>>
          %dma_wait3A_298 = arith.constant 0 : i32
          %dma_wait3A_299 = tpu.memref_slice %arg3[%arg1, %add3A_284, %dma_wait3A_298] : memref<16x160x128xi32, #tpu.memory_space<hbm>> -> memref<1x1x128xi32, #tpu.memory_space<hbm>>
          %dma_wait3A_300 = tpu.memref_squeeze %dma_wait3A_299 : memref<1x1x128xi32, #tpu.memory_space<hbm>> -> memref<128xi32, #tpu.memory_space<hbm>>
          tpu.wait_dma2 semaphore(%dma_wait3A_294 : memref<!tpu.dma_semaphore, #tpu.memory_space<semaphore_mem>>) src(%dma_wait3A_300 : memref<128xi32, #tpu.memory_space<hbm>>) dst(%dma_wait3A_297 : memref<128xi32, #tpu.memory_space<vmem>>)
          %dma_start3A_301 = arith.constant 0 : i32
          %dma_start3A_302 = arith.constant 0 : i32
          %dma_start3A_303 = arith.constant 0 : i32
          %dma_start3A_304 = arith.constant 0 : i32
          %dma_start3A_305 = arith.constant 0 : i32
          %dma_start3A_306 = tpu.memref_slice %arg9[%dma_start3A_302, %dma_start3A_304, %dma_start3A_305] : memref<2x128x128xf32, #tpu.memory_space<vmem>> -> memref<1x128x128xf32, #tpu.memory_space<vmem>>
          %dma_start3A_307 = tpu.memref_squeeze %dma_start3A_306 : memref<1x128x128xf32, #tpu.memory_space<vmem>> -> memref<128x128xf32, #tpu.memory_space<vmem>>
          %dma_start3A_308 = arith.constant 0 : i32
          %dma_start3A_309 = tpu.memref_slice %arg7[%dma_start3A_301, %dma_start3A_308] : memref<2x128xi32, #tpu.memory_space<vmem>> -> memref<1x128xi32, #tpu.memory_space<vmem>>
          %dma_start3A_310 = tpu.memref_squeeze %dma_start3A_309 : memref<1x128xi32, #tpu.memory_space<vmem>> -> memref<128xi32, #tpu.memory_space<vmem>>
          %dma_start3A_311 = arith.constant 0 : i32
          %dma_start3A_312 = arith.constant 0 : i32
          %dma_start3A_313 = tpu.memref_slice %arg2[%dma_start3A_311, %dma_start3A_312] : memref<10000x128xf32, #tpu.memory_space<hbm>> -> memref<10000x128xf32, #tpu.memory_space<hbm>>
          %dma_start3A_314 = tpu.memref_slice %arg11[%dma_start3A_303] : memref<2x!tpu.dma_semaphore, #tpu.memory_space<semaphore_mem>> -> memref<1x!tpu.dma_semaphore, #tpu.memory_space<semaphore_mem>>
          %dma_start3A_315 = tpu.memref_squeeze %dma_start3A_314 : memref<1x!tpu.dma_semaphore, #tpu.memory_space<semaphore_mem>> -> memref<!tpu.dma_semaphore, #tpu.memory_space<semaphore_mem>>
          tpu.enqueue_indirect_dma source(%dma_start3A_313 : memref<10000x128xf32, #tpu.memory_space<hbm>>) target(%dma_start3A_307 : memref<128x128xf32, #tpu.memory_space<vmem>>) offsets(%dma_start3A_310 : memref<128xi32, #tpu.memory_space<vmem>>) semaphore(%dma_start3A_315 : memref<!tpu.dma_semaphore, #tpu.memory_space<semaphore_mem>>)
        } else {
        }
        %dma_wait3A_245 = arith.constant 1 : i32
        %dma_wait3A_246 = arith.constant 1 : i32
        %dma_wait3A_247 = arith.constant 1 : i32
        %dma_wait3A_248 = arith.constant 0 : i32
        %dma_wait3A_249 = arith.constant 0 : i32
        %dma_wait3A_250 = tpu.memref_slice %arg9[%dma_wait3A_246, %dma_wait3A_248, %dma_wait3A_249] : memref<2x128x128xf32, #tpu.memory_space<vmem>> -> memref<1x128x128xf32, #tpu.memory_space<vmem>>
        %dma_wait3A_251 = tpu.memref_squeeze %dma_wait3A_250 : memref<1x128x128xf32, #tpu.memory_space<vmem>> -> memref<128x128xf32, #tpu.memory_space<vmem>>
        %dma_wait3A_252 = arith.constant 0 : i32
        %dma_wait3A_253 = tpu.memref_slice %arg7[%dma_wait3A_245, %dma_wait3A_252] : memref<2x128xi32, #tpu.memory_space<vmem>> -> memref<1x128xi32, #tpu.memory_space<vmem>>
        %dma_wait3A_254 = tpu.memref_squeeze %dma_wait3A_253 : memref<1x128xi32, #tpu.memory_space<vmem>> -> memref<128xi32, #tpu.memory_space<vmem>>
        %dma_wait3A_255 = arith.constant 0 : i32
        %dma_wait3A_256 = arith.constant 0 : i32
        %dma_wait3A_257 = tpu.memref_slice %arg2[%dma_wait3A_255, %dma_wait3A_256] : memref<10000x128xf32, #tpu.memory_space<hbm>> -> memref<10000x128xf32, #tpu.memory_space<hbm>>
        %dma_wait3A_258 = tpu.memref_slice %arg11[%dma_wait3A_247] : memref<2x!tpu.dma_semaphore, #tpu.memory_space<semaphore_mem>> -> memref<1x!tpu.dma_semaphore, #tpu.memory_space<semaphore_mem>>
        %dma_wait3A_259 = tpu.memref_squeeze %dma_wait3A_258 : memref<1x!tpu.dma_semaphore, #tpu.memory_space<semaphore_mem>> -> memref<!tpu.dma_semaphore, #tpu.memory_space<semaphore_mem>>
        tpu.wait_indirect_dma semaphore(%dma_wait3A_259 : memref<!tpu.dma_semaphore, #tpu.memory_space<semaphore_mem>>) src(%dma_wait3A_257 : memref<10000x128xf32, #tpu.memory_space<hbm>>) dst(%dma_wait3A_251 : memref<128x128xf32, #tpu.memory_space<vmem>>)
        %dma_start3A_260 = arith.constant 1 : i32
        %dma_start3A_261 = arith.constant 1 : i32
        %dma_start3A_262 = arith.constant 0 : i32
        %dma_start3A_263 = arith.constant 0 : i32
        %dma_start3A_264 = tpu.memref_slice %arg9[%dma_start3A_260, %dma_start3A_262, %dma_start3A_263] : memref<2x128x128xf32, #tpu.memory_space<vmem>> -> memref<1x128x128xf32, #tpu.memory_space<vmem>>
        %dma_start3A_265 = tpu.memref_squeeze %dma_start3A_264 : memref<1x128x128xf32, #tpu.memory_space<vmem>> -> memref<128x128xf32, #tpu.memory_space<vmem>>
        %dma_start3A_266 = arith.constant 0 : i32
        %dma_start3A_267 = tpu.memref_slice %arg8[%add3A_232, %dma_start3A_266] : memref<80x128xi32, #tpu.memory_space<vmem>> -> memref<1x128xi32, #tpu.memory_space<vmem>>
        %dma_start3A_268 = tpu.memref_squeeze %dma_start3A_267 : memref<1x128xi32, #tpu.memory_space<vmem>> -> memref<128xi32, #tpu.memory_space<vmem>>
        %dma_start3A_269 = arith.constant 0 : i32
        %dma_start3A_270 = arith.constant 0 : i32
        %dma_start3A_271 = tpu.memref_slice %arg13[%dma_start3A_269, %dma_start3A_270] : memref<10112x128xf32, #tpu.memory_space<vmem_shared>> -> memref<10112x128xf32, #tpu.memory_space<vmem_shared>>
        %dma_start3A_272 = tpu.memref_slice %arg12[%dma_start3A_261] : memref<2x!tpu.dma_semaphore, #tpu.memory_space<semaphore_mem>> -> memref<1x!tpu.dma_semaphore, #tpu.memory_space<semaphore_mem>>
        %dma_start3A_273 = tpu.memref_squeeze %dma_start3A_272 : memref<1x!tpu.dma_semaphore, #tpu.memory_space<semaphore_mem>> -> memref<!tpu.dma_semaphore, #tpu.memory_space<semaphore_mem>>
        tpu.enqueue_indirect_dma source(%dma_start3A_265 : memref<128x128xf32, #tpu.memory_space<vmem>>) target(%dma_start3A_271 : memref<10112x128xf32, #tpu.memory_space<vmem_shared>>) offsets(%dma_start3A_268 : memref<128xi32, #tpu.memory_space<vmem>>) semaphore(%dma_start3A_273 : memref<!tpu.dma_semaphore, #tpu.memory_space<semaphore_mem>>) {add = true}
        %add3A_274 = arith.constant 2 : i32
        %add3A_275 = arith.addi %add3A_232, %add3A_274 : i32
        %lt3A_276 = arith.constant 80 : i32
        %lt3A_277 = arith.cmpi slt, %add3A_275, %lt3A_276 : i32
        %convert_element_type3A_278 = arith.extui %lt3A_277 : i1 to i32
        %cond3A_279 = arith.constant 0 : i32
        %cond3A_280 = arith.cmpi ne, %convert_element_type3A_278, %cond3A_279 : i32
        scf.if %cond3A_280 {
          %add3A_281 = arith.constant 0 : i32
          %add3A_282 = arith.addi %add3A_281, %add3A_232 : i32
          %add3A_283 = arith.constant 2 : i32
          %add3A_284 = arith.addi %add3A_282, %add3A_283 : i32
          %dma_start3A_285 = arith.constant 1 : i32
          %dma_start3A_286 = arith.constant 1 : i32
          %dma_start3A_287 = arith.constant 0 : i32
          %dma_start3A_288 = tpu.memref_slice %arg7[%dma_start3A_285, %dma_start3A_287] : memref<2x128xi32, #tpu.memory_space<vmem>> -> memref<1x128xi32, #tpu.memory_space<vmem>>
          %dma_start3A_289 = tpu.memref_squeeze %dma_start3A_288 : memref<1x128xi32, #tpu.memory_space<vmem>> -> memref<128xi32, #tpu.memory_space<vmem>>
          %dma_start3A_290 = arith.constant 0 : i32
          %dma_start3A_291 = tpu.memref_slice %arg3[%arg1, %add3A_284, %dma_start3A_290] : memref<16x160x128xi32, #tpu.memory_space<hbm>> -> memref<1x1x128xi32, #tpu.memory_space<hbm>>
          %dma_start3A_292 = tpu.memref_squeeze %dma_start3A_291 : memref<1x1x128xi32, #tpu.memory_space<hbm>> -> memref<128xi32, #tpu.memory_space<hbm>>
          %dma_start3A_293 = tpu.memref_slice %arg10[%dma_start3A_286] : memref<2x!tpu.dma_semaphore, #tpu.memory_space<semaphore_mem>> -> memref<1x!tpu.dma_semaphore, #tpu.memory_space<semaphore_mem>>
          %dma_start3A_294 = tpu.memref_squeeze %dma_start3A_293 : memref<1x!tpu.dma_semaphore, #tpu.memory_space<semaphore_mem>> -> memref<!tpu.dma_semaphore, #tpu.memory_space<semaphore_mem>>
          %dma_start3A_295 = arith.constant 0 : i32
          %dma_start3A_296 = tpu.memref_slice %arg7[%dma_start3A_285, %dma_start3A_295] : memref<2x128xi32, #tpu.memory_space<vmem>> -> memref<1x128xi32, #tpu.memory_space<vmem>>
          %dma_start3A_297 = tpu.memref_squeeze %dma_start3A_296 : memref<1x128xi32, #tpu.memory_space<vmem>> -> memref<128xi32, #tpu.memory_space<vmem>>
          %dma_start3A_298 = arith.constant 0 : i32
          %dma_start3A_299 = tpu.memref_slice %arg3[%arg1, %add3A_284, %dma_start3A_298] : memref<16x160x128xi32, #tpu.memory_space<hbm>> -> memref<1x1x128xi32, #tpu.memory_space<hbm>>
          %dma_start3A_300 = tpu.memref_squeeze %dma_start3A_299 : memref<1x1x128xi32, #tpu.memory_space<hbm>> -> memref<128xi32, #tpu.memory_space<hbm>>
          tpu.enqueue_dma source(%dma_start3A_300 : memref<128xi32, #tpu.memory_space<hbm>>) target(%dma_start3A_297 : memref<128xi32, #tpu.memory_space<vmem>>) target_semaphore(%dma_start3A_294 : memref<!tpu.dma_semaphore, #tpu.memory_space<semaphore_mem>>)
        } else {
        }
      }
      %scan3A_71 = arith.constant 40 : i32
      %dma_wait3A_72 = arith.constant 1 : i32
      %dma_wait3A_73 = arith.constant 79 : i32
      %dma_wait3A_74 = arith.constant 1 : i32
      %dma_wait3A_75 = arith.constant 0 : i32
      %dma_wait3A_76 = arith.constant 0 : i32
      %dma_wait3A_77 = tpu.memref_slice %arg9[%dma_wait3A_72, %dma_wait3A_75, %dma_wait3A_76] : memref<2x128x128xf32, #tpu.memory_space<vmem>> -> memref<1x128x128xf32, #tpu.memory_space<vmem>>
      %dma_wait3A_78 = tpu.memref_squeeze %dma_wait3A_77 : memref<1x128x128xf32, #tpu.memory_space<vmem>> -> memref<128x128xf32, #tpu.memory_space<vmem>>
      %dma_wait3A_79 = arith.constant 0 : i32
      %dma_wait3A_80 = tpu.memref_slice %arg8[%dma_wait3A_73, %dma_wait3A_79] : memref<80x128xi32, #tpu.memory_space<vmem>> -> memref<1x128xi32, #tpu.memory_space<vmem>>
      %dma_wait3A_81 = tpu.memref_squeeze %dma_wait3A_80 : memref<1x128xi32, #tpu.memory_space<vmem>> -> memref<128xi32, #tpu.memory_space<vmem>>
      %dma_wait3A_82 = arith.constant 0 : i32
      %dma_wait3A_83 = arith.constant 0 : i32
      %dma_wait3A_84 = tpu.memref_slice %arg13[%dma_wait3A_82, %dma_wait3A_83] : memref<10112x128xf32, #tpu.memory_space<vmem_shared>> -> memref<10112x128xf32, #tpu.memory_space<vmem_shared>>
      %dma_wait3A_85 = tpu.memref_slice %arg12[%dma_wait3A_74] : memref<2x!tpu.dma_semaphore, #tpu.memory_space<semaphore_mem>> -> memref<1x!tpu.dma_semaphore, #tpu.memory_space<semaphore_mem>>
      %dma_wait3A_86 = tpu.memref_squeeze %dma_wait3A_85 : memref<1x!tpu.dma_semaphore, #tpu.memory_space<semaphore_mem>> -> memref<!tpu.dma_semaphore, #tpu.memory_space<semaphore_mem>>
      tpu.wait_indirect_dma semaphore(%dma_wait3A_86 : memref<!tpu.dma_semaphore, #tpu.memory_space<semaphore_mem>>) src(%dma_wait3A_78 : memref<128x128xf32, #tpu.memory_space<vmem>>) dst(%dma_wait3A_84 : memref<10112x128xf32, #tpu.memory_space<vmem_shared>>)
      "tpu.region"() ({
        %run_scoped3A = tpu.sem_alloc : memref<!tpu.dma_semaphore, #tpu.memory_space<semaphore_mem>>
        %dma_start3A_179 = arith.constant 80 : i32
        %dma_start3A_180 = arith.constant 0 : i32
        %dma_start3A_181 = tpu.memref_slice %arg4[%arg1, %dma_start3A_179, %dma_start3A_180] : memref<16x160x128xi32, #tpu.memory_space<hbm>> -> memref<1x80x128xi32, #tpu.memory_space<hbm>>
        %dma_start3A_182 = tpu.memref_squeeze %dma_start3A_181 : memref<1x80x128xi32, #tpu.memory_space<hbm>> -> memref<80x128xi32, #tpu.memory_space<hbm>>
        %dma_start3A_183 = arith.constant 80 : i32
        %dma_start3A_184 = arith.constant 0 : i32
        %dma_start3A_185 = tpu.memref_slice %arg4[%arg1, %dma_start3A_183, %dma_start3A_184] : memref<16x160x128xi32, #tpu.memory_space<hbm>> -> memref<1x80x128xi32, #tpu.memory_space<hbm>>
        %dma_start3A_186 = tpu.memref_squeeze %dma_start3A_185 : memref<1x80x128xi32, #tpu.memory_space<hbm>> -> memref<80x128xi32, #tpu.memory_space<hbm>>
        tpu.enqueue_dma source(%dma_start3A_186 : memref<80x128xi32, #tpu.memory_space<hbm>>) target(%arg8 : memref<80x128xi32, #tpu.memory_space<vmem>>) target_semaphore(%run_scoped3A : memref<!tpu.dma_semaphore, #tpu.memory_space<semaphore_mem>>)
        %dma_wait3A_187 = arith.constant 80 : i32
        %dma_wait3A_188 = arith.constant 0 : i32
        %dma_wait3A_189 = tpu.memref_slice %arg4[%arg1, %dma_wait3A_187, %dma_wait3A_188] : memref<16x160x128xi32, #tpu.memory_space<hbm>> -> memref<1x80x128xi32, #tpu.memory_space<hbm>>
        %dma_wait3A_190 = tpu.memref_squeeze %dma_wait3A_189 : memref<1x80x128xi32, #tpu.memory_space<hbm>> -> memref<80x128xi32, #tpu.memory_space<hbm>>
        %dma_wait3A_191 = arith.constant 80 : i32
        %dma_wait3A_192 = arith.constant 0 : i32
        %dma_wait3A_193 = tpu.memref_slice %arg4[%arg1, %dma_wait3A_191, %dma_wait3A_192] : memref<16x160x128xi32, #tpu.memory_space<hbm>> -> memref<1x80x128xi32, #tpu.memory_space<hbm>>
        %dma_wait3A_194 = tpu.memref_squeeze %dma_wait3A_193 : memref<1x80x128xi32, #tpu.memory_space<hbm>> -> memref<80x128xi32, #tpu.memory_space<hbm>>
        tpu.wait_dma2 semaphore(%run_scoped3A : memref<!tpu.dma_semaphore, #tpu.memory_space<semaphore_mem>>) src(%dma_wait3A_194 : memref<80x128xi32, #tpu.memory_space<hbm>>) dst(%arg8 : memref<80x128xi32, #tpu.memory_space<vmem>>)
        tpu.yield
      }) : () -> ()
      %dma_start3A_87 = arith.constant 80 : i32
      %dma_start3A_88 = arith.constant 0 : i32
      %dma_start3A_89 = arith.constant 0 : i32
      %dma_start3A_90 = arith.constant 0 : i32
      %dma_start3A_91 = tpu.memref_slice %arg7[%dma_start3A_88, %dma_start3A_90] : memref<2x128xi32, #tpu.memory_space<vmem>> -> memref<1x128xi32, #tpu.memory_space<vmem>>
      %dma_start3A_92 = tpu.memref_squeeze %dma_start3A_91 : memref<1x128xi32, #tpu.memory_space<vmem>> -> memref<128xi32, #tpu.memory_space<vmem>>
      %dma_start3A_93 = arith.constant 0 : i32
      %dma_start3A_94 = tpu.memref_slice %arg3[%arg1, %dma_start3A_87, %dma_start3A_93] : memref<16x160x128xi32, #tpu.memory_space<hbm>> -> memref<1x1x128xi32, #tpu.memory_space<hbm>>
      %dma_start3A_95 = tpu.memref_squeeze %dma_start3A_94 : memref<1x1x128xi32, #tpu.memory_space<hbm>> -> memref<128xi32, #tpu.memory_space<hbm>>
      %dma_start3A_96 = tpu.memref_slice %arg10[%dma_start3A_89] : memref<2x!tpu.dma_semaphore, #tpu.memory_space<semaphore_mem>> -> memref<1x!tpu.dma_semaphore, #tpu.memory_space<semaphore_mem>>
      %dma_start3A_97 = tpu.memref_squeeze %dma_start3A_96 : memref<1x!tpu.dma_semaphore, #tpu.memory_space<semaphore_mem>> -> memref<!tpu.dma_semaphore, #tpu.memory_space<semaphore_mem>>
      %dma_start3A_98 = arith.constant 0 : i32
      %dma_start3A_99 = tpu.memref_slice %arg7[%dma_start3A_88, %dma_start3A_98] : memref<2x128xi32, #tpu.memory_space<vmem>> -> memref<1x128xi32, #tpu.memory_space<vmem>>
      %dma_start3A_100 = tpu.memref_squeeze %dma_start3A_99 : memref<1x128xi32, #tpu.memory_space<vmem>> -> memref<128xi32, #tpu.memory_space<vmem>>
      %dma_start3A_101 = arith.constant 0 : i32
      %dma_start3A_102 = tpu.memref_slice %arg3[%arg1, %dma_start3A_87, %dma_start3A_101] : memref<16x160x128xi32, #tpu.memory_space<hbm>> -> memref<1x1x128xi32, #tpu.memory_space<hbm>>
      %dma_start3A_103 = tpu.memref_squeeze %dma_start3A_102 : memref<1x1x128xi32, #tpu.memory_space<hbm>> -> memref<128xi32, #tpu.memory_space<hbm>>
      tpu.enqueue_dma source(%dma_start3A_103 : memref<128xi32, #tpu.memory_space<hbm>>) target(%dma_start3A_100 : memref<128xi32, #tpu.memory_space<vmem>>) target_semaphore(%dma_start3A_97 : memref<!tpu.dma_semaphore, #tpu.memory_space<semaphore_mem>>)
      %dma_start3A_104 = arith.constant 81 : i32
      %dma_start3A_105 = arith.constant 1 : i32
      %dma_start3A_106 = arith.constant 1 : i32
      %dma_start3A_107 = arith.constant 0 : i32
      %dma_start3A_108 = tpu.memref_slice %arg7[%dma_start3A_105, %dma_start3A_107] : memref<2x128xi32, #tpu.memory_space<vmem>> -> memref<1x128xi32, #tpu.memory_space<vmem>>
      %dma_start3A_109 = tpu.memref_squeeze %dma_start3A_108 : memref<1x128xi32, #tpu.memory_space<vmem>> -> memref<128xi32, #tpu.memory_space<vmem>>
      %dma_start3A_110 = arith.constant 0 : i32
      %dma_start3A_111 = tpu.memref_slice %arg3[%arg1, %dma_start3A_104, %dma_start3A_110] : memref<16x160x128xi32, #tpu.memory_space<hbm>> -> memref<1x1x128xi32, #tpu.memory_space<hbm>>
      %dma_start3A_112 = tpu.memref_squeeze %dma_start3A_111 : memref<1x1x128xi32, #tpu.memory_space<hbm>> -> memref<128xi32, #tpu.memory_space<hbm>>
      %dma_start3A_113 = tpu.memref_slice %arg10[%dma_start3A_106] : memref<2x!tpu.dma_semaphore, #tpu.memory_space<semaphore_mem>> -> memref<1x!tpu.dma_semaphore, #tpu.memory_space<semaphore_mem>>
      %dma_start3A_114 = tpu.memref_squeeze %dma_start3A_113 : memref<1x!tpu.dma_semaphore, #tpu.memory_space<semaphore_mem>> -> memref<!tpu.dma_semaphore, #tpu.memory_space<semaphore_mem>>
      %dma_start3A_115 = arith.constant 0 : i32
      %dma_start3A_116 = tpu.memref_slice %arg7[%dma_start3A_105, %dma_start3A_115] : memref<2x128xi32, #tpu.memory_space<vmem>> -> memref<1x128xi32, #tpu.memory_space<vmem>>
      %dma_start3A_117 = tpu.memref_squeeze %dma_start3A_116 : memref<1x128xi32, #tpu.memory_space<vmem>> -> memref<128xi32, #tpu.memory_space<vmem>>
      %dma_start3A_118 = arith.constant 0 : i32
      %dma_start3A_119 = tpu.memref_slice %arg3[%arg1, %dma_start3A_104, %dma_start3A_118] : memref<16x160x128xi32, #tpu.memory_space<hbm>> -> memref<1x1x128xi32, #tpu.memory_space<hbm>>
      %dma_start3A_120 = tpu.memref_squeeze %dma_start3A_119 : memref<1x1x128xi32, #tpu.memory_space<hbm>> -> memref<128xi32, #tpu.memory_space<hbm>>
      tpu.enqueue_dma source(%dma_start3A_120 : memref<128xi32, #tpu.memory_space<hbm>>) target(%dma_start3A_117 : memref<128xi32, #tpu.memory_space<vmem>>) target_semaphore(%dma_start3A_114 : memref<!tpu.dma_semaphore, #tpu.memory_space<semaphore_mem>>)
      %dma_wait3A_121 = arith.constant 80 : i32
      %dma_wait3A_122 = arith.constant 0 : i32
      %dma_wait3A_123 = arith.constant 0 : i32
      %dma_wait3A_124 = arith.constant 0 : i32
      %dma_wait3A_125 = tpu.memref_slice %arg7[%dma_wait3A_122, %dma_wait3A_124] : memref<2x128xi32, #tpu.memory_space<vmem>> -> memref<1x128xi32, #tpu.memory_space<vmem>>
      %dma_wait3A_126 = tpu.memref_squeeze %dma_wait3A_125 : memref<1x128xi32, #tpu.memory_space<vmem>> -> memref<128xi32, #tpu.memory_space<vmem>>
      %dma_wait3A_127 = arith.constant 0 : i32
      %dma_wait3A_128 = tpu.memref_slice %arg3[%arg1, %dma_wait3A_121, %dma_wait3A_127] : memref<16x160x128xi32, #tpu.memory_space<hbm>> -> memref<1x1x128xi32, #tpu.memory_space<hbm>>
      %dma_wait3A_129 = tpu.memref_squeeze %dma_wait3A_128 : memref<1x1x128xi32, #tpu.memory_space<hbm>> -> memref<128xi32, #tpu.memory_space<hbm>>
      %dma_wait3A_130 = tpu.memref_slice %arg10[%dma_wait3A_123] : memref<2x!tpu.dma_semaphore, #tpu.memory_space<semaphore_mem>> -> memref<1x!tpu.dma_semaphore, #tpu.memory_space<semaphore_mem>>
      %dma_wait3A_131 = tpu.memref_squeeze %dma_wait3A_130 : memref<1x!tpu.dma_semaphore, #tpu.memory_space<semaphore_mem>> -> memref<!tpu.dma_semaphore, #tpu.memory_space<semaphore_mem>>
      %dma_wait3A_132 = arith.constant 0 : i32
      %dma_wait3A_133 = tpu.memref_slice %arg7[%dma_wait3A_122, %dma_wait3A_132] : memref<2x128xi32, #tpu.memory_space<vmem>> -> memref<1x128xi32, #tpu.memory_space<vmem>>
      %dma_wait3A_134 = tpu.memref_squeeze %dma_wait3A_133 : memref<1x128xi32, #tpu.memory_space<vmem>> -> memref<128xi32, #tpu.memory_space<vmem>>
      %dma_wait3A_135 = arith.constant 0 : i32
      %dma_wait3A_136 = tpu.memref_slice %arg3[%arg1, %dma_wait3A_121, %dma_wait3A_135] : memref<16x160x128xi32, #tpu.memory_space<hbm>> -> memref<1x1x128xi32, #tpu.memory_space<hbm>>
      %dma_wait3A_137 = tpu.memref_squeeze %dma_wait3A_136 : memref<1x1x128xi32, #tpu.memory_space<hbm>> -> memref<128xi32, #tpu.memory_space<hbm>>
      tpu.wait_dma2 semaphore(%dma_wait3A_131 : memref<!tpu.dma_semaphore, #tpu.memory_space<semaphore_mem>>) src(%dma_wait3A_137 : memref<128xi32, #tpu.memory_space<hbm>>) dst(%dma_wait3A_134 : memref<128xi32, #tpu.memory_space<vmem>>)
      %dma_start3A_138 = arith.constant 0 : i32
      %dma_start3A_139 = arith.constant 0 : i32
      %dma_start3A_140 = arith.constant 0 : i32
      %dma_start3A_141 = arith.constant 0 : i32
      %dma_start3A_142 = arith.constant 0 : i32
      %dma_start3A_143 = tpu.memref_slice %arg9[%dma_start3A_139, %dma_start3A_141, %dma_start3A_142] : memref<2x128x128xf32, #tpu.memory_space<vmem>> -> memref<1x128x128xf32, #tpu.memory_space<vmem>>
      %dma_start3A_144 = tpu.memref_squeeze %dma_start3A_143 : memref<1x128x128xf32, #tpu.memory_space<vmem>> -> memref<128x128xf32, #tpu.memory_space<vmem>>
      %dma_start3A_145 = arith.constant 0 : i32
      %dma_start3A_146 = tpu.memref_slice %arg7[%dma_start3A_138, %dma_start3A_145] : memref<2x128xi32, #tpu.memory_space<vmem>> -> memref<1x128xi32, #tpu.memory_space<vmem>>
      %dma_start3A_147 = tpu.memref_squeeze %dma_start3A_146 : memref<1x128xi32, #tpu.memory_space<vmem>> -> memref<128xi32, #tpu.memory_space<vmem>>
      %dma_start3A_148 = arith.constant 0 : i32
      %dma_start3A_149 = arith.constant 0 : i32
      %dma_start3A_150 = tpu.memref_slice %arg2[%dma_start3A_148, %dma_start3A_149] : memref<10000x128xf32, #tpu.memory_space<hbm>> -> memref<10000x128xf32, #tpu.memory_space<hbm>>
      %dma_start3A_151 = tpu.memref_slice %arg11[%dma_start3A_140] : memref<2x!tpu.dma_semaphore, #tpu.memory_space<semaphore_mem>> -> memref<1x!tpu.dma_semaphore, #tpu.memory_space<semaphore_mem>>
      %dma_start3A_152 = tpu.memref_squeeze %dma_start3A_151 : memref<1x!tpu.dma_semaphore, #tpu.memory_space<semaphore_mem>> -> memref<!tpu.dma_semaphore, #tpu.memory_space<semaphore_mem>>
      tpu.enqueue_indirect_dma source(%dma_start3A_150 : memref<10000x128xf32, #tpu.memory_space<hbm>>) target(%dma_start3A_144 : memref<128x128xf32, #tpu.memory_space<vmem>>) offsets(%dma_start3A_147 : memref<128xi32, #tpu.memory_space<vmem>>) semaphore(%dma_start3A_152 : memref<!tpu.dma_semaphore, #tpu.memory_space<semaphore_mem>>)
      %scan3A_153 = arith.constant 0 : i32
      %scan3A_154 = arith.constant 0 : i32
      %scan3A_155 = arith.constant 40 : i32
      %scan3A_156 = arith.addi %scan3A_154, %scan3A_155 : i32
      %scan3A_157 = arith.constant 1 : i32
      scf.for %scan3A_179 = %scan3A_154 to %scan3A_156 step %scan3A_157  : i32 {
        %mul3A_180 = arith.constant 2 : i32
        %mul3A_181 = arith.muli %scan3A_179, %mul3A_180 : i32
        %add3A = arith.constant 0 : i32
        %add3A_182 = arith.addi %mul3A_181, %add3A : i32
        %ge3A = arith.constant 1 : i32
        %ge3A_183 = arith.cmpi sge, %add3A_182, %ge3A : i32
        %convert_element_type3A_184 = arith.extui %ge3A_183 : i1 to i32
        %cond3A_185 = arith.constant 0 : i32
        %cond3A_186 = arith.cmpi ne, %convert_element_type3A_184, %cond3A_185 : i32
        scf.if %cond3A_186 {
          %sub3A = arith.constant 1 : i32
          %sub3A_281 = arith.subi %add3A_182, %sub3A : i32
          %dma_wait3A_282 = arith.constant 1 : i32
          %dma_wait3A_283 = arith.constant 1 : i32
          %dma_wait3A_284 = arith.constant 0 : i32
          %dma_wait3A_285 = arith.constant 0 : i32
          %dma_wait3A_286 = tpu.memref_slice %arg9[%dma_wait3A_282, %dma_wait3A_284, %dma_wait3A_285] : memref<2x128x128xf32, #tpu.memory_space<vmem>> -> memref<1x128x128xf32, #tpu.memory_space<vmem>>
          %dma_wait3A_287 = tpu.memref_squeeze %dma_wait3A_286 : memref<1x128x128xf32, #tpu.memory_space<vmem>> -> memref<128x128xf32, #tpu.memory_space<vmem>>
          %dma_wait3A_288 = arith.constant 0 : i32
          %dma_wait3A_289 = tpu.memref_slice %arg8[%sub3A_281, %dma_wait3A_288] : memref<80x128xi32, #tpu.memory_space<vmem>> -> memref<1x128xi32, #tpu.memory_space<vmem>>
          %dma_wait3A_290 = tpu.memref_squeeze %dma_wait3A_289 : memref<1x128xi32, #tpu.memory_space<vmem>> -> memref<128xi32, #tpu.memory_space<vmem>>
          %dma_wait3A_291 = arith.constant 0 : i32
          %dma_wait3A_292 = arith.constant 0 : i32
          %dma_wait3A_293 = tpu.memref_slice %arg13[%dma_wait3A_291, %dma_wait3A_292] : memref<10112x128xf32, #tpu.memory_space<vmem_shared>> -> memref<10112x128xf32, #tpu.memory_space<vmem_shared>>
          %dma_wait3A_294 = tpu.memref_slice %arg12[%dma_wait3A_283] : memref<2x!tpu.dma_semaphore, #tpu.memory_space<semaphore_mem>> -> memref<1x!tpu.dma_semaphore, #tpu.memory_space<semaphore_mem>>
          %dma_wait3A_295 = tpu.memref_squeeze %dma_wait3A_294 : memref<1x!tpu.dma_semaphore, #tpu.memory_space<semaphore_mem>> -> memref<!tpu.dma_semaphore, #tpu.memory_space<semaphore_mem>>
          tpu.wait_indirect_dma semaphore(%dma_wait3A_295 : memref<!tpu.dma_semaphore, #tpu.memory_space<semaphore_mem>>) src(%dma_wait3A_287 : memref<128x128xf32, #tpu.memory_space<vmem>>) dst(%dma_wait3A_293 : memref<10112x128xf32, #tpu.memory_space<vmem_shared>>)
        } else {
        }
        %add3A_187 = arith.constant 1 : i32
        %add3A_188 = arith.addi %add3A_182, %add3A_187 : i32
        %lt3A = arith.constant 80 : i32
        %lt3A_189 = arith.cmpi slt, %add3A_188, %lt3A : i32
        %convert_element_type3A_190 = arith.extui %lt3A_189 : i1 to i32
        %cond3A_191 = arith.constant 0 : i32
        %cond3A_192 = arith.cmpi ne, %convert_element_type3A_190, %cond3A_191 : i32
        scf.if %cond3A_192 {
          %add3A_281 = arith.constant 80 : i32
          %add3A_282 = arith.addi %add3A_281, %add3A_182 : i32
          %add3A_283 = arith.constant 1 : i32
          %add3A_284 = arith.addi %add3A_282, %add3A_283 : i32
          %dma_wait3A_285 = arith.constant 1 : i32
          %dma_wait3A_286 = arith.constant 1 : i32
          %dma_wait3A_287 = arith.constant 0 : i32
          %dma_wait3A_288 = tpu.memref_slice %arg7[%dma_wait3A_285, %dma_wait3A_287] : memref<2x128xi32, #tpu.memory_space<vmem>> -> memref<1x128xi32, #tpu.memory_space<vmem>>
          %dma_wait3A_289 = tpu.memref_squeeze %dma_wait3A_288 : memref<1x128xi32, #tpu.memory_space<vmem>> -> memref<128xi32, #tpu.memory_space<vmem>>
          %dma_wait3A_290 = arith.constant 0 : i32
          %dma_wait3A_291 = tpu.memref_slice %arg3[%arg1, %add3A_284, %dma_wait3A_290] : memref<16x160x128xi32, #tpu.memory_space<hbm>> -> memref<1x1x128xi32, #tpu.memory_space<hbm>>
          %dma_wait3A_292 = tpu.memref_squeeze %dma_wait3A_291 : memref<1x1x128xi32, #tpu.memory_space<hbm>> -> memref<128xi32, #tpu.memory_space<hbm>>
          %dma_wait3A_293 = tpu.memref_slice %arg10[%dma_wait3A_286] : memref<2x!tpu.dma_semaphore, #tpu.memory_space<semaphore_mem>> -> memref<1x!tpu.dma_semaphore, #tpu.memory_space<semaphore_mem>>
          %dma_wait3A_294 = tpu.memref_squeeze %dma_wait3A_293 : memref<1x!tpu.dma_semaphore, #tpu.memory_space<semaphore_mem>> -> memref<!tpu.dma_semaphore, #tpu.memory_space<semaphore_mem>>
          %dma_wait3A_295 = arith.constant 0 : i32
          %dma_wait3A_296 = tpu.memref_slice %arg7[%dma_wait3A_285, %dma_wait3A_295] : memref<2x128xi32, #tpu.memory_space<vmem>> -> memref<1x128xi32, #tpu.memory_space<vmem>>
          %dma_wait3A_297 = tpu.memref_squeeze %dma_wait3A_296 : memref<1x128xi32, #tpu.memory_space<vmem>> -> memref<128xi32, #tpu.memory_space<vmem>>
          %dma_wait3A_298 = arith.constant 0 : i32
          %dma_wait3A_299 = tpu.memref_slice %arg3[%arg1, %add3A_284, %dma_wait3A_298] : memref<16x160x128xi32, #tpu.memory_space<hbm>> -> memref<1x1x128xi32, #tpu.memory_space<hbm>>
          %dma_wait3A_300 = tpu.memref_squeeze %dma_wait3A_299 : memref<1x1x128xi32, #tpu.memory_space<hbm>> -> memref<128xi32, #tpu.memory_space<hbm>>
          tpu.wait_dma2 semaphore(%dma_wait3A_294 : memref<!tpu.dma_semaphore, #tpu.memory_space<semaphore_mem>>) src(%dma_wait3A_300 : memref<128xi32, #tpu.memory_space<hbm>>) dst(%dma_wait3A_297 : memref<128xi32, #tpu.memory_space<vmem>>)
          %dma_start3A_301 = arith.constant 1 : i32
          %dma_start3A_302 = arith.constant 1 : i32
          %dma_start3A_303 = arith.constant 1 : i32
          %dma_start3A_304 = arith.constant 0 : i32
          %dma_start3A_305 = arith.constant 0 : i32
          %dma_start3A_306 = tpu.memref_slice %arg9[%dma_start3A_302, %dma_start3A_304, %dma_start3A_305] : memref<2x128x128xf32, #tpu.memory_space<vmem>> -> memref<1x128x128xf32, #tpu.memory_space<vmem>>
          %dma_start3A_307 = tpu.memref_squeeze %dma_start3A_306 : memref<1x128x128xf32, #tpu.memory_space<vmem>> -> memref<128x128xf32, #tpu.memory_space<vmem>>
          %dma_start3A_308 = arith.constant 0 : i32
          %dma_start3A_309 = tpu.memref_slice %arg7[%dma_start3A_301, %dma_start3A_308] : memref<2x128xi32, #tpu.memory_space<vmem>> -> memref<1x128xi32, #tpu.memory_space<vmem>>
          %dma_start3A_310 = tpu.memref_squeeze %dma_start3A_309 : memref<1x128xi32, #tpu.memory_space<vmem>> -> memref<128xi32, #tpu.memory_space<vmem>>
          %dma_start3A_311 = arith.constant 0 : i32
          %dma_start3A_312 = arith.constant 0 : i32
          %dma_start3A_313 = tpu.memref_slice %arg2[%dma_start3A_311, %dma_start3A_312] : memref<10000x128xf32, #tpu.memory_space<hbm>> -> memref<10000x128xf32, #tpu.memory_space<hbm>>
          %dma_start3A_314 = tpu.memref_slice %arg11[%dma_start3A_303] : memref<2x!tpu.dma_semaphore, #tpu.memory_space<semaphore_mem>> -> memref<1x!tpu.dma_semaphore, #tpu.memory_space<semaphore_mem>>
          %dma_start3A_315 = tpu.memref_squeeze %dma_start3A_314 : memref<1x!tpu.dma_semaphore, #tpu.memory_space<semaphore_mem>> -> memref<!tpu.dma_semaphore, #tpu.memory_space<semaphore_mem>>
          tpu.enqueue_indirect_dma source(%dma_start3A_313 : memref<10000x128xf32, #tpu.memory_space<hbm>>) target(%dma_start3A_307 : memref<128x128xf32, #tpu.memory_space<vmem>>) offsets(%dma_start3A_310 : memref<128xi32, #tpu.memory_space<vmem>>) semaphore(%dma_start3A_315 : memref<!tpu.dma_semaphore, #tpu.memory_space<semaphore_mem>>)
        } else {
        }
        %dma_wait3A_193 = arith.constant 0 : i32
        %dma_wait3A_194 = arith.constant 0 : i32
        %dma_wait3A_195 = arith.constant 0 : i32
        %dma_wait3A_196 = arith.constant 0 : i32
        %dma_wait3A_197 = arith.constant 0 : i32
        %dma_wait3A_198 = tpu.memref_slice %arg9[%dma_wait3A_194, %dma_wait3A_196, %dma_wait3A_197] : memref<2x128x128xf32, #tpu.memory_space<vmem>> -> memref<1x128x128xf32, #tpu.memory_space<vmem>>
        %dma_wait3A_199 = tpu.memref_squeeze %dma_wait3A_198 : memref<1x128x128xf32, #tpu.memory_space<vmem>> -> memref<128x128xf32, #tpu.memory_space<vmem>>
        %dma_wait3A_200 = arith.constant 0 : i32
        %dma_wait3A_201 = tpu.memref_slice %arg7[%dma_wait3A_193, %dma_wait3A_200] : memref<2x128xi32, #tpu.memory_space<vmem>> -> memref<1x128xi32, #tpu.memory_space<vmem>>
        %dma_wait3A_202 = tpu.memref_squeeze %dma_wait3A_201 : memref<1x128xi32, #tpu.memory_space<vmem>> -> memref<128xi32, #tpu.memory_space<vmem>>
        %dma_wait3A_203 = arith.constant 0 : i32
        %dma_wait3A_204 = arith.constant 0 : i32
        %dma_wait3A_205 = tpu.memref_slice %arg2[%dma_wait3A_203, %dma_wait3A_204] : memref<10000x128xf32, #tpu.memory_space<hbm>> -> memref<10000x128xf32, #tpu.memory_space<hbm>>
        %dma_wait3A_206 = tpu.memref_slice %arg11[%dma_wait3A_195] : memref<2x!tpu.dma_semaphore, #tpu.memory_space<semaphore_mem>> -> memref<1x!tpu.dma_semaphore, #tpu.memory_space<semaphore_mem>>
        %dma_wait3A_207 = tpu.memref_squeeze %dma_wait3A_206 : memref<1x!tpu.dma_semaphore, #tpu.memory_space<semaphore_mem>> -> memref<!tpu.dma_semaphore, #tpu.memory_space<semaphore_mem>>
        tpu.wait_indirect_dma semaphore(%dma_wait3A_207 : memref<!tpu.dma_semaphore, #tpu.memory_space<semaphore_mem>>) src(%dma_wait3A_205 : memref<10000x128xf32, #tpu.memory_space<hbm>>) dst(%dma_wait3A_199 : memref<128x128xf32, #tpu.memory_space<vmem>>)
        %dma_start3A_208 = arith.constant 0 : i32
        %dma_start3A_209 = arith.constant 0 : i32
        %dma_start3A_210 = arith.constant 0 : i32
        %dma_start3A_211 = arith.constant 0 : i32
        %dma_start3A_212 = tpu.memref_slice %arg9[%dma_start3A_208, %dma_start3A_210, %dma_start3A_211] : memref<2x128x128xf32, #tpu.memory_space<vmem>> -> memref<1x128x128xf32, #tpu.memory_space<vmem>>
        %dma_start3A_213 = tpu.memref_squeeze %dma_start3A_212 : memref<1x128x128xf32, #tpu.memory_space<vmem>> -> memref<128x128xf32, #tpu.memory_space<vmem>>
        %dma_start3A_214 = arith.constant 0 : i32
        %dma_start3A_215 = tpu.memref_slice %arg8[%add3A_182, %dma_start3A_214] : memref<80x128xi32, #tpu.memory_space<vmem>> -> memref<1x128xi32, #tpu.memory_space<vmem>>
        %dma_start3A_216 = tpu.memref_squeeze %dma_start3A_215 : memref<1x128xi32, #tpu.memory_space<vmem>> -> memref<128xi32, #tpu.memory_space<vmem>>
        %dma_start3A_217 = arith.constant 0 : i32
        %dma_start3A_218 = arith.constant 0 : i32
        %dma_start3A_219 = tpu.memref_slice %arg13[%dma_start3A_217, %dma_start3A_218] : memref<10112x128xf32, #tpu.memory_space<vmem_shared>> -> memref<10112x128xf32, #tpu.memory_space<vmem_shared>>
        %dma_start3A_220 = tpu.memref_slice %arg12[%dma_start3A_209] : memref<2x!tpu.dma_semaphore, #tpu.memory_space<semaphore_mem>> -> memref<1x!tpu.dma_semaphore, #tpu.memory_space<semaphore_mem>>
        %dma_start3A_221 = tpu.memref_squeeze %dma_start3A_220 : memref<1x!tpu.dma_semaphore, #tpu.memory_space<semaphore_mem>> -> memref<!tpu.dma_semaphore, #tpu.memory_space<semaphore_mem>>
        tpu.enqueue_indirect_dma source(%dma_start3A_213 : memref<128x128xf32, #tpu.memory_space<vmem>>) target(%dma_start3A_219 : memref<10112x128xf32, #tpu.memory_space<vmem_shared>>) offsets(%dma_start3A_216 : memref<128xi32, #tpu.memory_space<vmem>>) semaphore(%dma_start3A_221 : memref<!tpu.dma_semaphore, #tpu.memory_space<semaphore_mem>>) {add = true}
        %add3A_222 = arith.constant 2 : i32
        %add3A_223 = arith.addi %add3A_182, %add3A_222 : i32
        %lt3A_224 = arith.constant 80 : i32
        %lt3A_225 = arith.cmpi slt, %add3A_223, %lt3A_224 : i32
        %convert_element_type3A_226 = arith.extui %lt3A_225 : i1 to i32
        %cond3A_227 = arith.constant 0 : i32
        %cond3A_228 = arith.cmpi ne, %convert_element_type3A_226, %cond3A_227 : i32
        scf.if %cond3A_228 {
          %add3A_281 = arith.constant 80 : i32
          %add3A_282 = arith.addi %add3A_281, %add3A_182 : i32
          %add3A_283 = arith.constant 2 : i32
          %add3A_284 = arith.addi %add3A_282, %add3A_283 : i32
          %dma_start3A_285 = arith.constant 0 : i32
          %dma_start3A_286 = arith.constant 0 : i32
          %dma_start3A_287 = arith.constant 0 : i32
          %dma_start3A_288 = tpu.memref_slice %arg7[%dma_start3A_285, %dma_start3A_287] : memref<2x128xi32, #tpu.memory_space<vmem>> -> memref<1x128xi32, #tpu.memory_space<vmem>>
          %dma_start3A_289 = tpu.memref_squeeze %dma_start3A_288 : memref<1x128xi32, #tpu.memory_space<vmem>> -> memref<128xi32, #tpu.memory_space<vmem>>
          %dma_start3A_290 = arith.constant 0 : i32
          %dma_start3A_291 = tpu.memref_slice %arg3[%arg1, %add3A_284, %dma_start3A_290] : memref<16x160x128xi32, #tpu.memory_space<hbm>> -> memref<1x1x128xi32, #tpu.memory_space<hbm>>
          %dma_start3A_292 = tpu.memref_squeeze %dma_start3A_291 : memref<1x1x128xi32, #tpu.memory_space<hbm>> -> memref<128xi32, #tpu.memory_space<hbm>>
          %dma_start3A_293 = tpu.memref_slice %arg10[%dma_start3A_286] : memref<2x!tpu.dma_semaphore, #tpu.memory_space<semaphore_mem>> -> memref<1x!tpu.dma_semaphore, #tpu.memory_space<semaphore_mem>>
          %dma_start3A_294 = tpu.memref_squeeze %dma_start3A_293 : memref<1x!tpu.dma_semaphore, #tpu.memory_space<semaphore_mem>> -> memref<!tpu.dma_semaphore, #tpu.memory_space<semaphore_mem>>
          %dma_start3A_295 = arith.constant 0 : i32
          %dma_start3A_296 = tpu.memref_slice %arg7[%dma_start3A_285, %dma_start3A_295] : memref<2x128xi32, #tpu.memory_space<vmem>> -> memref<1x128xi32, #tpu.memory_space<vmem>>
          %dma_start3A_297 = tpu.memref_squeeze %dma_start3A_296 : memref<1x128xi32, #tpu.memory_space<vmem>> -> memref<128xi32, #tpu.memory_space<vmem>>
          %dma_start3A_298 = arith.constant 0 : i32
          %dma_start3A_299 = tpu.memref_slice %arg3[%arg1, %add3A_284, %dma_start3A_298] : memref<16x160x128xi32, #tpu.memory_space<hbm>> -> memref<1x1x128xi32, #tpu.memory_space<hbm>>
          %dma_start3A_300 = tpu.memref_squeeze %dma_start3A_299 : memref<1x1x128xi32, #tpu.memory_space<hbm>> -> memref<128xi32, #tpu.memory_space<hbm>>
          tpu.enqueue_dma source(%dma_start3A_300 : memref<128xi32, #tpu.memory_space<hbm>>) target(%dma_start3A_297 : memref<128xi32, #tpu.memory_space<vmem>>) target_semaphore(%dma_start3A_294 : memref<!tpu.dma_semaphore, #tpu.memory_space<semaphore_mem>>)
        } else {
        }
        %mul3A_229 = arith.constant 2 : i32
        %mul3A_230 = arith.muli %scan3A_179, %mul3A_229 : i32
        %add3A_231 = arith.constant 1 : i32
        %add3A_232 = arith.addi %mul3A_230, %add3A_231 : i32
        %ge3A_233 = arith.constant 1 : i32
        %ge3A_234 = arith.cmpi sge, %add3A_232, %ge3A_233 : i32
        %convert_element_type3A_235 = arith.extui %ge3A_234 : i1 to i32
        %cond3A_236 = arith.constant 0 : i32
        %cond3A_237 = arith.cmpi ne, %convert_element_type3A_235, %cond3A_236 : i32
        scf.if %cond3A_237 {
          %sub3A = arith.constant 1 : i32
          %sub3A_281 = arith.subi %add3A_232, %sub3A : i32
          %dma_wait3A_282 = arith.constant 0 : i32
          %dma_wait3A_283 = arith.constant 0 : i32
          %dma_wait3A_284 = arith.constant 0 : i32
          %dma_wait3A_285 = arith.constant 0 : i32
          %dma_wait3A_286 = tpu.memref_slice %arg9[%dma_wait3A_282, %dma_wait3A_284, %dma_wait3A_285] : memref<2x128x128xf32, #tpu.memory_space<vmem>> -> memref<1x128x128xf32, #tpu.memory_space<vmem>>
          %dma_wait3A_287 = tpu.memref_squeeze %dma_wait3A_286 : memref<1x128x128xf32, #tpu.memory_space<vmem>> -> memref<128x128xf32, #tpu.memory_space<vmem>>
          %dma_wait3A_288 = arith.constant 0 : i32
          %dma_wait3A_289 = tpu.memref_slice %arg8[%sub3A_281, %dma_wait3A_288] : memref<80x128xi32, #tpu.memory_space<vmem>> -> memref<1x128xi32, #tpu.memory_space<vmem>>
          %dma_wait3A_290 = tpu.memref_squeeze %dma_wait3A_289 : memref<1x128xi32, #tpu.memory_space<vmem>> -> memref<128xi32, #tpu.memory_space<vmem>>
          %dma_wait3A_291 = arith.constant 0 : i32
          %dma_wait3A_292 = arith.constant 0 : i32
          %dma_wait3A_293 = tpu.memref_slice %arg13[%dma_wait3A_291, %dma_wait3A_292] : memref<10112x128xf32, #tpu.memory_space<vmem_shared>> -> memref<10112x128xf32, #tpu.memory_space<vmem_shared>>
          %dma_wait3A_294 = tpu.memref_slice %arg12[%dma_wait3A_283] : memref<2x!tpu.dma_semaphore, #tpu.memory_space<semaphore_mem>> -> memref<1x!tpu.dma_semaphore, #tpu.memory_space<semaphore_mem>>
          %dma_wait3A_295 = tpu.memref_squeeze %dma_wait3A_294 : memref<1x!tpu.dma_semaphore, #tpu.memory_space<semaphore_mem>> -> memref<!tpu.dma_semaphore, #tpu.memory_space<semaphore_mem>>
          tpu.wait_indirect_dma semaphore(%dma_wait3A_295 : memref<!tpu.dma_semaphore, #tpu.memory_space<semaphore_mem>>) src(%dma_wait3A_287 : memref<128x128xf32, #tpu.memory_space<vmem>>) dst(%dma_wait3A_293 : memref<10112x128xf32, #tpu.memory_space<vmem_shared>>)
        } else {
        }
        %add3A_238 = arith.constant 1 : i32
        %add3A_239 = arith.addi %add3A_232, %add3A_238 : i32
        %lt3A_240 = arith.constant 80 : i32
        %lt3A_241 = arith.cmpi slt, %add3A_239, %lt3A_240 : i32
        %convert_element_type3A_242 = arith.extui %lt3A_241 : i1 to i32
        %cond3A_243 = arith.constant 0 : i32
        %cond3A_244 = arith.cmpi ne, %convert_element_type3A_242, %cond3A_243 : i32
        scf.if %cond3A_244 {
          %add3A_281 = arith.constant 80 : i32
          %add3A_282 = arith.addi %add3A_281, %add3A_232 : i32
          %add3A_283 = arith.constant 1 : i32
          %add3A_284 = arith.addi %add3A_282, %add3A_283 : i32
          %dma_wait3A_285 = arith.constant 0 : i32
          %dma_wait3A_286 = arith.constant 0 : i32
          %dma_wait3A_287 = arith.constant 0 : i32
          %dma_wait3A_288 = tpu.memref_slice %arg7[%dma_wait3A_285, %dma_wait3A_287] : memref<2x128xi32, #tpu.memory_space<vmem>> -> memref<1x128xi32, #tpu.memory_space<vmem>>
          %dma_wait3A_289 = tpu.memref_squeeze %dma_wait3A_288 : memref<1x128xi32, #tpu.memory_space<vmem>> -> memref<128xi32, #tpu.memory_space<vmem>>
          %dma_wait3A_290 = arith.constant 0 : i32
          %dma_wait3A_291 = tpu.memref_slice %arg3[%arg1, %add3A_284, %dma_wait3A_290] : memref<16x160x128xi32, #tpu.memory_space<hbm>> -> memref<1x1x128xi32, #tpu.memory_space<hbm>>
          %dma_wait3A_292 = tpu.memref_squeeze %dma_wait3A_291 : memref<1x1x128xi32, #tpu.memory_space<hbm>> -> memref<128xi32, #tpu.memory_space<hbm>>
          %dma_wait3A_293 = tpu.memref_slice %arg10[%dma_wait3A_286] : memref<2x!tpu.dma_semaphore, #tpu.memory_space<semaphore_mem>> -> memref<1x!tpu.dma_semaphore, #tpu.memory_space<semaphore_mem>>
          %dma_wait3A_294 = tpu.memref_squeeze %dma_wait3A_293 : memref<1x!tpu.dma_semaphore, #tpu.memory_space<semaphore_mem>> -> memref<!tpu.dma_semaphore, #tpu.memory_space<semaphore_mem>>
          %dma_wait3A_295 = arith.constant 0 : i32
          %dma_wait3A_296 = tpu.memref_slice %arg7[%dma_wait3A_285, %dma_wait3A_295] : memref<2x128xi32, #tpu.memory_space<vmem>> -> memref<1x128xi32, #tpu.memory_space<vmem>>
          %dma_wait3A_297 = tpu.memref_squeeze %dma_wait3A_296 : memref<1x128xi32, #tpu.memory_space<vmem>> -> memref<128xi32, #tpu.memory_space<vmem>>
          %dma_wait3A_298 = arith.constant 0 : i32
          %dma_wait3A_299 = tpu.memref_slice %arg3[%arg1, %add3A_284, %dma_wait3A_298] : memref<16x160x128xi32, #tpu.memory_space<hbm>> -> memref<1x1x128xi32, #tpu.memory_space<hbm>>
          %dma_wait3A_300 = tpu.memref_squeeze %dma_wait3A_299 : memref<1x1x128xi32, #tpu.memory_space<hbm>> -> memref<128xi32, #tpu.memory_space<hbm>>
          tpu.wait_dma2 semaphore(%dma_wait3A_294 : memref<!tpu.dma_semaphore, #tpu.memory_space<semaphore_mem>>) src(%dma_wait3A_300 : memref<128xi32, #tpu.memory_space<hbm>>) dst(%dma_wait3A_297 : memref<128xi32, #tpu.memory_space<vmem>>)
          %dma_start3A_301 = arith.constant 0 : i32
          %dma_start3A_302 = arith.constant 0 : i32
          %dma_start3A_303 = arith.constant 0 : i32
          %dma_start3A_304 = arith.constant 0 : i32
          %dma_start3A_305 = arith.constant 0 : i32
          %dma_start3A_306 = tpu.memref_slice %arg9[%dma_start3A_302, %dma_start3A_304, %dma_start3A_305] : memref<2x128x128xf32, #tpu.memory_space<vmem>> -> memref<1x128x128xf32, #tpu.memory_space<vmem>>
          %dma_start3A_307 = tpu.memref_squeeze %dma_start3A_306 : memref<1x128x128xf32, #tpu.memory_space<vmem>> -> memref<128x128xf32, #tpu.memory_space<vmem>>
          %dma_start3A_308 = arith.constant 0 : i32
          %dma_start3A_309 = tpu.memref_slice %arg7[%dma_start3A_301, %dma_start3A_308] : memref<2x128xi32, #tpu.memory_space<vmem>> -> memref<1x128xi32, #tpu.memory_space<vmem>>
          %dma_start3A_310 = tpu.memref_squeeze %dma_start3A_309 : memref<1x128xi32, #tpu.memory_space<vmem>> -> memref<128xi32, #tpu.memory_space<vmem>>
          %dma_start3A_311 = arith.constant 0 : i32
          %dma_start3A_312 = arith.constant 0 : i32
          %dma_start3A_313 = tpu.memref_slice %arg2[%dma_start3A_311, %dma_start3A_312] : memref<10000x128xf32, #tpu.memory_space<hbm>> -> memref<10000x128xf32, #tpu.memory_space<hbm>>
          %dma_start3A_314 = tpu.memref_slice %arg11[%dma_start3A_303] : memref<2x!tpu.dma_semaphore, #tpu.memory_space<semaphore_mem>> -> memref<1x!tpu.dma_semaphore, #tpu.memory_space<semaphore_mem>>
          %dma_start3A_315 = tpu.memref_squeeze %dma_start3A_314 : memref<1x!tpu.dma_semaphore, #tpu.memory_space<semaphore_mem>> -> memref<!tpu.dma_semaphore, #tpu.memory_space<semaphore_mem>>
          tpu.enqueue_indirect_dma source(%dma_start3A_313 : memref<10000x128xf32, #tpu.memory_space<hbm>>) target(%dma_start3A_307 : memref<128x128xf32, #tpu.memory_space<vmem>>) offsets(%dma_start3A_310 : memref<128xi32, #tpu.memory_space<vmem>>) semaphore(%dma_start3A_315 : memref<!tpu.dma_semaphore, #tpu.memory_space<semaphore_mem>>)
        } else {
        }
        %dma_wait3A_245 = arith.constant 1 : i32
        %dma_wait3A_246 = arith.constant 1 : i32
        %dma_wait3A_247 = arith.constant 1 : i32
        %dma_wait3A_248 = arith.constant 0 : i32
        %dma_wait3A_249 = arith.constant 0 : i32
        %dma_wait3A_250 = tpu.memref_slice %arg9[%dma_wait3A_246, %dma_wait3A_248, %dma_wait3A_249] : memref<2x128x128xf32, #tpu.memory_space<vmem>> -> memref<1x128x128xf32, #tpu.memory_space<vmem>>
        %dma_wait3A_251 = tpu.memref_squeeze %dma_wait3A_250 : memref<1x128x128xf32, #tpu.memory_space<vmem>> -> memref<128x128xf32, #tpu.memory_space<vmem>>
        %dma_wait3A_252 = arith.constant 0 : i32
        %dma_wait3A_253 = tpu.memref_slice %arg7[%dma_wait3A_245, %dma_wait3A_252] : memref<2x128xi32, #tpu.memory_space<vmem>> -> memref<1x128xi32, #tpu.memory_space<vmem>>
        %dma_wait3A_254 = tpu.memref_squeeze %dma_wait3A_253 : memref<1x128xi32, #tpu.memory_space<vmem>> -> memref<128xi32, #tpu.memory_space<vmem>>
        %dma_wait3A_255 = arith.constant 0 : i32
        %dma_wait3A_256 = arith.constant 0 : i32
        %dma_wait3A_257 = tpu.memref_slice %arg2[%dma_wait3A_255, %dma_wait3A_256] : memref<10000x128xf32, #tpu.memory_space<hbm>> -> memref<10000x128xf32, #tpu.memory_space<hbm>>
        %dma_wait3A_258 = tpu.memref_slice %arg11[%dma_wait3A_247] : memref<2x!tpu.dma_semaphore, #tpu.memory_space<semaphore_mem>> -> memref<1x!tpu.dma_semaphore, #tpu.memory_space<semaphore_mem>>
        %dma_wait3A_259 = tpu.memref_squeeze %dma_wait3A_258 : memref<1x!tpu.dma_semaphore, #tpu.memory_space<semaphore_mem>> -> memref<!tpu.dma_semaphore, #tpu.memory_space<semaphore_mem>>
        tpu.wait_indirect_dma semaphore(%dma_wait3A_259 : memref<!tpu.dma_semaphore, #tpu.memory_space<semaphore_mem>>) src(%dma_wait3A_257 : memref<10000x128xf32, #tpu.memory_space<hbm>>) dst(%dma_wait3A_251 : memref<128x128xf32, #tpu.memory_space<vmem>>)
        %dma_start3A_260 = arith.constant 1 : i32
        %dma_start3A_261 = arith.constant 1 : i32
        %dma_start3A_262 = arith.constant 0 : i32
        %dma_start3A_263 = arith.constant 0 : i32
        %dma_start3A_264 = tpu.memref_slice %arg9[%dma_start3A_260, %dma_start3A_262, %dma_start3A_263] : memref<2x128x128xf32, #tpu.memory_space<vmem>> -> memref<1x128x128xf32, #tpu.memory_space<vmem>>
        %dma_start3A_265 = tpu.memref_squeeze %dma_start3A_264 : memref<1x128x128xf32, #tpu.memory_space<vmem>> -> memref<128x128xf32, #tpu.memory_space<vmem>>
        %dma_start3A_266 = arith.constant 0 : i32
        %dma_start3A_267 = tpu.memref_slice %arg8[%add3A_232, %dma_start3A_266] : memref<80x128xi32, #tpu.memory_space<vmem>> -> memref<1x128xi32, #tpu.memory_space<vmem>>
        %dma_start3A_268 = tpu.memref_squeeze %dma_start3A_267 : memref<1x128xi32, #tpu.memory_space<vmem>> -> memref<128xi32, #tpu.memory_space<vmem>>
        %dma_start3A_269 = arith.constant 0 : i32
        %dma_start3A_270 = arith.constant 0 : i32
        %dma_start3A_271 = tpu.memref_slice %arg13[%dma_start3A_269, %dma_start3A_270] : memref<10112x128xf32, #tpu.memory_space<vmem_shared>> -> memref<10112x128xf32, #tpu.memory_space<vmem_shared>>
        %dma_start3A_272 = tpu.memref_slice %arg12[%dma_start3A_261] : memref<2x!tpu.dma_semaphore, #tpu.memory_space<semaphore_mem>> -> memref<1x!tpu.dma_semaphore, #tpu.memory_space<semaphore_mem>>
        %dma_start3A_273 = tpu.memref_squeeze %dma_start3A_272 : memref<1x!tpu.dma_semaphore, #tpu.memory_space<semaphore_mem>> -> memref<!tpu.dma_semaphore, #tpu.memory_space<semaphore_mem>>
        tpu.enqueue_indirect_dma source(%dma_start3A_265 : memref<128x128xf32, #tpu.memory_space<vmem>>) target(%dma_start3A_271 : memref<10112x128xf32, #tpu.memory_space<vmem_shared>>) offsets(%dma_start3A_268 : memref<128xi32, #tpu.memory_space<vmem>>) semaphore(%dma_start3A_273 : memref<!tpu.dma_semaphore, #tpu.memory_space<semaphore_mem>>) {add = true}
        %add3A_274 = arith.constant 2 : i32
        %add3A_275 = arith.addi %add3A_232, %add3A_274 : i32
        %lt3A_276 = arith.constant 80 : i32
        %lt3A_277 = arith.cmpi slt, %add3A_275, %lt3A_276 : i32
        %convert_element_type3A_278 = arith.extui %lt3A_277 : i1 to i32
        %cond3A_279 = arith.constant 0 : i32
        %cond3A_280 = arith.cmpi ne, %convert_element_type3A_278, %cond3A_279 : i32
        scf.if %cond3A_280 {
          %add3A_281 = arith.constant 80 : i32
          %add3A_282 = arith.addi %add3A_281, %add3A_232 : i32
          %add3A_283 = arith.constant 2 : i32
          %add3A_284 = arith.addi %add3A_282, %add3A_283 : i32
          %dma_start3A_285 = arith.constant 1 : i32
          %dma_start3A_286 = arith.constant 1 : i32
          %dma_start3A_287 = arith.constant 0 : i32
          %dma_start3A_288 = tpu.memref_slice %arg7[%dma_start3A_285, %dma_start3A_287] : memref<2x128xi32, #tpu.memory_space<vmem>> -> memref<1x128xi32, #tpu.memory_space<vmem>>
          %dma_start3A_289 = tpu.memref_squeeze %dma_start3A_288 : memref<1x128xi32, #tpu.memory_space<vmem>> -> memref<128xi32, #tpu.memory_space<vmem>>
          %dma_start3A_290 = arith.constant 0 : i32
          %dma_start3A_291 = tpu.memref_slice %arg3[%arg1, %add3A_284, %dma_start3A_290] : memref<16x160x128xi32, #tpu.memory_space<hbm>> -> memref<1x1x128xi32, #tpu.memory_space<hbm>>
          %dma_start3A_292 = tpu.memref_squeeze %dma_start3A_291 : memref<1x1x128xi32, #tpu.memory_space<hbm>> -> memref<128xi32, #tpu.memory_space<hbm>>
          %dma_start3A_293 = tpu.memref_slice %arg10[%dma_start3A_286] : memref<2x!tpu.dma_semaphore, #tpu.memory_space<semaphore_mem>> -> memref<1x!tpu.dma_semaphore, #tpu.memory_space<semaphore_mem>>
          %dma_start3A_294 = tpu.memref_squeeze %dma_start3A_293 : memref<1x!tpu.dma_semaphore, #tpu.memory_space<semaphore_mem>> -> memref<!tpu.dma_semaphore, #tpu.memory_space<semaphore_mem>>
          %dma_start3A_295 = arith.constant 0 : i32
          %dma_start3A_296 = tpu.memref_slice %arg7[%dma_start3A_285, %dma_start3A_295] : memref<2x128xi32, #tpu.memory_space<vmem>> -> memref<1x128xi32, #tpu.memory_space<vmem>>
          %dma_start3A_297 = tpu.memref_squeeze %dma_start3A_296 : memref<1x128xi32, #tpu.memory_space<vmem>> -> memref<128xi32, #tpu.memory_space<vmem>>
          %dma_start3A_298 = arith.constant 0 : i32
          %dma_start3A_299 = tpu.memref_slice %arg3[%arg1, %add3A_284, %dma_start3A_298] : memref<16x160x128xi32, #tpu.memory_space<hbm>> -> memref<1x1x128xi32, #tpu.memory_space<hbm>>
          %dma_start3A_300 = tpu.memref_squeeze %dma_start3A_299 : memref<1x1x128xi32, #tpu.memory_space<hbm>> -> memref<128xi32, #tpu.memory_space<hbm>>
          tpu.enqueue_dma source(%dma_start3A_300 : memref<128xi32, #tpu.memory_space<hbm>>) target(%dma_start3A_297 : memref<128xi32, #tpu.memory_space<vmem>>) target_semaphore(%dma_start3A_294 : memref<!tpu.dma_semaphore, #tpu.memory_space<semaphore_mem>>)
        } else {
        }
      }
      %scan3A_158 = arith.constant 40 : i32
      %dma_wait3A_159 = arith.constant 1 : i32
      %dma_wait3A_160 = arith.constant 79 : i32
      %dma_wait3A_161 = arith.constant 1 : i32
      %dma_wait3A_162 = arith.constant 0 : i32
      %dma_wait3A_163 = arith.constant 0 : i32
      %dma_wait3A_164 = tpu.memref_slice %arg9[%dma_wait3A_159, %dma_wait3A_162, %dma_wait3A_163] : memref<2x128x128xf32, #tpu.memory_space<vmem>> -> memref<1x128x128xf32, #tpu.memory_space<vmem>>
      %dma_wait3A_165 = tpu.memref_squeeze %dma_wait3A_164 : memref<1x128x128xf32, #tpu.memory_space<vmem>> -> memref<128x128xf32, #tpu.memory_space<vmem>>
      %dma_wait3A_166 = arith.constant 0 : i32
      %dma_wait3A_167 = tpu.memref_slice %arg8[%dma_wait3A_160, %dma_wait3A_166] : memref<80x128xi32, #tpu.memory_space<vmem>> -> memref<1x128xi32, #tpu.memory_space<vmem>>
      %dma_wait3A_168 = tpu.memref_squeeze %dma_wait3A_167 : memref<1x128xi32, #tpu.memory_space<vmem>> -> memref<128xi32, #tpu.memory_space<vmem>>
      %dma_wait3A_169 = arith.constant 0 : i32
      %dma_wait3A_170 = arith.constant 0 : i32
      %dma_wait3A_171 = tpu.memref_slice %arg13[%dma_wait3A_169, %dma_wait3A_170] : memref<10112x128xf32, #tpu.memory_space<vmem_shared>> -> memref<10112x128xf32, #tpu.memory_space<vmem_shared>>
      %dma_wait3A_172 = tpu.memref_slice %arg12[%dma_wait3A_161] : memref<2x!tpu.dma_semaphore, #tpu.memory_space<semaphore_mem>> -> memref<1x!tpu.dma_semaphore, #tpu.memory_space<semaphore_mem>>
      %dma_wait3A_173 = tpu.memref_squeeze %dma_wait3A_172 : memref<1x!tpu.dma_semaphore, #tpu.memory_space<semaphore_mem>> -> memref<!tpu.dma_semaphore, #tpu.memory_space<semaphore_mem>>
      tpu.wait_indirect_dma semaphore(%dma_wait3A_173 : memref<!tpu.dma_semaphore, #tpu.memory_space<semaphore_mem>>) src(%dma_wait3A_165 : memref<128x128xf32, #tpu.memory_space<vmem>>) dst(%dma_wait3A_171 : memref<10112x128xf32, #tpu.memory_space<vmem_shared>>)
      %barrier3A_174 = arith.constant 0 : index
      tpu.barrier barrier_id(%barrier3A_174)
      %mul3A_175 = arith.constant 632 : i32
      %mul3A_176 = arith.muli %arg1, %mul3A_175 : i32
      %mul3A_177 = arith.constant 632 : i32
      %mul3A_178 = arith.muli %arg1, %mul3A_177 : i32
      "tpu.region"() ({
        %run_scoped3A = tpu.sem_alloc : memref<!tpu.dma_semaphore, #tpu.memory_space<semaphore_mem>>
        %dma_start3A_179 = arith.constant 0 : i32
        %dma_start3A_180 = tpu.memref_slice %arg6[%mul3A_178, %dma_start3A_179] : memref<10112x128xf32, #tpu.memory_space<hbm>> -> memref<632x128xf32, #tpu.memory_space<hbm>>
        %dma_start3A_181 = arith.constant 0 : i32
        %dma_start3A_182 = tpu.memref_slice %arg13[%mul3A_176, %dma_start3A_181] : memref<10112x128xf32, #tpu.memory_space<vmem_shared>> -> memref<632x128xf32, #tpu.memory_space<vmem_shared>>
        tpu.enqueue_dma source(%dma_start3A_182 : memref<632x128xf32, #tpu.memory_space<vmem_shared>>) target(%dma_start3A_180 : memref<632x128xf32, #tpu.memory_space<hbm>>) target_semaphore(%run_scoped3A : memref<!tpu.dma_semaphore, #tpu.memory_space<semaphore_mem>>)
        %dma_wait3A_183 = arith.constant 0 : i32
        %dma_wait3A_184 = tpu.memref_slice %arg6[%mul3A_178, %dma_wait3A_183] : memref<10112x128xf32, #tpu.memory_space<hbm>> -> memref<632x128xf32, #tpu.memory_space<hbm>>
        %dma_wait3A_185 = arith.constant 0 : i32
        %dma_wait3A_186 = tpu.memref_slice %arg13[%mul3A_176, %dma_wait3A_185] : memref<10112x128xf32, #tpu.memory_space<vmem_shared>> -> memref<632x128xf32, #tpu.memory_space<vmem_shared>>
        tpu.wait_dma2 semaphore(%run_scoped3A : memref<!tpu.dma_semaphore, #tpu.memory_space<semaphore_mem>>) src(%dma_wait3A_186 : memref<632x128xf32, #tpu.memory_space<vmem_shared>>) dst(%dma_wait3A_184 : memref<632x128xf32, #tpu.memory_space<hbm>>)
        tpu.yield
      }) : () -> ()
    } else {
    }
    return
  }
}

module attributes {stable_mosaic.version = 14 : i64} {
  func.func @_tc_prescale_body(%arg0: memref<10000x128xf32, #tpu.memory_space<vmem>>, %arg1: memref<128x128xf32, #tpu.memory_space<vmem>>, %arg2: memref<2x10240x16xf32, #tpu.memory_space<vmem>>, %arg3: memref<10000x128xf32, #tpu.memory_space<vmem>>, %arg4: memref<10000x128xf32, #tpu.memory_space<vmem>>, %arg5: memref<10000x1xf32, #tpu.memory_space<vmem>>) attributes {dimension_semantics = [], scalar_prefetch = 0 : i64, scratch_operands = 0 : i64, tpu.core_type = #tpu.core_type<tc>} {
    %get3A = arith.constant 0 : index
    %get3A_0 = arith.constant 0 : index
    %get3A_1 = arith.constant 0 : index
    %get3A_2 = vector.load %arg2[%get3A, %get3A_0, %get3A_1] : memref<2x10240x16xf32, #tpu.memory_space<vmem>>, vector<1x10000x16xf32>
    %get3A_3 = vector.shape_cast %get3A_2 : vector<1x10000x16xf32> to vector<10000x16xf32>
    %get3A_4 = arith.constant 1 : index
    %get3A_5 = arith.constant 0 : index
    %get3A_6 = arith.constant 0 : index
    %get3A_7 = vector.load %arg2[%get3A_4, %get3A_5, %get3A_6] : memref<2x10240x16xf32, #tpu.memory_space<vmem>>, vector<1x10000x16xf32>
    %get3A_8 = vector.shape_cast %get3A_7 : vector<1x10000x16xf32> to vector<10000x16xf32>
    %add3A = arith.addf %get3A_3, %get3A_8 : vector<10000x16xf32>
    %reduce_sum3A = arith.constant dense<0.000000e+00> : vector<10000xf32>
    %reduce_sum3A_9 = vector.multi_reduction <add>, %add3A, %reduce_sum3A [1] : vector<10000x16xf32> to vector<10000xf32>
    %broadcast_in_dim3A = vector.shape_cast %reduce_sum3A_9 : vector<10000xf32> to vector<10000x1xf32>
    %add3A_10 = arith.constant 1.000000e+00 : f32
    %add3A_11 = vector.broadcast %add3A_10 : f32 to vector<10000x1xf32>
    %add3A_12 = arith.addf %broadcast_in_dim3A, %add3A_11 : vector<10000x1xf32>
    %rsqrt3A = math.rsqrt %add3A_12 : vector<10000x1xf32>
    %get3A_13 = arith.constant 0 : index
    %get3A_14 = arith.constant 0 : index
    %get3A_15 = vector.load %arg0[%get3A_13, %get3A_14] : memref<10000x128xf32, #tpu.memory_space<vmem>>, vector<10000x128xf32>
    %get3A_16 = arith.constant 0 : index
    %get3A_17 = arith.constant 0 : index
    %get3A_18 = vector.load %arg1[%get3A_16, %get3A_17] : memref<128x128xf32, #tpu.memory_space<vmem>>, vector<128x128xf32>
    %dot_general3A = arith.constant dense<0.000000e+00> : vector<10000x128xf32>
    %dot_general3A_19 = tpu.matmul %get3A_15, %get3A_18, %dot_general3A {dimension_numbers = #tpu.dot_dimension_numbers<[1], [0], [0], [1], [0, 0, 1, 1], [], []>, transpose_lhs_hint = false} : vector<10000x128xf32>, vector<128x128xf32>, vector<10000x128xf32> -> vector<10000x128xf32>
    %mul3A = vector.broadcast %rsqrt3A : vector<10000x1xf32> to vector<10000x128xf32>
    %mul3A_20 = arith.mulf %mul3A, %dot_general3A_19 : vector<10000x128xf32>
    %swap3A = arith.constant 0 : index
    %swap3A_21 = arith.constant 0 : index
    %swap3A_22 = vector.load %arg3[%swap3A, %swap3A_21] : memref<10000x128xf32, #tpu.memory_space<vmem>>, vector<10000x128xf32>
    tpu.vector_store %arg3[%swap3A, %swap3A_21], %mul3A_20 {strides = array<i32>} : memref<10000x128xf32, #tpu.memory_space<vmem>>, vector<10000x128xf32>,
    %mul3A_23 = vector.broadcast %rsqrt3A : vector<10000x1xf32> to vector<10000x128xf32>
    %mul3A_24 = arith.mulf %mul3A_23, %mul3A_20 : vector<10000x128xf32>
    %swap3A_25 = arith.constant 0 : index
    %swap3A_26 = arith.constant 0 : index
    %swap3A_27 = vector.load %arg4[%swap3A_25, %swap3A_26] : memref<10000x128xf32, #tpu.memory_space<vmem>>, vector<10000x128xf32>
    tpu.vector_store %arg4[%swap3A_25, %swap3A_26], %mul3A_24 {strides = array<i32>} : memref<10000x128xf32, #tpu.memory_space<vmem>>, vector<10000x128xf32>,
    %swap3A_28 = arith.constant 0 : index
    %swap3A_29 = arith.constant 0 : index
    %swap3A_30 = vector.load %arg5[%swap3A_28, %swap3A_29] : memref<10000x1xf32, #tpu.memory_space<vmem>>, vector<10000x1xf32>
    tpu.vector_store %arg5[%swap3A_28, %swap3A_29], %rsqrt3A {strides = array<i32>} : memref<10000x1xf32, #tpu.memory_space<vmem>>, vector<10000x1xf32>,
    return
  }
}

module attributes {stable_mosaic.version = 14 : i64} {
  func.func @_tc_mid_body(%arg0: memref<10112x128xf32, #tpu.memory_space<vmem>>, %arg1: memref<10000x128xf32, #tpu.memory_space<vmem>>, %arg2: memref<10000x1xf32, #tpu.memory_space<vmem>>, %arg3: memref<1x128xf32, #tpu.memory_space<vmem>>, %arg4: memref<128x128xf32, #tpu.memory_space<vmem>>, %arg5: memref<10000x128xf32, #tpu.memory_space<vmem>>, %arg6: memref<10000x128xf32, #tpu.memory_space<vmem>>) attributes {dimension_semantics = [], scalar_prefetch = 0 : i64, scratch_operands = 0 : i64, tpu.core_type = #tpu.core_type<tc>} {
    %get3A = arith.constant 0 : index
    %get3A_0 = arith.constant 0 : index
    %get3A_1 = vector.load %arg0[%get3A, %get3A_0] : memref<10112x128xf32, #tpu.memory_space<vmem>>, vector<10000x128xf32>
    %get3A_2 = arith.constant 0 : index
    %get3A_3 = arith.constant 0 : index
    %get3A_4 = vector.load %arg2[%get3A_2, %get3A_3] : memref<10000x1xf32, #tpu.memory_space<vmem>>, vector<10000x1xf32>
    %mul3A = vector.broadcast %get3A_4 : vector<10000x1xf32> to vector<10000x128xf32>
    %mul3A_5 = arith.mulf %mul3A, %get3A_1 : vector<10000x128xf32>
    %get3A_6 = arith.constant 0 : index
    %get3A_7 = arith.constant 0 : index
    %get3A_8 = vector.load %arg1[%get3A_6, %get3A_7] : memref<10000x128xf32, #tpu.memory_space<vmem>>, vector<10000x128xf32>
    %add3A = arith.addf %mul3A_5, %get3A_8 : vector<10000x128xf32>
    %get3A_9 = arith.constant 0 : index
    %get3A_10 = arith.constant 0 : index
    %get3A_11 = vector.load %arg3[%get3A_9, %get3A_10] : memref<1x128xf32, #tpu.memory_space<vmem>>, vector<1x128xf32>
    %add3A_12 = vector.broadcast %get3A_11 : vector<1x128xf32> to vector<10000x128xf32>
    %add3A_13 = arith.addf %add3A, %add3A_12 : vector<10000x128xf32>
    %max3A = arith.constant 0.000000e+00 : f32
    %max3A_14 = vector.broadcast %max3A : f32 to vector<10000x128xf32>
    %max3A_15 = arith.maximumf %add3A_13, %max3A_14 : vector<10000x128xf32>
    %get3A_16 = arith.constant 0 : index
    %get3A_17 = arith.constant 0 : index
    %get3A_18 = vector.load %arg4[%get3A_16, %get3A_17] : memref<128x128xf32, #tpu.memory_space<vmem>>, vector<128x128xf32>
    %dot_general3A = arith.constant dense<0.000000e+00> : vector<10000x128xf32>
    %dot_general3A_19 = tpu.matmul %max3A_15, %get3A_18, %dot_general3A {dimension_numbers = #tpu.dot_dimension_numbers<[1], [0], [0], [1], [0, 0, 1, 1], [], []>, transpose_lhs_hint = false} : vector<10000x128xf32>, vector<128x128xf32>, vector<10000x128xf32> -> vector<10000x128xf32>
    %mul3A_20 = vector.broadcast %get3A_4 : vector<10000x1xf32> to vector<10000x128xf32>
    %mul3A_21 = arith.mulf %mul3A_20, %dot_general3A_19 : vector<10000x128xf32>
    %swap3A = arith.constant 0 : index
    %swap3A_22 = arith.constant 0 : index
    %swap3A_23 = vector.load %arg5[%swap3A, %swap3A_22] : memref<10000x128xf32, #tpu.memory_space<vmem>>, vector<10000x128xf32>
    tpu.vector_store %arg5[%swap3A, %swap3A_22], %mul3A_21 {strides = array<i32>} : memref<10000x128xf32, #tpu.memory_space<vmem>>, vector<10000x128xf32>,
    %mul3A_24 = vector.broadcast %get3A_4 : vector<10000x1xf32> to vector<10000x128xf32>
    %mul3A_25 = arith.mulf %mul3A_24, %mul3A_21 : vector<10000x128xf32>
    %swap3A_26 = arith.constant 0 : index
    %swap3A_27 = arith.constant 0 : index
    %swap3A_28 = vector.load %arg6[%swap3A_26, %swap3A_27] : memref<10000x128xf32, #tpu.memory_space<vmem>>, vector<10000x128xf32>
    tpu.vector_store %arg6[%swap3A_26, %swap3A_27], %mul3A_25 {strides = array<i32>} : memref<10000x128xf32, #tpu.memory_space<vmem>>, vector<10000x128xf32>,
    return
  }
}

module attributes {stable_mosaic.version = 14 : i64} {
  func.func @_tc_head_body(%arg0: memref<10112x128xf32, #tpu.memory_space<vmem>>, %arg1: memref<10000x128xf32, #tpu.memory_space<vmem>>, %arg2: memref<10000x1xf32, #tpu.memory_space<vmem>>, %arg3: memref<1x128xf32, #tpu.memory_space<vmem>>, %arg4: memref<10000x1xi32, #tpu.memory_space<vmem>>, %arg5: memref<64x32xf32, #tpu.memory_space<vmem>>, %arg6: memref<160x10xf32, #tpu.memory_space<vmem>>, %arg7: memref<1x10xf32, #tpu.memory_space<vmem>>, %arg8: memref<64x10xf32, #tpu.memory_space<vmem>>) attributes {dimension_semantics = [], scalar_prefetch = 0 : i64, scratch_operands = 0 : i64, tpu.core_type = #tpu.core_type<tc>} {
    %get3A = arith.constant 0 : index
    %get3A_0 = arith.constant 0 : index
    %get3A_1 = vector.load %arg0[%get3A, %get3A_0] : memref<10112x128xf32, #tpu.memory_space<vmem>>, vector<10000x128xf32>
    %get3A_2 = arith.constant 0 : index
    %get3A_3 = arith.constant 0 : index
    %get3A_4 = vector.load %arg2[%get3A_2, %get3A_3] : memref<10000x1xf32, #tpu.memory_space<vmem>>, vector<10000x1xf32>
    %mul3A = vector.broadcast %get3A_4 : vector<10000x1xf32> to vector<10000x128xf32>
    %mul3A_5 = arith.mulf %mul3A, %get3A_1 : vector<10000x128xf32>
    %get3A_6 = arith.constant 0 : index
    %get3A_7 = arith.constant 0 : index
    %get3A_8 = vector.load %arg1[%get3A_6, %get3A_7] : memref<10000x128xf32, #tpu.memory_space<vmem>>, vector<10000x128xf32>
    %add3A = arith.addf %mul3A_5, %get3A_8 : vector<10000x128xf32>
    %get3A_9 = arith.constant 0 : index
    %get3A_10 = arith.constant 0 : index
    %get3A_11 = vector.load %arg3[%get3A_9, %get3A_10] : memref<1x128xf32, #tpu.memory_space<vmem>>, vector<1x128xf32>
    %add3A_12 = vector.broadcast %get3A_11 : vector<1x128xf32> to vector<10000x128xf32>
    %add3A_13 = arith.addf %add3A, %add3A_12 : vector<10000x128xf32>
    %max3A = arith.constant 0.000000e+00 : f32
    %max3A_14 = vector.broadcast %max3A : f32 to vector<10000x128xf32>
    %max3A_15 = arith.maximumf %add3A_13, %max3A_14 : vector<10000x128xf32>
    %iota3A = tpu.iota {dimensions = array<i32: 1>} : vector<10000x64xi32>
    %get3A_16 = arith.constant 0 : index
    %get3A_17 = arith.constant 0 : index
    %get3A_18 = vector.load %arg4[%get3A_16, %get3A_17] : memref<10000x1xi32, #tpu.memory_space<vmem>>, vector<10000x1xi32>
    %eq3A = vector.broadcast %get3A_18 : vector<10000x1xi32> to vector<10000x64xi32>
    %eq3A_19 = arith.cmpi eq, %iota3A, %eq3A : vector<10000x64xi32>
    %jit3A = arith.constant 1.000000e+00 : f32
    %jit3A_20 = arith.constant 0.000000e+00 : f32
    %broadcast_in_dim3A = vector.broadcast %jit3A : f32 to vector<10000x64xf32>
    %broadcast_in_dim3A_21 = vector.broadcast %jit3A_20 : f32 to vector<10000x64xf32>
    %select_n3A = arith.select %eq3A_19, %broadcast_in_dim3A, %broadcast_in_dim3A_21 : vector<10000x64xi1>, vector<10000x64xf32>
    %dot_general3A = arith.constant dense<0.000000e+00> : vector<64x128xf32>
    %dot_general3A_22 = tpu.matmul %select_n3A, %max3A_15, %dot_general3A {dimension_numbers = #tpu.dot_dimension_numbers<[0], [0], [1], [1], [0, 1, 1, 1], [], []>, transpose_lhs_hint = false} : vector<10000x64xf32>, vector<10000x128xf32>, vector<64x128xf32> -> vector<64x128xf32>
    %broadcast_in_dim3A_23 = arith.constant 1.000000e+00 : f32
    %broadcast_in_dim3A_24 = vector.broadcast %broadcast_in_dim3A_23 : f32 to vector<10000x1xf32>
    %dot_general3A_25 = arith.constant dense<0.000000e+00> : vector<64x1xf32>
    %dot_general3A_26 = tpu.matmul %select_n3A, %broadcast_in_dim3A_24, %dot_general3A_25 {dimension_numbers = #tpu.dot_dimension_numbers<[0], [0], [1], [1], [0, 1, 1, 1], [], []>, transpose_lhs_hint = false} : vector<10000x64xf32>, vector<10000x1xf32>, vector<64x1xf32> -> vector<64x1xf32>
    %gt3A = arith.constant 0.000000e+00 : f32
    %gt3A_27 = vector.broadcast %gt3A : f32 to vector<64x1xf32>
    %gt3A_28 = arith.cmpf ogt, %dot_general3A_26, %gt3A_27 : vector<64x1xf32>
    %max3A_29 = arith.constant 1.000000e+00 : f32
    %max3A_30 = vector.broadcast %max3A_29 : f32 to vector<64x1xf32>
    %max3A_31 = arith.maximumf %dot_general3A_26, %max3A_30 : vector<64x1xf32>
    %div3A = vector.broadcast %max3A_31 : vector<64x1xf32> to vector<64x128xf32>
    %div3A_32 = arith.divf %dot_general3A_22, %div3A : vector<64x128xf32>
    %jit3A_33 = arith.constant 0.000000e+00 : f32
    %broadcast_in_dim3A_34 = vector.shape_cast %gt3A_28 : vector<64x1xi1> to vector<64x1xi1>
    %broadcast_in_dim3A_35 = vector.broadcast %broadcast_in_dim3A_34 : vector<64x1xi1> to vector<64x128xi1>
    %broadcast_in_dim3A_36 = vector.broadcast %jit3A_33 : f32 to vector<64x128xf32>
    %select_n3A_37 = arith.select %broadcast_in_dim3A_35, %div3A_32, %broadcast_in_dim3A_36 : vector<64x128xi1>, vector<64x128xf32>
    %get3A_38 = arith.constant 0 : index
    %get3A_39 = arith.constant 0 : index
    %get3A_40 = vector.load %arg5[%get3A_38, %get3A_39] : memref<64x32xf32, #tpu.memory_space<vmem>>, vector<64x32xf32>
    %concatenate3A = tpu.concatenate %select_n3A_37, %get3A_40 in 1 : vector<64x128xf32>, vector<64x32xf32> -> vector<64x160xf32>
    %get3A_41 = arith.constant 0 : index
    %get3A_42 = arith.constant 0 : index
    %get3A_43 = vector.load %arg6[%get3A_41, %get3A_42] : memref<160x10xf32, #tpu.memory_space<vmem>>, vector<160x10xf32>
    %dot_general3A_44 = arith.constant dense<0.000000e+00> : vector<64x10xf32>
    %dot_general3A_45 = tpu.matmul %concatenate3A, %get3A_43, %dot_general3A_44 {dimension_numbers = #tpu.dot_dimension_numbers<[1], [0], [0], [1], [0, 0, 1, 1], [], []>, transpose_lhs_hint = false} : vector<64x160xf32>, vector<160x10xf32>, vector<64x10xf32> -> vector<64x10xf32>
    %get3A_46 = arith.constant 0 : index
    %get3A_47 = arith.constant 0 : index
    %get3A_48 = vector.load %arg7[%get3A_46, %get3A_47] : memref<1x10xf32, #tpu.memory_space<vmem>>, vector<1x10xf32>
    %add3A_49 = vector.broadcast %get3A_48 : vector<1x10xf32> to vector<64x10xf32>
    %add3A_50 = arith.addf %dot_general3A_45, %add3A_49 : vector<64x10xf32>
    %swap3A = arith.constant 0 : index
    %swap3A_51 = arith.constant 0 : index
    %swap3A_52 = vector.load %arg8[%swap3A, %swap3A_51] : memref<64x10xf32, #tpu.memory_space<vmem>>, vector<64x10xf32>
    tpu.vector_store %arg8[%swap3A, %swap3A_51], %add3A_50 {strides = array<i32>} : memref<64x10xf32, #tpu.memory_space<vmem>>, vector<64x10xf32>,
    return
  }
}

</mosaic_0001>

<sc_bundles>
// kernel: kernel.11.cloned.1.call-start
scs
__scs_entry_jumppad:
0x0: {  	(pc) =	sbr.rel $0x88, $3  }
0x1: {  	(tag) =	ssettag $0x0;
	lr =	simm.s32 $0x1  }
0x2: {  	[smem:$0x3F97] =	sst lr;
	_ =	strace $0xD0000000  }
0x3: {  	_ = 	snop  }
0x4: {  	_ = 	snop  }
0x5: {  	_ = 	snop  }
0x6: {  	_ = 	snop  }
0x7: {  	_ = 	snop  }
__scs_overlays_trampoline_lowered:
0x8: {  	[smem:$0x3FA6] =	sst s0  }
0x9: {  	[smem:$0x3FA7] =	sst s1  }
0xa: {  	[smem:$0x3FA8] =	sst s2  }
0xb: {  	[smem:$0x3FA9] =	sst s3  }
0xc: {  	[smem:$0x3FAA] =	sst s4  }
0xd: {  	[smem:$0x3FAB] =	sst s5  }
0xe: {  	[smem:$0x3FAC] =	sst s6  }
0xf: {  	[smem:$0x3FAD] =	sst s7  }
0x10: {  	[smem:$0x3FAE] =	sst s8  }
0x11: {  	[smem:$0x3FAF] =	sst s9;
	s0 =	simm.s32 @!p0 $0x0  }
0x12: {  	s1 =	sld [smem:$0x3F95];
	s0 =	simm.s32 @p0 $0x1  }
0x13: {  	[smem:$0x3FB0] =	sst s0;
	s0 =	simm.s32 @!p1 $0x0  }
0x14: {  	s2 =	sld [smem:$0x3F94];
	s0 =	simm.s32 @p1 $0x1  }
0x15: {  	[smem:$0x3FB1] =	sst s0;
	s0 =	simm.s32 @!p2 $0x0  }
0x16: {  	s3 =	sld [smem:$0x3FDB];
	s0 =	simm.s32 @p2 $0x1  }
0x17: {  	s4 =	simm.s32 $0x1BF5;
	[smem:$0x3FB3] =	sst s0  }
0x18: {  	s0 =	sld [smem:$0x3F96];
	_ =	swait.ge [sflag:s4], $0x0  }
0x19: {  	s7 =	sld [smem:$0x3F97]  }
0x1a: {  	s8 =	sadd.s32 $0xFFFFE003, lr  }
0x1b: {  	s9 =	sadd.s32 $0xFFFFFEF7, lr;
	s5 =	simm.s32 $0xFFFFFFFF;
	p2 =	slt.u32 s8, $0xFFFFF086  }
0x1c: {  	p1 =	slt.u32 s9, $0xF7A;
	s5 =	simm.s32 @!p2 $0x0  }
0x1d: {  	s5 =	simm.s32 @p1 $0x1;
	p0 =	seq.s32 s7, s2  }
0x1e: {  	s7 =	smul.u32 @!p0 $0xF7A, s2;
	p2 =	seq.s32 @!p0 s5, $0x0  }
0x1f: {  	s9 =	smul.u32 $0xF7A, s1;
	s8 =	simm.s32 @!p0 $0x1BF5;
	p2 =	por !p2, p0  }
0x20: {  	[sflag:s8] =	ssyncset.s32 @!p0 $0xFFFFF086;
	s6 =	sadd.s32 @!p0 s3, s7;
	s7 =	simm.s32 @!p0 $0x108  }
0x21: {  	s3 =	sadd.s32 s3, s9;
	s6 =	sadd.s32 @!p0 $0x88, s6;
	s7 =	simm.s32 @p2 $0x1082  }
0x22: {  	[simem:s7], [sflag:s8] =	dma.local @!p0 [hbm:s6], $0xF7A  }
0x23: {  	s9 =	sor.u32 $0xD0000000, s2;
	s6 =	simm.s32 $0x108;
	_ =	swait.ge @!p0 [sflag:s8], $0x0  }
0x24: {  	s3 =	sadd.s32 $0x88, s3;
	s6 =	simm.s32 @!p1 $0x1082;
	[sflag:s4] =	ssyncset.s32 $0xFFFFF086  }
0x25: {  	[simem:s6], [sflag:s4] =	dma.local [hbm:s3], $0xF7A  }
0x26: {  	[smem:$0x3F97] =	sst s1;
	(tag) =	ssettag s2;
	_ =	strace s9  }
0x27: {  	s1 =	sld [smem:$0x3FA7]  }
0x28: {  	s2 =	sld [smem:$0x3FA8]  }
0x29: {  	s4 =	sld [smem:$0x3FAA]  }
0x2a: {  	p0 =	seq.s32 s5, $0x0;
	s5 =	sld [smem:$0x3FAB]  }
0x2b: {  	s6 =	sld [smem:$0x3FAC]  }
0x2c: {  	s7 =	sld [smem:$0x3FAD]  }
0x2d: {  	s3 =	simm.s32 $0x108;
	s8 =	sld [smem:$0x3FAE]  }
0x2e: {  	s3 =	simm.s32 @!p0 $0x1082;
	s9 =	sld [smem:$0x3FAF]  }
0x2f: {  	lr =	sadd.s32 s0, s3;
	s0 =	sld [smem:$0x3FA6]  }
0x30: {  	s3 =	sld [smem:$0x3FA9]  }
0x31: {  	[smem:$0x3FB2] =	sst s10  }
0x32: {  	s10 =	sld [smem:$0x3FB0];
	_ =	sdelay $0x3  }
0x33: {  	p0 =	seq.s32 s10, $0x1;
	s10 =	sld [smem:$0x3FB2];
	_ =	sdelay $0x3  }
0x34: {  	[smem:$0x3FB2] =	sst s10  }
0x35: {  	s10 =	sld [smem:$0x3FB1];
	_ =	sdelay $0x3  }
0x36: {  	p1 =	seq.s32 s10, $0x1;
	s10 =	sld [smem:$0x3FB2];
	_ =	sdelay $0x3  }
0x37: {  	[smem:$0x3FB2] =	sst s10  }
0x38: {  	s10 =	sld [smem:$0x3FB3]  }
0x39: {  	_ = 	snop;
	(pc) =	sbr.ind lr, $3  }
0x3a: {  	_ = 	snop  }
0x3b: {  	_ = 	snop  }
0x3c: {  	p2 =	seq.s32 s10, $0x1;
	s10 =	sld [smem:$0x3FB2]  }
0x3d: {  	_ =	shalt  }
0x3e: {  	_ =	shalt  }
0x3f: {  	_ =	shalt  }
0x40: {  	_ =	shalt  }
0x41: {  	_ =	shalt  }
0x42: {  	_ =	shalt  }
0x43: {  	_ =	shalt  }
0x44: {  	_ =	shalt  }
0x45: {  	_ =	shalt  }
0x46: {  	_ =	shalt  }
0x47: {  	_ =	shalt  }
0x48: {  	_ =	shalt  }
0x49: {  	_ =	shalt  }
0x4a: {  	_ =	shalt  }
0x4b: {  	_ =	shalt  }
0x4c: {  	_ =	shalt  }
0x4d: {  	_ =	shalt  }
0x4e: {  	_ =	shalt  }
0x4f: {  	_ =	shalt  }
0x50: {  	_ =	shalt  }
0x51: {  	_ =	shalt  }
0x52: {  	_ =	shalt  }
0x53: {  	_ =	shalt  }
0x54: {  	_ =	shalt  }
0x55: {  	_ =	shalt  }
0x56: {  	_ =	shalt  }
0x57: {  	_ =	shalt  }
0x58: {  	_ =	shalt  }
0x59: {  	_ =	shalt  }
0x5a: {  	_ =	shalt  }
0x5b: {  	_ =	shalt  }
0x5c: {  	_ =	shalt  }
0x5d: {  	_ =	shalt  }
0x5e: {  	_ =	shalt  }
0x5f: {  	_ =	shalt  }
0x60: {  	_ =	shalt  }
0x61: {  	_ =	shalt  }
0x62: {  	_ =	shalt  }
0x63: {  	_ =	shalt  }
0x64: {  	_ =	shalt  }
0x65: {  	_ =	shalt  }
0x66: {  	_ =	shalt  }
0x67: {  	_ =	shalt  }
0x68: {  	_ =	shalt  }
0x69: {  	_ =	shalt  }
0x6a: {  	_ =	shalt  }
0x6b: {  	_ =	shalt  }
0x6c: {  	_ =	shalt  }
0x6d: {  	_ =	shalt  }
0x6e: {  	_ =	shalt  }
0x6f: {  	_ =	shalt  }
0x70: {  	_ =	shalt  }
0x71: {  	_ =	shalt  }
0x72: {  	_ =	shalt  }
0x73: {  	_ =	shalt  }
0x74: {  	_ =	shalt  }
0x75: {  	_ =	shalt  }
0x76: {  	_ =	shalt  }
0x77: {  	_ =	shalt  }
0x78: {  	_ =	shalt  }
0x79: {  	_ =	shalt  }
0x7a: {  	_ =	shalt  }
0x7b: {  	_ =	shalt  }
0x7c: {  	_ =	shalt  }
0x7d: {  	_ =	shalt  }
0x7e: {  	_ =	shalt  }
0x7f: {  	_ =	shalt  }
0x80: {  	_ =	shalt  }
0x81: {  	_ =	shalt  }
0x82: {  	_ =	shalt  }
0x83: {  	_ =	shalt  }
0x84: {  	_ =	shalt  }
0x85: {  	_ =	shalt  }
0x86: {  	_ =	shalt  }
0x87: {  	_ =	shalt  }
.Lfunc_end0:
.L_simem_size_0:
called_computation.1_lowered:
.L_overlay_start_0:
0x88: {  	s2 =	sld [smem:$0x3FD9]  }
0x89: {  	s3 =	sld [smem:$0x3FFE];
	_ =	sdelay $0x1  }
0x8a: {  	s1 =	srdreg.scid  }
0x8b: {  	s0 =	sand.u32 $0x1, s1  }
0x8c: {  	s16 =	sshll.u32 s0, $0xA;
	s2 =	sadd.s32 s3, s2  }
0x8d: {  	s2 =	sadd.s32 s2, s16  }
0x8e: {  	[smem:$0x3FBE] =	sst s2  }
0x8f: {  	_ = 	snop  }
0x90: {  	(tm) =	ssettm $0x1  }
0x91: {  	s17 =	sld [smem:$0x3FFB];
	_ =	sdelay $0x3  }
0x92: {  	_ =	strace s17  }
0x93: {  	s2 =	sld [smem:$0x3FFC];
	_ =	sdelay $0x3  }
0x94: {  	_ =	strace s2  }
0x95: {  	s2 =	sld [smem:$0x3FFD];
	_ =	sdelay $0x3  }
0x96: {  	_ =	strace s2  }
0x97: {  	_ =	strace $0x8FFFFFFF  }
0x98: {  	s18 =	sld [smem:$0x3FDB];
	_ =	sdelay $0x1  }
0x99: {  	s19 =	simm.s32 $_scs_section_size  }
0x9a: {  	s4 =	simm.s32 $_size__tile_overlayer_lowered;
	s5 =	simm.s32 $_tile_overlayer_lowered  }
0x9b: {  	s22 =	simm.s32 $0x1BFF;
	s21 =	sshll.u32 s5, $0x1;
	s2 =	sadd.s32 s19, s18  }
0x9c: {  	s6 =	simm.s32 $0x0;
	s20 =	sshll.u32 s4, $0x1;
	s4 =	sadd.s32 s21, s2  }
0x9d: {  	[timem:s6], [sflag:s22] =	dma.local [hbm:s4], s20  }
0x9e: {  	_ =	swait.ge [sflag:s22], s20  }
0x9f: {  	s3 =	ssub.s32 $0x0, s20;
	[sflag:s22] =	ssyncset.done $0x0  }
0xa0: {  	[sflag:s22] =	ssyncadd.s32 s3;
	_ =	sdelay $0x1  }
0xa1: {  	s23 =	simm.s32 $0x1B8B  }
0xa2: {  	_ =	swait.ge [sflag:s23], $0x1  }
0xa3: {  	[sflag:s23] =	ssyncset.done $0x0  }
0xa4: {  	s25 =	simm.s32 $0x1B8E;
	s24 =	sld [smem:$0x3FFE];
	[sflag:s23] =	ssyncadd.s32 $0xFFFFFFFF  }
0xa5: {  	s26 =	simm.s32 $execute0_lowered;
	[smem:$0x3FD2] =	sst s25  }
0xa6: {  	s4 =	sshll.u32 s26, $0x1;
	_ =	strace $0x80000049;
	[dreg:$0x1] =	wrdreg $0xFFFFFFFF  }
0xa7: {  	s28 =	simm.s32 $_size_execute0_lowered;
	s2 =	sadd.s32 s2, s4;
	[dreg:$0x0] =	wrdreg $0x0  }
0xa8: {  	s4 =	sshll.u32 s28, $0x1;
	[dreg:$0x2] =	wrdreg s2  }
0xa9: {  	[dreg:$0x3] =	wrdreg s4  }
0xaa: {  	[dreg:$0x4] =	wrdreg $0xC0  }
0xab: {  	_ =	task [dreg:s6], $0x5FFFF  }
0xac: {  	[dreg:$0x1] =	wrdreg $0xFFFFFFFF  }
0xad: {  	[dreg:$0x0] =	wrdreg $0x60  }
0xae: {  	[dreg:$0x2] =	wrdreg s24  }
0xaf: {  	[dreg:$0x3] =	wrdreg $0xA9000  }
0xb0: {  	[dreg:$0x4] =	wrdreg $0x9  }
0xb1: {  	_ =	task.clear_ibuf [dreg:s6], $0x5FFFF;
	_ =	strace $0x90000049  }
0xb2: {  	s29 =	simm.s32 $0x9;
	_ =	strace $0x8000004B  }
0xb3: {  	_ =	swait.ge [sflag:s29], $0x1  }
0xb4: {  	[sflag:s29] =	ssyncadd.s32 $0xFFFFFFFF  }
0xb5: {  	_ =	strace $0x9000004B  }
0xb6: {  	_ =	sfence  }
0xb7: {  	s30 =	sld [smem:$0x0];
	_ =	sdelay $0x2  }
0xb8: {  	s31 =	sshll.u32 s1, $0xD;
	s1 =	sshrl.u32 s1, $0x2  }
0xb9: {  	s3 =	sand.u32 $0x4000, s31;
	s1 =	sadd.s32 s1, s30  }
0xba: {  	s0 =	sor.u32 s3, s0;
	s1 =	sshll.u32 s1, $0x11  }
0xbb: {  	s0 =	sor.u32 s1, s0  }
0xbc: {  	s0 =	sadd.s32 $0x8F2B, s0  }
0xbd: {  	[sflag:s0] =	ssyncadd.remote.s32 $0x1  }
0xbe: {  	_ =	sfence.sel $0xFFFF  }
0xbf: {  	[dreg:$0x0] =	wrdreg $0xFFFFFFFF;
	(pc) =	sbr.abs _section_cstart, $3  }
0xc0: {  	[dreg:$0x1] =	wrdreg $0xFFFFFFFF  }
0xc1: {  	_ =	task.clear_ibuf [dreg:s6], $0x2FFFF;
	_ =	strace $0x9FFFFFFF  }
0xc2: {  	(tm) =	ssettm $0x7FFFFFFF  }
0xc3: {  	_ =	shalt  }
tec
execute0_lowered:
.L_overlay_start_1:
0x0: {  	(tag) =	ssettag $0x1  }
0x1: {  	s1 =	srdreg.scid  }
0x2: {  	s1 =	sand.u32 $0x1, s1  }
0x3: {  	p0 =	seq.s32 s1, $0x1  }
.Ltmp0:
0x4: {  	_ = 	snop;
	(pc) =	sbr.rel @p0 .LBB2_8-.Ltmp0, $4  }
0x5: {  	s8 =	rddreg [dreg:$0x0]  }
0x6: {  	s2 =	rddreg [dreg:$0x1];
	s9 =	simm.s32 $0x0  }
0x7: {  	[smem:$0x7FF] =	sst s9  }
0x8: {  	s0 =	rddreg [dreg:$0x2];
	_ =	strace $0x8000004A;
	s1 =	stileid.u32  }
0x9: {  	s3 =	smul.u32 $0x4F000, s1;
	_ =	sdelay $0x1  }
0xa: {  	s3 =	sshrl.u32 s3, $0x2  }
0xb: {  	s22 =	sshll.u32 s1, $0x6;
	s5 =	sadd.s32 $0x33C00, s8;
	s4 =	sadd.s32 s3, s2  }
0xc: {  	s7 =	simm.s32 $0x7;
	s3 =	sor.u32 $0x1C07, s22;
	s4 =	sshrl.u32 s4, $0x3  }
0xd: {  	[spmem:s4], [sflag:s3] =	dma.local [hbm:s5], $0x2780  }
0xe: {  	s5 =	smul.u32 $0x5000, s1;
	_ =	swait.ge [sflag:s7], $0x2780  }
0xf: {  	[sflag:s7] =	ssyncset.done $0x0  }
0x10: {  	s10 =	sadd.s32 $0x2A00, s8;
	s15 =	sshrl.u32 s5, $0x3;
	[sflag:s7] =	ssyncadd.s32 $0xFFFFD880  }
0x11: {  	s17 =	simm.s32 $0x100;
	s6 =	sadd.s32 s10, s15;
	[bflag:$0x0] =	sbarrier.arrive $0xFFFF  }
0x12: {  	[tilespmem:s17], [sflag:$0x7] =	stream.linear.gather [hbm4b:s6+s9], $0x2800, $0x38;
	[tilespmem:$0x1E500] =	vst v63  }
0x13: {  	_ =	swait.ge [sflag:s7], $0x2800  }
0x14: {  	s6 =	sadd.s32 $0x66A00, s8;
	[sflag:s7] =	ssyncset.done $0x0  }
0x15: {  	s21 =	sadd.s32 s6, s15;
	[sflag:s7] =	ssyncadd.s32 $0xFFFFD800  }
0x16: {  	[tilespmem:s9], [sflag:$0x1] =	stream.linear.gather [hbm4b:s21+s9], $0x80, $0x38;
	[tilespmem:$0x1E500] =	vst v63  }
0x17: {  	s11 =	simm.s32 $0x80;
	s18 =	simm.s32 $0x1;
	s23 =	sadd.s32 $0x10, s21  }
0x18: {  	[tilespmem:s11], [sflag:$0x2] =	stream.linear.gather [hbm4b:s23+s9], $0x80, $0x38;
	[tilespmem:$0x1E500] =	vst v63  }
0x19: {  	_ =	swait.ge [sflag:s18], $0x80  }
0x1a: {  	s12 =	simm.s32 $0x2900;
	[sflag:s18] =	ssyncset.done $0x0  }
0x1b: {  	s13 =	simm.s32 $0x2;
	s7 =	sadd.s32 $0xCA00, s8;
	[sflag:s18] =	ssyncadd.s32 $0xFFFFFF80  }
0x1c: {  	[tilespmem:s12], [sflag:$0x3] =	stream.indirect.gather [hbm4b:s7+s11], $0x80, s9, s11, $0xb8;
	[tilespmem:$0x1E500] =	vst v63  }
0x1d: {  	_ =	swait.ge [sflag:s13], $0x80  }
0x1e: {  	[sflag:s13] =	ssyncset.done $0x0  }
0x1f: {  	s14 =	simm.s32 $0x6900;
	s16 =	simm.s32 $0x3;
	[sflag:s13] =	ssyncadd.s32 $0xFFFFFF80  }
0x20: {  	[tilespmem:s14], [sflag:$0x4] =	stream.indirect.gather [hbm4b:s7+s11], $0x80, s11, s11, $0xb8;
	[tilespmem:$0x1E500] =	vst v63  }
0x21: {  	_ =	swait.ge [sflag:s16], $0x4000  }
0x22: {  	[sflag:s16] =	ssyncset.done $0x0  }
0x23: {  	[sflag:s16] =	ssyncadd.s32 $0xFFFFC000  }
0x24: {  	[spmem:s2] =	stream.indirect.scatter.add.f32 [tilespmem:s12], [sflag:$0x5], $0x80, s17, s11, $0xb8;
	[tilespmem:$0x1E500] =	vst v63  }
0x25: {  	s25 =	simm.s32 $0x5;
	s24 =	sadd.s32 $0x20, s21  }
0x26: {  	[tilespmem:s9], [sflag:$0x1] =	stream.linear.gather [hbm4b:s24+s9], $0x80, $0x38;
	[tilespmem:$0x1E500] =	vst v63  }
0x27: {  	_ =	swait.ge [sflag:s25], $0x4000  }
0x28: {  	[sflag:s25] =	ssyncset.done $0x0  }
0x29: {  	s26 =	smul.u32 $0x2780, s1;
	[sflag:s25] =	ssyncadd.s32 $0xFFFFC000  }
0x2a: {  	s20 =	simm.s32 $0x4;
	s29 =	simm.s32 $0x180;
	_ =	swait.ge [sflag:s18], $0x80  }
0x2b: {  	s28 =	sadd.s32 s26, s8;
	s15 =	sadd.s32 $0x500, s15;
	[sflag:s18] =	ssyncset.done $0x0  }
0x2c: {  	s22 =	simm.s32 $0x6;
	s19 =	sadd.s32 s10, s15;
	[sflag:s18] =	ssyncadd.s32 $0xFFFFFF80  }
0x2d: {  	[tilespmem:s12], [sflag:$0x3] =	stream.indirect.gather [hbm4b:s7+s11], $0x80, s9, s11, $0xb8;
	[tilespmem:$0x1E500] =	vst v63  }
0x2e: {  	s30 =	sadd.s32 s15, s6;
	s31 =	sadd.s32 $0x30, s21;
	_ =	swait.ge [sflag:s20], $0x4000  }
0x2f: {  	s8 =	sadd.s32 $0x36400, s28;
	s10 =	sadd.s32 $0x30, s30;
	[sflag:s20] =	ssyncset.done $0x0  }
0x30: {  	s23 =	simm.s32 $0x280;
	s17 =	sadd.s32 s6, s15;
	[sflag:s20] =	ssyncadd.s32 $0xFFFFC000  }
0x31: {  	[spmem:s2] =	stream.indirect.scatter.add.f32 [tilespmem:s14], [sflag:$0x6], $0x80, s29, s11, $0xb8;
	[tilespmem:$0x1E500] =	vst v63  }
0x32: {  	s15 =	sadd.s32 $0x20, s30;
	s18 =	sadd.s32 $0x510, s21;
	s21 =	simm.s32 $0x280  }
0x33: {  	[tilespmem:s11], [sflag:$0x2] =	stream.linear.gather [hbm4b:s31+s9], $0x80, $0x38;
	[tilespmem:$0x1E500] =	vst v63  }
.LBB2_2:
0x34: {  	_ =	swait.ge [sflag:s22], $0x4000  }
0x35: {  	[sflag:s22] =	ssyncset.done $0x0  }
0x36: {  	[sflag:s22] =	ssyncadd.s32 $0xFFFFC000  }
0x37: {  	_ =	swait.ge [sflag:s13], $0x80  }
0x38: {  	[sflag:s13] =	ssyncset.done $0x0  }
0x39: {  	[sflag:s13] =	ssyncadd.s32 $0xFFFFFF80  }
0x3a: {  	[tilespmem:s14], [sflag:$0x4] =	stream.indirect.gather [hbm4b:s7+s11], $0x80, s11, s11, $0xb8;
	[tilespmem:$0x1E500] =	vst v63  }
0x3b: {  	_ =	swait.ge [sflag:s16], $0x4000  }
0x3c: {  	[sflag:s16] =	ssyncset.done $0x0  }
0x3d: {  	s24 =	sadd.s32 $0xFFFFFF80, s23;
	p0 =	seq.s32 s21, $0x2880;
	[sflag:s16] =	ssyncadd.s32 $0xFFFFC000  }
0x3e: {  	[spmem:s2] =	stream.indirect.scatter.add.f32 [tilespmem:s12], [sflag:$0x5], $0x80, s24, s11, $0xb8;
	[tilespmem:$0x1E500] =	vst v63  }
0x3f: {  	s24 =	sadd.s32 @!p0 $0xFFFFFF80, s21  }
0x40: {  	s25 =	sand.u32 @!p0 $0x7C00, s24  }
0x41: {  	s26 =	simm.s32 @p0 $0x5;
	s24 =	sand.u32 @!p0 $0x300, s24;
	s25 =	sadd.s32 @!p0 s5, s25  }
0x42: {  	_ =	swait.ge @p0 [sflag:s26], $0x4000;
	s24 =	sor.u32 @!p0 s24, s25  }
0x43: {  	[sflag:s26] =	ssyncset.done @p0 $0x0;
	s24 =	sshrl.u32 @!p0 s24, $0x3  }
0x44: {  	[sflag:s26] =	ssyncadd.s32 @p0 $0xFFFFC000;
	s25 =	simm.s32 @!p0 $0x0;
	s24 =	sadd.s32 @!p0 s6, s24  }
0x45: {  	[tilespmem:s25], [sflag:$0x1] =	stream.linear.gather @!p0 [hbm4b:s24+s25], $0x80, $0x38;
	[tilespmem:$0x1E500] =	vst v63  }
0x46: {  	s24 =	simm.s32 @!p0 $0x5  }
0x47: {  	_ =	swait.ge @!p0 [sflag:s24], $0x4000  }
0x48: {  	[sflag:s24] =	ssyncset.done @!p0 $0x0  }
0x49: {  	[sflag:s24] =	ssyncadd.s32 @!p0 $0xFFFFC000;
	s24 =	simm.s32 @!p0 $0x1  }
0x4a: {  	_ =	swait.ge @!p0 [sflag:s24], $0x80  }
0x4b: {  	[sflag:s24] =	ssyncset.done @!p0 $0x0  }
0x4c: {  	s26 =	simm.s32 @!p0 $0x2900;
	[sflag:s24] =	ssyncadd.s32 @!p0 $0xFFFFFF80;
	s24 =	simm.s32 @!p0 $0x80  }
0x4d: {  	[tilespmem:s26], [sflag:$0x3] =	stream.indirect.gather @!p0 [hbm4b:s7+s24], $0x80, s25, s24, $0xb8;
	[tilespmem:$0x1E500] =	vst v63  }
.Ltmp1:
0x4e: {  	_ = 	snop;
	(pc) =	sbr.rel @p0 .LBB2_4-.Ltmp1, $4  }
0x4f: {  	_ =	swait.ge [sflag:s20], $0x4000  }
0x50: {  	[sflag:s20] =	ssyncset.done $0x0  }
0x51: {  	[sflag:s20] =	ssyncadd.s32 $0xFFFFC000  }
0x52: {  	[spmem:s2] =	stream.indirect.scatter.add.f32 [tilespmem:s14], [sflag:$0x6], $0x80, s23, s11, $0xb8;
	[tilespmem:$0x1E500] =	vst v63  }
0x53: {  	s24 =	sand.u32 $0x7C00, s21  }
.Ltmp2:
0x54: {  	s25 =	sand.u32 $0x380, s21;
	s24 =	sadd.s32 s5, s24;
	(pc) =	sbr.rel .LBB2_2-.Ltmp2, $4  }
0x55: {  	s24 =	sor.u32 s25, s24  }
0x56: {  	s24 =	sshrl.u32 s24, $0x3  }
0x57: {  	s23 =	sadd.s32 $0x100, s23;
	s21 =	sadd.s32 $0x100, s21;
	s24 =	sadd.s32 s6, s24  }
0x58: {  	[tilespmem:s11], [sflag:$0x2] =	stream.linear.gather [hbm4b:s24+s9], $0x80, $0x38;
	[tilespmem:$0x1E500] =	vst v63  }
.LBB2_4:
0x59: {  	s9 =	simm.s32 $0x6  }
0x5a: {  	_ =	swait.ge [sflag:s9], $0x4000  }
0x5b: {  	s11 =	simm.s32 $0x0;
	[sflag:s9] =	ssyncset.done $0x0  }
0x5c: {  	s20 =	simm.s32 $0x100;
	s12 =	simm.s32 $0x7;
	[sflag:s9] =	ssyncadd.s32 $0xFFFFC000  }
0x5d: {  	[tilespmem:s20], [sflag:$0x7] =	stream.linear.gather [hbm4b:s19+s11], $0x2800, $0x38;
	[tilespmem:$0x1E500] =	vst v63  }
0x5e: {  	_ =	swait.ge [sflag:s12], $0x2800  }
0x5f: {  	[sflag:s12] =	ssyncset.done $0x0  }
0x60: {  	[sflag:s12] =	ssyncadd.s32 $0xFFFFD800  }
0x61: {  	[tilespmem:s11], [sflag:$0x1] =	stream.linear.gather [hbm4b:s17+s11], $0x80, $0x38;
	[tilespmem:$0x1E500] =	vst v63  }
0x62: {  	s29 =	simm.s32 $0x1;
	s12 =	simm.s32 $0x80  }
0x63: {  	[tilespmem:s12], [sflag:$0x2] =	stream.linear.gather [hbm4b:s18+s11], $0x80, $0x38;
	[tilespmem:$0x1E500] =	vst v63  }
0x64: {  	_ =	swait.ge [sflag:s29], $0x80  }
0x65: {  	[sflag:s29] =	ssyncset.done $0x0  }
0x66: {  	s13 =	simm.s32 $0x2900;
	s14 =	simm.s32 $0x2;
	[sflag:s29] =	ssyncadd.s32 $0xFFFFFF80  }
0x67: {  	[tilespmem:s13], [sflag:$0x3] =	stream.indirect.gather [hbm4b:s7+s12], $0x80, s11, s12, $0xb8;
	[tilespmem:$0x1E500] =	vst v63  }
0x68: {  	_ =	swait.ge [sflag:s14], $0x80  }
0x69: {  	[sflag:s14] =	ssyncset.done $0x0  }
0x6a: {  	s16 =	simm.s32 $0x6900;
	s17 =	simm.s32 $0x3;
	[sflag:s14] =	ssyncadd.s32 $0xFFFFFF80  }
0x6b: {  	[tilespmem:s16], [sflag:$0x4] =	stream.indirect.gather [hbm4b:s7+s12], $0x80, s12, s12, $0xb8;
	[tilespmem:$0x1E500] =	vst v63  }
0x6c: {  	_ =	swait.ge [sflag:s17], $0x4000  }
0x6d: {  	[sflag:s17] =	ssyncset.done $0x0  }
0x6e: {  	[sflag:s17] =	ssyncadd.s32 $0xFFFFC000  }
0x6f: {  	[spmem:s2] =	stream.indirect.scatter.add.f32 [tilespmem:s13], [sflag:$0x5], $0x80, s20, s12, $0xb8;
	[tilespmem:$0x1E500] =	vst v63  }
0x70: {  	s30 =	simm.s32 $0x5  }
0x71: {  	[tilespmem:s11], [sflag:$0x1] =	stream.linear.gather [hbm4b:s15+s11], $0x80, $0x38;
	[tilespmem:$0x1E500] =	vst v63  }
0x72: {  	_ =	swait.ge [sflag:s30], $0x4000  }
0x73: {  	[sflag:s30] =	ssyncset.done $0x0  }
0x74: {  	[sflag:s30] =	ssyncadd.s32 $0xFFFFC000  }
0x75: {  	_ =	swait.ge [sflag:s29], $0x80  }
0x76: {  	[sflag:s29] =	ssyncset.done $0x0  }
0x77: {  	s15 =	simm.s32 $0x4;
	[sflag:s29] =	ssyncadd.s32 $0xFFFFFF80  }
0x78: {  	[tilespmem:s13], [sflag:$0x3] =	stream.indirect.gather [hbm4b:s7+s12], $0x80, s11, s12, $0xb8;
	[tilespmem:$0x1E500] =	vst v63  }
0x79: {  	_ =	swait.ge [sflag:s15], $0x4000  }
0x7a: {  	[sflag:s15] =	ssyncset.done $0x0  }
0x7b: {  	s31 =	simm.s32 $0x180;
	[sflag:s15] =	ssyncadd.s32 $0xFFFFC000  }
0x7c: {  	[spmem:s2] =	stream.indirect.scatter.add.f32 [tilespmem:s16], [sflag:$0x6], $0x80, s31, s12, $0xb8;
	[tilespmem:$0x1E500] =	vst v63  }
0x7d: {  	_ = 	snop  }
0x7e: {  	[tilespmem:s12], [sflag:$0x2] =	stream.linear.gather [hbm4b:s10+s11], $0x80, $0x38;
	[tilespmem:$0x1E500] =	vst v63  }
0x7f: {  	s18 =	simm.s32 $0x2A00;
	s10 =	simm.s32 $0x280  }
.LBB2_5:
0x80: {  	_ =	swait.ge [sflag:s9], $0x4000  }
0x81: {  	[sflag:s9] =	ssyncset.done $0x0  }
0x82: {  	[sflag:s9] =	ssyncadd.s32 $0xFFFFC000  }
0x83: {  	_ =	swait.ge [sflag:s14], $0x80  }
0x84: {  	[sflag:s14] =	ssyncset.done $0x0  }
0x85: {  	[sflag:s14] =	ssyncadd.s32 $0xFFFFFF80  }
0x86: {  	[tilespmem:s16], [sflag:$0x4] =	stream.indirect.gather [hbm4b:s7+s12], $0x80, s12, s12, $0xb8;
	[tilespmem:$0x1E500] =	vst v63  }
0x87: {  	_ =	swait.ge [sflag:s17], $0x4000  }
0x88: {  	[sflag:s17] =	ssyncset.done $0x0  }
0x89: {  	s19 =	sadd.s32 $0xFFFFFF80, s10;
	p0 =	seq.s32 s18, $0x5000;
	[sflag:s17] =	ssyncadd.s32 $0xFFFFC000  }
0x8a: {  	[spmem:s2] =	stream.indirect.scatter.add.f32 [tilespmem:s13], [sflag:$0x5], $0x80, s19, s12, $0xb8;
	[tilespmem:$0x1E500] =	vst v63  }
0x8b: {  	s19 =	sand.u32 @!p0 $0x7C00, s18  }
0x8c: {  	s20 =	simm.s32 @p0 $0x5;
	s21 =	sand.u32 @!p0 $0x300, s18;
	s19 =	sadd.s32 @!p0 s5, s19  }
0x8d: {  	_ =	swait.ge @p0 [sflag:s20], $0x4000;
	s19 =	sor.u32 @!p0 s21, s19  }
0x8e: {  	[sflag:s20] =	ssyncset.done @p0 $0x0;
	s19 =	sshrl.u32 @!p0 s19, $0x3  }
0x8f: {  	[sflag:s20] =	ssyncadd.s32 @p0 $0xFFFFC000;
	s20 =	simm.s32 @!p0 $0x0;
	s19 =	sadd.s32 @!p0 s6, s19  }
0x90: {  	[tilespmem:s20], [sflag:$0x1] =	stream.linear.gather @!p0 [hbm4b:s19+s20], $0x80, $0x38;
	[tilespmem:$0x1E500] =	vst v63  }
0x91: {  	s19 =	simm.s32 @!p0 $0x5  }
0x92: {  	_ =	swait.ge @!p0 [sflag:s19], $0x4000  }
0x93: {  	[sflag:s19] =	ssyncset.done @!p0 $0x0  }
0x94: {  	[sflag:s19] =	ssyncadd.s32 @!p0 $0xFFFFC000;
	s19 =	simm.s32 @!p0 $0x1  }
0x95: {  	_ =	swait.ge @!p0 [sflag:s19], $0x80  }
0x96: {  	[sflag:s19] =	ssyncset.done @!p0 $0x0  }
0x97: {  	s21 =	simm.s32 @!p0 $0x2900;
	[sflag:s19] =	ssyncadd.s32 @!p0 $0xFFFFFF80;
	s19 =	simm.s32 @!p0 $0x80  }
0x98: {  	[tilespmem:s21], [sflag:$0x3] =	stream.indirect.gather @!p0 [hbm4b:s7+s19], $0x80, s20, s19, $0xb8;
	[tilespmem:$0x1E500] =	vst v63  }
.Ltmp3:
0x99: {  	_ = 	snop;
	(pc) =	sbr.rel @p0 .LBB2_7-.Ltmp3, $4  }
0x9a: {  	_ =	swait.ge [sflag:s15], $0x4000  }
0x9b: {  	[sflag:s15] =	ssyncset.done $0x0  }
0x9c: {  	[sflag:s15] =	ssyncadd.s32 $0xFFFFC000  }
0x9d: {  	[spmem:s2] =	stream.indirect.scatter.add.f32 [tilespmem:s16], [sflag:$0x6], $0x80, s10, s12, $0xb8;
	[tilespmem:$0x1E500] =	vst v63  }
0x9e: {  	s19 =	sadd.s32 $0x80, s18  }
0x9f: {  	s20 =	sand.u32 $0x7C00, s19  }
.Ltmp4:
0xa0: {  	s19 =	sand.u32 $0x380, s19;
	s20 =	sadd.s32 s5, s20;
	(pc) =	sbr.rel .LBB2_5-.Ltmp4, $4  }
0xa1: {  	s19 =	sor.u32 s19, s20  }
0xa2: {  	s19 =	sshrl.u32 s19, $0x3  }
0xa3: {  	s10 =	sadd.s32 $0x100, s10;
	s18 =	sadd.s32 $0x100, s18;
	s19 =	sadd.s32 s6, s19  }
0xa4: {  	[tilespmem:s12], [sflag:$0x2] =	stream.linear.gather [hbm4b:s19+s11], $0x80, $0x38;
	[tilespmem:$0x1E500] =	vst v63  }
.LBB2_7:
0xa5: {  	s2 =	simm.s32 $0x6  }
0xa6: {  	_ =	swait.ge [sflag:s2], $0x4000  }
0xa7: {  	[sflag:s2] =	ssyncset.done $0x0  }
0xa8: {  	[sflag:s2] =	ssyncadd.s32 $0xFFFFC000  }
0xa9: {  	s31 =	simm.s32 $0x7;
	[bflag:$0x0] =	sbarrier.arrive $0xFFFF  }
0xaa: {  	[hbm:s8], [sflag:s3] =	dma.local [spmem:s4], $0x2780  }
0xab: {  	_ =	swait.ge [sflag:s31], $0x2780  }
0xac: {  	[sflag:s31] =	ssyncset.done $0x0  }
0xad: {  	[sflag:s31] =	ssyncadd.s32 $0xFFFFD880  }
.LBB2_8:
0xae: {  	_ =	sfence.sel $0x180000  }
0xaf: {  	[bflag:$0x0] =	sbarrier.arrive $0xFFFF  }
0xb0: {  	p0 =	sne.s32 s1, $0x0;
	_ =	strace $0x9000004A  }
0xb1: {  	s0 =	sadd.s32 @!p0 $0x100000, s0;
	[bflag:$0x2] =	sbarrier.arrive $0xFFFF  }
0xb2: {  	[sflag:s0] =	ssyncadd.tile.s32 @!p0 $0x1;
	_ =	shalt  }
.Lfunc_end2:
_tile_overlayer_lowered:
.L_overlay_start_2:
0xb3: {  	(tag) =	ssettag $0x2  }
0xb4: {  	s0 =	rddreg [dreg:$0x0];
	s2 =	stileid.u32  }
0xb5: {  	s1 =	rddreg [dreg:$0x1];
	p0 =	sne.s32 s2, $0x0  }
0xb6: {  	s3 =	rddreg [dreg:$0x2];
	[bflag:$0x3] =	sbarrier.arrive $0xFFFF;
	s2 =	simm.s32 @!p0 $0x1C07  }
0xb7: {  	[timem:s3], [sflag:s2] =	dma.local @!p0 [hbm:s0], s1  }
0xb8: {  	s0 =	simm.s32 @!p0 $0x7  }
0xb9: {  	_ =	swait.ge @!p0 [sflag:s0], s1  }
0xba: {  	s1 =	ssub.s32 @!p0 $0x0, s1;
	[sflag:s0] =	ssyncset.done @!p0 $0x0  }
0xbb: {  	[sflag:s0] =	ssyncadd.s32 @!p0 s1  }
0xbc: {  	[bflag:$0x3] =	sbarrier.arrive $0xFFFF  }
0xbd: {  	_ =	shalt  }

// kernel: kernel.14.cloned.1.call-start
scs
__scs_entry_jumppad:
0x0: {  	(pc) =	sbr.rel $0x88, $3  }
0x1: {  	(tag) =	ssettag $0x0;
	lr =	simm.s32 $0x1  }
0x2: {  	[smem:$0x3F97] =	sst lr;
	_ =	strace $0xD0000000  }
0x3: {  	_ = 	snop  }
0x4: {  	_ = 	snop  }
0x5: {  	_ = 	snop  }
0x6: {  	_ = 	snop  }
0x7: {  	_ = 	snop  }
__scs_overlays_trampoline_lowered:
0x8: {  	[smem:$0x3FA6] =	sst s0  }
0x9: {  	[smem:$0x3FA7] =	sst s1  }
0xa: {  	[smem:$0x3FA8] =	sst s2  }
0xb: {  	[smem:$0x3FA9] =	sst s3  }
0xc: {  	[smem:$0x3FAA] =	sst s4  }
0xd: {  	[smem:$0x3FAB] =	sst s5  }
0xe: {  	[smem:$0x3FAC] =	sst s6  }
0xf: {  	[smem:$0x3FAD] =	sst s7  }
0x10: {  	[smem:$0x3FAE] =	sst s8  }
0x11: {  	[smem:$0x3FAF] =	sst s9;
	s0 =	simm.s32 @!p0 $0x0  }
0x12: {  	s1 =	sld [smem:$0x3F95];
	s0 =	simm.s32 @p0 $0x1  }
0x13: {  	[smem:$0x3FB0] =	sst s0;
	s0 =	simm.s32 @!p1 $0x0  }
0x14: {  	s2 =	sld [smem:$0x3F94];
	s0 =	simm.s32 @p1 $0x1  }
0x15: {  	[smem:$0x3FB1] =	sst s0;
	s0 =	simm.s32 @!p2 $0x0  }
0x16: {  	s3 =	sld [smem:$0x3FDB];
	s0 =	simm.s32 @p2 $0x1  }
0x17: {  	s4 =	simm.s32 $0x1BF5;
	[smem:$0x3FB3] =	sst s0  }
0x18: {  	s0 =	sld [smem:$0x3F96];
	_ =	swait.ge [sflag:s4], $0x0  }
0x19: {  	s7 =	sld [smem:$0x3F97]  }
0x1a: {  	s8 =	sadd.s32 $0xFFFFE003, lr  }
0x1b: {  	s9 =	sadd.s32 $0xFFFFFEF7, lr;
	s5 =	simm.s32 $0xFFFFFFFF;
	p2 =	slt.u32 s8, $0xFFFFF086  }
0x1c: {  	p1 =	slt.u32 s9, $0xF7A;
	s5 =	simm.s32 @!p2 $0x0  }
0x1d: {  	s5 =	simm.s32 @p1 $0x1;
	p0 =	seq.s32 s7, s2  }
0x1e: {  	s7 =	smul.u32 @!p0 $0xF7A, s2;
	p2 =	seq.s32 @!p0 s5, $0x0  }
0x1f: {  	s9 =	smul.u32 $0xF7A, s1;
	s8 =	simm.s32 @!p0 $0x1BF5;
	p2 =	por !p2, p0  }
0x20: {  	[sflag:s8] =	ssyncset.s32 @!p0 $0xFFFFF086;
	s6 =	sadd.s32 @!p0 s3, s7;
	s7 =	simm.s32 @!p0 $0x108  }
0x21: {  	s3 =	sadd.s32 s3, s9;
	s6 =	sadd.s32 @!p0 $0x88, s6;
	s7 =	simm.s32 @p2 $0x1082  }
0x22: {  	[simem:s7], [sflag:s8] =	dma.local @!p0 [hbm:s6], $0xF7A  }
0x23: {  	s9 =	sor.u32 $0xD0000000, s2;
	s6 =	simm.s32 $0x108;
	_ =	swait.ge @!p0 [sflag:s8], $0x0  }
0x24: {  	s3 =	sadd.s32 $0x88, s3;
	s6 =	simm.s32 @!p1 $0x1082;
	[sflag:s4] =	ssyncset.s32 $0xFFFFF086  }
0x25: {  	[simem:s6], [sflag:s4] =	dma.local [hbm:s3], $0xF7A  }
0x26: {  	[smem:$0x3F97] =	sst s1;
	(tag) =	ssettag s2;
	_ =	strace s9  }
0x27: {  	s1 =	sld [smem:$0x3FA7]  }
0x28: {  	s2 =	sld [smem:$0x3FA8]  }
0x29: {  	s4 =	sld [smem:$0x3FAA]  }
0x2a: {  	p0 =	seq.s32 s5, $0x0;
	s5 =	sld [smem:$0x3FAB]  }
0x2b: {  	s6 =	sld [smem:$0x3FAC]  }
0x2c: {  	s7 =	sld [smem:$0x3FAD]  }
0x2d: {  	s3 =	simm.s32 $0x108;
	s8 =	sld [smem:$0x3FAE]  }
0x2e: {  	s3 =	simm.s32 @!p0 $0x1082;
	s9 =	sld [smem:$0x3FAF]  }
0x2f: {  	lr =	sadd.s32 s0, s3;
	s0 =	sld [smem:$0x3FA6]  }
0x30: {  	s3 =	sld [smem:$0x3FA9]  }
0x31: {  	[smem:$0x3FB2] =	sst s10  }
0x32: {  	s10 =	sld [smem:$0x3FB0];
	_ =	sdelay $0x3  }
0x33: {  	p0 =	seq.s32 s10, $0x1;
	s10 =	sld [smem:$0x3FB2];
	_ =	sdelay $0x3  }
0x34: {  	[smem:$0x3FB2] =	sst s10  }
0x35: {  	s10 =	sld [smem:$0x3FB1];
	_ =	sdelay $0x3  }
0x36: {  	p1 =	seq.s32 s10, $0x1;
	s10 =	sld [smem:$0x3FB2];
	_ =	sdelay $0x3  }
0x37: {  	[smem:$0x3FB2] =	sst s10  }
0x38: {  	s10 =	sld [smem:$0x3FB3]  }
0x39: {  	_ = 	snop;
	(pc) =	sbr.ind lr, $3  }
0x3a: {  	_ = 	snop  }
0x3b: {  	_ = 	snop  }
0x3c: {  	p2 =	seq.s32 s10, $0x1;
	s10 =	sld [smem:$0x3FB2]  }
0x3d: {  	_ =	shalt  }
0x3e: {  	_ =	shalt  }
0x3f: {  	_ =	shalt  }
0x40: {  	_ =	shalt  }
0x41: {  	_ =	shalt  }
0x42: {  	_ =	shalt  }
0x43: {  	_ =	shalt  }
0x44: {  	_ =	shalt  }
0x45: {  	_ =	shalt  }
0x46: {  	_ =	shalt  }
0x47: {  	_ =	shalt  }
0x48: {  	_ =	shalt  }
0x49: {  	_ =	shalt  }
0x4a: {  	_ =	shalt  }
0x4b: {  	_ =	shalt  }
0x4c: {  	_ =	shalt  }
0x4d: {  	_ =	shalt  }
0x4e: {  	_ =	shalt  }
0x4f: {  	_ =	shalt  }
0x50: {  	_ =	shalt  }
0x51: {  	_ =	shalt  }
0x52: {  	_ =	shalt  }
0x53: {  	_ =	shalt  }
0x54: {  	_ =	shalt  }
0x55: {  	_ =	shalt  }
0x56: {  	_ =	shalt  }
0x57: {  	_ =	shalt  }
0x58: {  	_ =	shalt  }
0x59: {  	_ =	shalt  }
0x5a: {  	_ =	shalt  }
0x5b: {  	_ =	shalt  }
0x5c: {  	_ =	shalt  }
0x5d: {  	_ =	shalt  }
0x5e: {  	_ =	shalt  }
0x5f: {  	_ =	shalt  }
0x60: {  	_ =	shalt  }
0x61: {  	_ =	shalt  }
0x62: {  	_ =	shalt  }
0x63: {  	_ =	shalt  }
0x64: {  	_ =	shalt  }
0x65: {  	_ =	shalt  }
0x66: {  	_ =	shalt  }
0x67: {  	_ =	shalt  }
0x68: {  	_ =	shalt  }
0x69: {  	_ =	shalt  }
0x6a: {  	_ =	shalt  }
0x6b: {  	_ =	shalt  }
0x6c: {  	_ =	shalt  }
0x6d: {  	_ =	shalt  }
0x6e: {  	_ =	shalt  }
0x6f: {  	_ =	shalt  }
0x70: {  	_ =	shalt  }
0x71: {  	_ =	shalt  }
0x72: {  	_ =	shalt  }
0x73: {  	_ =	shalt  }
0x74: {  	_ =	shalt  }
0x75: {  	_ =	shalt  }
0x76: {  	_ =	shalt  }
0x77: {  	_ =	shalt  }
0x78: {  	_ =	shalt  }
0x79: {  	_ =	shalt  }
0x7a: {  	_ =	shalt  }
0x7b: {  	_ =	shalt  }
0x7c: {  	_ =	shalt  }
0x7d: {  	_ =	shalt  }
0x7e: {  	_ =	shalt  }
0x7f: {  	_ =	shalt  }
0x80: {  	_ =	shalt  }
0x81: {  	_ =	shalt  }
0x82: {  	_ =	shalt  }
0x83: {  	_ =	shalt  }
0x84: {  	_ =	shalt  }
0x85: {  	_ =	shalt  }
0x86: {  	_ =	shalt  }
0x87: {  	_ =	shalt  }
.Lfunc_end0:
.L_simem_size_0:
called_computation.2_lowered:
.L_overlay_start_0:
0x88: {  	s2 =	sld [smem:$0x3FD9]  }
0x89: {  	s3 =	sld [smem:$0x3FFE];
	_ =	sdelay $0x1  }
0x8a: {  	s1 =	srdreg.scid  }
0x8b: {  	s0 =	sand.u32 $0x1, s1  }
0x8c: {  	s16 =	sshll.u32 s0, $0xA;
	s2 =	sadd.s32 s3, s2  }
0x8d: {  	s2 =	sadd.s32 s2, s16  }
0x8e: {  	[smem:$0x3FBE] =	sst s2  }
0x8f: {  	_ = 	snop  }
0x90: {  	(tm) =	ssettm $0x1  }
0x91: {  	s17 =	sld [smem:$0x3FFB];
	_ =	sdelay $0x3  }
0x92: {  	_ =	strace s17  }
0x93: {  	s2 =	sld [smem:$0x3FFC];
	_ =	sdelay $0x3  }
0x94: {  	_ =	strace s2  }
0x95: {  	s2 =	sld [smem:$0x3FFD];
	_ =	sdelay $0x3  }
0x96: {  	_ =	strace s2  }
0x97: {  	_ =	strace $0x8FFFFFFF  }
0x98: {  	s18 =	sld [smem:$0x3FDB];
	_ =	sdelay $0x1  }
0x99: {  	s19 =	simm.s32 $_scs_section_size  }
0x9a: {  	s4 =	simm.s32 $_size__tile_overlayer_lowered;
	s5 =	simm.s32 $_tile_overlayer_lowered  }
0x9b: {  	s22 =	simm.s32 $0x1BFF;
	s21 =	sshll.u32 s5, $0x1;
	s2 =	sadd.s32 s19, s18  }
0x9c: {  	s6 =	simm.s32 $0x0;
	s20 =	sshll.u32 s4, $0x1;
	s4 =	sadd.s32 s21, s2  }
0x9d: {  	[timem:s6], [sflag:s22] =	dma.local [hbm:s4], s20  }
0x9e: {  	_ =	swait.ge [sflag:s22], s20  }
0x9f: {  	s3 =	ssub.s32 $0x0, s20;
	[sflag:s22] =	ssyncset.done $0x0  }
0xa0: {  	[sflag:s22] =	ssyncadd.s32 s3;
	_ =	sdelay $0x1  }
0xa1: {  	s23 =	simm.s32 $0x1B8B  }
0xa2: {  	_ =	swait.ge [sflag:s23], $0x1  }
0xa3: {  	[sflag:s23] =	ssyncset.done $0x0  }
0xa4: {  	s25 =	simm.s32 $0x1B8E;
	s24 =	sld [smem:$0x3FFE];
	[sflag:s23] =	ssyncadd.s32 $0xFFFFFFFF  }
0xa5: {  	s26 =	simm.s32 $execute0_lowered;
	[smem:$0x3FD2] =	sst s25  }
0xa6: {  	s4 =	sshll.u32 s26, $0x1;
	_ =	strace $0x8000004C;
	[dreg:$0x1] =	wrdreg $0xFFFFFFFF  }
0xa7: {  	s28 =	simm.s32 $_size_execute0_lowered;
	s2 =	sadd.s32 s2, s4;
	[dreg:$0x0] =	wrdreg $0x0  }
0xa8: {  	s4 =	sshll.u32 s28, $0x1;
	[dreg:$0x2] =	wrdreg s2  }
0xa9: {  	[dreg:$0x3] =	wrdreg s4  }
0xaa: {  	[dreg:$0x4] =	wrdreg $0xC0  }
0xab: {  	_ =	task [dreg:s6], $0x5FFFF  }
0xac: {  	[dreg:$0x1] =	wrdreg $0xFFFFFFFF  }
0xad: {  	[dreg:$0x0] =	wrdreg $0x60  }
0xae: {  	[dreg:$0x2] =	wrdreg s24  }
0xaf: {  	[dreg:$0x3] =	wrdreg $0xA9000  }
0xb0: {  	[dreg:$0x4] =	wrdreg $0x9  }
0xb1: {  	_ =	task.clear_ibuf [dreg:s6], $0x5FFFF;
	_ =	strace $0x9000004C  }
0xb2: {  	s29 =	simm.s32 $0x9;
	_ =	strace $0x8000004E  }
0xb3: {  	_ =	swait.ge [sflag:s29], $0x1  }
0xb4: {  	[sflag:s29] =	ssyncadd.s32 $0xFFFFFFFF  }
0xb5: {  	_ =	strace $0x9000004E  }
0xb6: {  	_ =	sfence  }
0xb7: {  	s30 =	sld [smem:$0x0];
	_ =	sdelay $0x2  }
0xb8: {  	s31 =	sshll.u32 s1, $0xD;
	s1 =	sshrl.u32 s1, $0x2  }
0xb9: {  	s3 =	sand.u32 $0x4000, s31;
	s1 =	sadd.s32 s1, s30  }
0xba: {  	s0 =	sor.u32 s3, s0;
	s1 =	sshll.u32 s1, $0x11  }
0xbb: {  	s0 =	sor.u32 s1, s0  }
0xbc: {  	s0 =	sadd.s32 $0x8F2B, s0  }
0xbd: {  	[sflag:s0] =	ssyncadd.remote.s32 $0x1  }
0xbe: {  	_ =	sfence.sel $0xFFFF  }
0xbf: {  	[dreg:$0x0] =	wrdreg $0xFFFFFFFF;
	(pc) =	sbr.abs _section_cstart, $3  }
0xc0: {  	[dreg:$0x1] =	wrdreg $0xFFFFFFFF  }
0xc1: {  	_ =	task.clear_ibuf [dreg:s6], $0x2FFFF;
	_ =	strace $0x9FFFFFFF  }
0xc2: {  	(tm) =	ssettm $0x7FFFFFFF  }
0xc3: {  	_ =	shalt  }
tec
execute0_lowered:
.L_overlay_start_1:
0x0: {  	(tag) =	ssettag $0x1  }
0x1: {  	s1 =	srdreg.scid  }
0x2: {  	s1 =	sand.u32 $0x1, s1  }
0x3: {  	p0 =	seq.s32 s1, $0x1  }
.Ltmp0:
0x4: {  	_ = 	snop;
	(pc) =	sbr.rel @p0 .LBB2_8-.Ltmp0, $4  }
0x5: {  	s8 =	rddreg [dreg:$0x0]  }
0x6: {  	s2 =	rddreg [dreg:$0x1];
	s9 =	simm.s32 $0x0  }
0x7: {  	[smem:$0x7FF] =	sst s9  }
0x8: {  	s0 =	rddreg [dreg:$0x2];
	_ =	strace $0x8000004D;
	s1 =	stileid.u32  }
0x9: {  	s3 =	smul.u32 $0x4F000, s1;
	_ =	sdelay $0x1  }
0xa: {  	s3 =	sshrl.u32 s3, $0x2  }
0xb: {  	s22 =	sshll.u32 s1, $0x6;
	s5 =	sadd.s32 $0x33C00, s8;
	s4 =	sadd.s32 s3, s2  }
0xc: {  	s7 =	simm.s32 $0x7;
	s3 =	sor.u32 $0x1C07, s22;
	s4 =	sshrl.u32 s4, $0x3  }
0xd: {  	[spmem:s4], [sflag:s3] =	dma.local [hbm:s5], $0x2780  }
0xe: {  	s5 =	smul.u32 $0x5000, s1;
	_ =	swait.ge [sflag:s7], $0x2780  }
0xf: {  	[sflag:s7] =	ssyncset.done $0x0  }
0x10: {  	s10 =	sadd.s32 $0x2A00, s8;
	s15 =	sshrl.u32 s5, $0x3;
	[sflag:s7] =	ssyncadd.s32 $0xFFFFD880  }
0x11: {  	s17 =	simm.s32 $0x100;
	s6 =	sadd.s32 s10, s15;
	[bflag:$0x0] =	sbarrier.arrive $0xFFFF  }
0x12: {  	[tilespmem:s17], [sflag:$0x7] =	stream.linear.gather [hbm4b:s6+s9], $0x2800, $0x38;
	[tilespmem:$0x1E500] =	vst v63  }
0x13: {  	_ =	swait.ge [sflag:s7], $0x2800  }
0x14: {  	s6 =	sadd.s32 $0x66A00, s8;
	[sflag:s7] =	ssyncset.done $0x0  }
0x15: {  	s21 =	sadd.s32 s6, s15;
	[sflag:s7] =	ssyncadd.s32 $0xFFFFD800  }
0x16: {  	[tilespmem:s9], [sflag:$0x1] =	stream.linear.gather [hbm4b:s21+s9], $0x80, $0x38;
	[tilespmem:$0x1E500] =	vst v63  }
0x17: {  	s11 =	simm.s32 $0x80;
	s18 =	simm.s32 $0x1;
	s23 =	sadd.s32 $0x10, s21  }
0x18: {  	[tilespmem:s11], [sflag:$0x2] =	stream.linear.gather [hbm4b:s23+s9], $0x80, $0x38;
	[tilespmem:$0x1E500] =	vst v63  }
0x19: {  	_ =	swait.ge [sflag:s18], $0x80  }
0x1a: {  	s12 =	simm.s32 $0x2900;
	[sflag:s18] =	ssyncset.done $0x0  }
0x1b: {  	s13 =	simm.s32 $0x2;
	s7 =	sadd.s32 $0xCA00, s8;
	[sflag:s18] =	ssyncadd.s32 $0xFFFFFF80  }
0x1c: {  	[tilespmem:s12], [sflag:$0x3] =	stream.indirect.gather [hbm4b:s7+s11], $0x80, s9, s11, $0xb8;
	[tilespmem:$0x1E500] =	vst v63  }
0x1d: {  	_ =	swait.ge [sflag:s13], $0x80  }
0x1e: {  	[sflag:s13] =	ssyncset.done $0x0  }
0x1f: {  	s14 =	simm.s32 $0x6900;
	s16 =	simm.s32 $0x3;
	[sflag:s13] =	ssyncadd.s32 $0xFFFFFF80  }
0x20: {  	[tilespmem:s14], [sflag:$0x4] =	stream.indirect.gather [hbm4b:s7+s11], $0x80, s11, s11, $0xb8;
	[tilespmem:$0x1E500] =	vst v63  }
0x21: {  	_ =	swait.ge [sflag:s16], $0x4000  }
0x22: {  	[sflag:s16] =	ssyncset.done $0x0  }
0x23: {  	[sflag:s16] =	ssyncadd.s32 $0xFFFFC000  }
0x24: {  	[spmem:s2] =	stream.indirect.scatter.add.f32 [tilespmem:s12], [sflag:$0x5], $0x80, s17, s11, $0xb8;
	[tilespmem:$0x1E500] =	vst v63  }
0x25: {  	s25 =	simm.s32 $0x5;
	s24 =	sadd.s32 $0x20, s21  }
0x26: {  	[tilespmem:s9], [sflag:$0x1] =	stream.linear.gather [hbm4b:s24+s9], $0x80, $0x38;
	[tilespmem:$0x1E500] =	vst v63  }
0x27: {  	_ =	swait.ge [sflag:s25], $0x4000  }
0x28: {  	[sflag:s25] =	ssyncset.done $0x0  }
0x29: {  	s26 =	smul.u32 $0x2780, s1;
	[sflag:s25] =	ssyncadd.s32 $0xFFFFC000  }
0x2a: {  	s20 =	simm.s32 $0x4;
	s29 =	simm.s32 $0x180;
	_ =	swait.ge [sflag:s18], $0x80  }
0x2b: {  	s28 =	sadd.s32 s26, s8;
	s15 =	sadd.s32 $0x500, s15;
	[sflag:s18] =	ssyncset.done $0x0  }
0x2c: {  	s22 =	simm.s32 $0x6;
	s19 =	sadd.s32 s10, s15;
	[sflag:s18] =	ssyncadd.s32 $0xFFFFFF80  }
0x2d: {  	[tilespmem:s12], [sflag:$0x3] =	stream.indirect.gather [hbm4b:s7+s11], $0x80, s9, s11, $0xb8;
	[tilespmem:$0x1E500] =	vst v63  }
0x2e: {  	s30 =	sadd.s32 s15, s6;
	s31 =	sadd.s32 $0x30, s21;
	_ =	swait.ge [sflag:s20], $0x4000  }
0x2f: {  	s8 =	sadd.s32 $0x36400, s28;
	s10 =	sadd.s32 $0x30, s30;
	[sflag:s20] =	ssyncset.done $0x0  }
0x30: {  	s23 =	simm.s32 $0x280;
	s17 =	sadd.s32 s6, s15;
	[sflag:s20] =	ssyncadd.s32 $0xFFFFC000  }
0x31: {  	[spmem:s2] =	stream.indirect.scatter.add.f32 [tilespmem:s14], [sflag:$0x6], $0x80, s29, s11, $0xb8;
	[tilespmem:$0x1E500] =	vst v63  }
0x32: {  	s15 =	sadd.s32 $0x20, s30;
	s18 =	sadd.s32 $0x510, s21;
	s21 =	simm.s32 $0x280  }
0x33: {  	[tilespmem:s11], [sflag:$0x2] =	stream.linear.gather [hbm4b:s31+s9], $0x80, $0x38;
	[tilespmem:$0x1E500] =	vst v63  }
.LBB2_2:
0x34: {  	_ =	swait.ge [sflag:s22], $0x4000  }
0x35: {  	[sflag:s22] =	ssyncset.done $0x0  }
0x36: {  	[sflag:s22] =	ssyncadd.s32 $0xFFFFC000  }
0x37: {  	_ =	swait.ge [sflag:s13], $0x80  }
0x38: {  	[sflag:s13] =	ssyncset.done $0x0  }
0x39: {  	[sflag:s13] =	ssyncadd.s32 $0xFFFFFF80  }
0x3a: {  	[tilespmem:s14], [sflag:$0x4] =	stream.indirect.gather [hbm4b:s7+s11], $0x80, s11, s11, $0xb8;
	[tilespmem:$0x1E500] =	vst v63  }
0x3b: {  	_ =	swait.ge [sflag:s16], $0x4000  }
0x3c: {  	[sflag:s16] =	ssyncset.done $0x0  }
0x3d: {  	s24 =	sadd.s32 $0xFFFFFF80, s23;
	p0 =	seq.s32 s21, $0x2880;
	[sflag:s16] =	ssyncadd.s32 $0xFFFFC000  }
0x3e: {  	[spmem:s2] =	stream.indirect.scatter.add.f32 [tilespmem:s12], [sflag:$0x5], $0x80, s24, s11, $0xb8;
	[tilespmem:$0x1E500] =	vst v63  }
0x3f: {  	s24 =	sadd.s32 @!p0 $0xFFFFFF80, s21  }
0x40: {  	s25 =	sand.u32 @!p0 $0x7C00, s24  }
0x41: {  	s26 =	simm.s32 @p0 $0x5;
	s24 =	sand.u32 @!p0 $0x300, s24;
	s25 =	sadd.s32 @!p0 s5, s25  }
0x42: {  	_ =	swait.ge @p0 [sflag:s26], $0x4000;
	s24 =	sor.u32 @!p0 s24, s25  }
0x43: {  	[sflag:s26] =	ssyncset.done @p0 $0x0;
	s24 =	sshrl.u32 @!p0 s24, $0x3  }
0x44: {  	[sflag:s26] =	ssyncadd.s32 @p0 $0xFFFFC000;
	s25 =	simm.s32 @!p0 $0x0;
	s24 =	sadd.s32 @!p0 s6, s24  }
0x45: {  	[tilespmem:s25], [sflag:$0x1] =	stream.linear.gather @!p0 [hbm4b:s24+s25], $0x80, $0x38;
	[tilespmem:$0x1E500] =	vst v63  }
0x46: {  	s24 =	simm.s32 @!p0 $0x5  }
0x47: {  	_ =	swait.ge @!p0 [sflag:s24], $0x4000  }
0x48: {  	[sflag:s24] =	ssyncset.done @!p0 $0x0  }
0x49: {  	[sflag:s24] =	ssyncadd.s32 @!p0 $0xFFFFC000;
	s24 =	simm.s32 @!p0 $0x1  }
0x4a: {  	_ =	swait.ge @!p0 [sflag:s24], $0x80  }
0x4b: {  	[sflag:s24] =	ssyncset.done @!p0 $0x0  }
0x4c: {  	s26 =	simm.s32 @!p0 $0x2900;
	[sflag:s24] =	ssyncadd.s32 @!p0 $0xFFFFFF80;
	s24 =	simm.s32 @!p0 $0x80  }
0x4d: {  	[tilespmem:s26], [sflag:$0x3] =	stream.indirect.gather @!p0 [hbm4b:s7+s24], $0x80, s25, s24, $0xb8;
	[tilespmem:$0x1E500] =	vst v63  }
.Ltmp1:
0x4e: {  	_ = 	snop;
	(pc) =	sbr.rel @p0 .LBB2_4-.Ltmp1, $4  }
0x4f: {  	_ =	swait.ge [sflag:s20], $0x4000  }
0x50: {  	[sflag:s20] =	ssyncset.done $0x0  }
0x51: {  	[sflag:s20] =	ssyncadd.s32 $0xFFFFC000  }
0x52: {  	[spmem:s2] =	stream.indirect.scatter.add.f32 [tilespmem:s14], [sflag:$0x6], $0x80, s23, s11, $0xb8;
	[tilespmem:$0x1E500] =	vst v63  }
0x53: {  	s24 =	sand.u32 $0x7C00, s21  }
.Ltmp2:
0x54: {  	s25 =	sand.u32 $0x380, s21;
	s24 =	sadd.s32 s5, s24;
	(pc) =	sbr.rel .LBB2_2-.Ltmp2, $4  }
0x55: {  	s24 =	sor.u32 s25, s24  }
0x56: {  	s24 =	sshrl.u32 s24, $0x3  }
0x57: {  	s23 =	sadd.s32 $0x100, s23;
	s21 =	sadd.s32 $0x100, s21;
	s24 =	sadd.s32 s6, s24  }
0x58: {  	[tilespmem:s11], [sflag:$0x2] =	stream.linear.gather [hbm4b:s24+s9], $0x80, $0x38;
	[tilespmem:$0x1E500] =	vst v63  }
.LBB2_4:
0x59: {  	s9 =	simm.s32 $0x6  }
0x5a: {  	_ =	swait.ge [sflag:s9], $0x4000  }
0x5b: {  	s11 =	simm.s32 $0x0;
	[sflag:s9] =	ssyncset.done $0x0  }
0x5c: {  	s20 =	simm.s32 $0x100;
	s12 =	simm.s32 $0x7;
	[sflag:s9] =	ssyncadd.s32 $0xFFFFC000  }
0x5d: {  	[tilespmem:s20], [sflag:$0x7] =	stream.linear.gather [hbm4b:s19+s11], $0x2800, $0x38;
	[tilespmem:$0x1E500] =	vst v63  }
0x5e: {  	_ =	swait.ge [sflag:s12], $0x2800  }
0x5f: {  	[sflag:s12] =	ssyncset.done $0x0  }
0x60: {  	[sflag:s12] =	ssyncadd.s32 $0xFFFFD800  }
0x61: {  	[tilespmem:s11], [sflag:$0x1] =	stream.linear.gather [hbm4b:s17+s11], $0x80, $0x38;
	[tilespmem:$0x1E500] =	vst v63  }
0x62: {  	s29 =	simm.s32 $0x1;
	s12 =	simm.s32 $0x80  }
0x63: {  	[tilespmem:s12], [sflag:$0x2] =	stream.linear.gather [hbm4b:s18+s11], $0x80, $0x38;
	[tilespmem:$0x1E500] =	vst v63  }
0x64: {  	_ =	swait.ge [sflag:s29], $0x80  }
0x65: {  	[sflag:s29] =	ssyncset.done $0x0  }
0x66: {  	s13 =	simm.s32 $0x2900;
	s14 =	simm.s32 $0x2;
	[sflag:s29] =	ssyncadd.s32 $0xFFFFFF80  }
0x67: {  	[tilespmem:s13], [sflag:$0x3] =	stream.indirect.gather [hbm4b:s7+s12], $0x80, s11, s12, $0xb8;
	[tilespmem:$0x1E500] =	vst v63  }
0x68: {  	_ =	swait.ge [sflag:s14], $0x80  }
0x69: {  	[sflag:s14] =	ssyncset.done $0x0  }
0x6a: {  	s16 =	simm.s32 $0x6900;
	s17 =	simm.s32 $0x3;
	[sflag:s14] =	ssyncadd.s32 $0xFFFFFF80  }
0x6b: {  	[tilespmem:s16], [sflag:$0x4] =	stream.indirect.gather [hbm4b:s7+s12], $0x80, s12, s12, $0xb8;
	[tilespmem:$0x1E500] =	vst v63  }
0x6c: {  	_ =	swait.ge [sflag:s17], $0x4000  }
0x6d: {  	[sflag:s17] =	ssyncset.done $0x0  }
0x6e: {  	[sflag:s17] =	ssyncadd.s32 $0xFFFFC000  }
0x6f: {  	[spmem:s2] =	stream.indirect.scatter.add.f32 [tilespmem:s13], [sflag:$0x5], $0x80, s20, s12, $0xb8;
	[tilespmem:$0x1E500] =	vst v63  }
0x70: {  	s30 =	simm.s32 $0x5  }
0x71: {  	[tilespmem:s11], [sflag:$0x1] =	stream.linear.gather [hbm4b:s15+s11], $0x80, $0x38;
	[tilespmem:$0x1E500] =	vst v63  }
0x72: {  	_ =	swait.ge [sflag:s30], $0x4000  }
0x73: {  	[sflag:s30] =	ssyncset.done $0x0  }
0x74: {  	[sflag:s30] =	ssyncadd.s32 $0xFFFFC000  }
0x75: {  	_ =	swait.ge [sflag:s29], $0x80  }
0x76: {  	[sflag:s29] =	ssyncset.done $0x0  }
0x77: {  	s15 =	simm.s32 $0x4;
	[sflag:s29] =	ssyncadd.s32 $0xFFFFFF80  }
0x78: {  	[tilespmem:s13], [sflag:$0x3] =	stream.indirect.gather [hbm4b:s7+s12], $0x80, s11, s12, $0xb8;
	[tilespmem:$0x1E500] =	vst v63  }
0x79: {  	_ =	swait.ge [sflag:s15], $0x4000  }
0x7a: {  	[sflag:s15] =	ssyncset.done $0x0  }
0x7b: {  	s31 =	simm.s32 $0x180;
	[sflag:s15] =	ssyncadd.s32 $0xFFFFC000  }
0x7c: {  	[spmem:s2] =	stream.indirect.scatter.add.f32 [tilespmem:s16], [sflag:$0x6], $0x80, s31, s12, $0xb8;
	[tilespmem:$0x1E500] =	vst v63  }
0x7d: {  	_ = 	snop  }
0x7e: {  	[tilespmem:s12], [sflag:$0x2] =	stream.linear.gather [hbm4b:s10+s11], $0x80, $0x38;
	[tilespmem:$0x1E500] =	vst v63  }
0x7f: {  	s18 =	simm.s32 $0x2A00;
	s10 =	simm.s32 $0x280  }
.LBB2_5:
0x80: {  	_ =	swait.ge [sflag:s9], $0x4000  }
0x81: {  	[sflag:s9] =	ssyncset.done $0x0  }
0x82: {  	[sflag:s9] =	ssyncadd.s32 $0xFFFFC000  }
0x83: {  	_ =	swait.ge [sflag:s14], $0x80  }
0x84: {  	[sflag:s14] =	ssyncset.done $0x0  }
0x85: {  	[sflag:s14] =	ssyncadd.s32 $0xFFFFFF80  }
0x86: {  	[tilespmem:s16], [sflag:$0x4] =	stream.indirect.gather [hbm4b:s7+s12], $0x80, s12, s12, $0xb8;
	[tilespmem:$0x1E500] =	vst v63  }
0x87: {  	_ =	swait.ge [sflag:s17], $0x4000  }
0x88: {  	[sflag:s17] =	ssyncset.done $0x0  }
0x89: {  	s19 =	sadd.s32 $0xFFFFFF80, s10;
	p0 =	seq.s32 s18, $0x5000;
	[sflag:s17] =	ssyncadd.s32 $0xFFFFC000  }
0x8a: {  	[spmem:s2] =	stream.indirect.scatter.add.f32 [tilespmem:s13], [sflag:$0x5], $0x80, s19, s12, $0xb8;
	[tilespmem:$0x1E500] =	vst v63  }
0x8b: {  	s19 =	sand.u32 @!p0 $0x7C00, s18  }
0x8c: {  	s20 =	simm.s32 @p0 $0x5;
	s21 =	sand.u32 @!p0 $0x300, s18;
	s19 =	sadd.s32 @!p0 s5, s19  }
0x8d: {  	_ =	swait.ge @p0 [sflag:s20], $0x4000;
	s19 =	sor.u32 @!p0 s21, s19  }
0x8e: {  	[sflag:s20] =	ssyncset.done @p0 $0x0;
	s19 =	sshrl.u32 @!p0 s19, $0x3  }
0x8f: {  	[sflag:s20] =	ssyncadd.s32 @p0 $0xFFFFC000;
	s20 =	simm.s32 @!p0 $0x0;
	s19 =	sadd.s32 @!p0 s6, s19  }
0x90: {  	[tilespmem:s20], [sflag:$0x1] =	stream.linear.gather @!p0 [hbm4b:s19+s20], $0x80, $0x38;
	[tilespmem:$0x1E500] =	vst v63  }
0x91: {  	s19 =	simm.s32 @!p0 $0x5  }
0x92: {  	_ =	swait.ge @!p0 [sflag:s19], $0x4000  }
0x93: {  	[sflag:s19] =	ssyncset.done @!p0 $0x0  }
0x94: {  	[sflag:s19] =	ssyncadd.s32 @!p0 $0xFFFFC000;
	s19 =	simm.s32 @!p0 $0x1  }
0x95: {  	_ =	swait.ge @!p0 [sflag:s19], $0x80  }
0x96: {  	[sflag:s19] =	ssyncset.done @!p0 $0x0  }
0x97: {  	s21 =	simm.s32 @!p0 $0x2900;
	[sflag:s19] =	ssyncadd.s32 @!p0 $0xFFFFFF80;
	s19 =	simm.s32 @!p0 $0x80  }
0x98: {  	[tilespmem:s21], [sflag:$0x3] =	stream.indirect.gather @!p0 [hbm4b:s7+s19], $0x80, s20, s19, $0xb8;
	[tilespmem:$0x1E500] =	vst v63  }
.Ltmp3:
0x99: {  	_ = 	snop;
	(pc) =	sbr.rel @p0 .LBB2_7-.Ltmp3, $4  }
0x9a: {  	_ =	swait.ge [sflag:s15], $0x4000  }
0x9b: {  	[sflag:s15] =	ssyncset.done $0x0  }
0x9c: {  	[sflag:s15] =	ssyncadd.s32 $0xFFFFC000  }
0x9d: {  	[spmem:s2] =	stream.indirect.scatter.add.f32 [tilespmem:s16], [sflag:$0x6], $0x80, s10, s12, $0xb8;
	[tilespmem:$0x1E500] =	vst v63  }
0x9e: {  	s19 =	sadd.s32 $0x80, s18  }
0x9f: {  	s20 =	sand.u32 $0x7C00, s19  }
.Ltmp4:
0xa0: {  	s19 =	sand.u32 $0x380, s19;
	s20 =	sadd.s32 s5, s20;
	(pc) =	sbr.rel .LBB2_5-.Ltmp4, $4  }
0xa1: {  	s19 =	sor.u32 s19, s20  }
0xa2: {  	s19 =	sshrl.u32 s19, $0x3  }
0xa3: {  	s10 =	sadd.s32 $0x100, s10;
	s18 =	sadd.s32 $0x100, s18;
	s19 =	sadd.s32 s6, s19  }
0xa4: {  	[tilespmem:s12], [sflag:$0x2] =	stream.linear.gather [hbm4b:s19+s11], $0x80, $0x38;
	[tilespmem:$0x1E500] =	vst v63  }
.LBB2_7:
0xa5: {  	s2 =	simm.s32 $0x6  }
0xa6: {  	_ =	swait.ge [sflag:s2], $0x4000  }
0xa7: {  	[sflag:s2] =	ssyncset.done $0x0  }
0xa8: {  	[sflag:s2] =	ssyncadd.s32 $0xFFFFC000  }
0xa9: {  	s31 =	simm.s32 $0x7;
	[bflag:$0x0] =	sbarrier.arrive $0xFFFF  }
0xaa: {  	[hbm:s8], [sflag:s3] =	dma.local [spmem:s4], $0x2780  }
0xab: {  	_ =	swait.ge [sflag:s31], $0x2780  }
0xac: {  	[sflag:s31] =	ssyncset.done $0x0  }
0xad: {  	[sflag:s31] =	ssyncadd.s32 $0xFFFFD880  }
.LBB2_8:
0xae: {  	_ =	sfence.sel $0x180000  }
0xaf: {  	[bflag:$0x0] =	sbarrier.arrive $0xFFFF  }
0xb0: {  	p0 =	sne.s32 s1, $0x0;
	_ =	strace $0x9000004D  }
0xb1: {  	s0 =	sadd.s32 @!p0 $0x100000, s0;
	[bflag:$0x2] =	sbarrier.arrive $0xFFFF  }
0xb2: {  	[sflag:s0] =	ssyncadd.tile.s32 @!p0 $0x1;
	_ =	shalt  }
.Lfunc_end2:
_tile_overlayer_lowered:
.L_overlay_start_2:
0xb3: {  	(tag) =	ssettag $0x2  }
0xb4: {  	s0 =	rddreg [dreg:$0x0];
	s2 =	stileid.u32  }
0xb5: {  	s1 =	rddreg [dreg:$0x1];
	p0 =	sne.s32 s2, $0x0  }
0xb6: {  	s3 =	rddreg [dreg:$0x2];
	[bflag:$0x3] =	sbarrier.arrive $0xFFFF;
	s2 =	simm.s32 @!p0 $0x1C07  }
0xb7: {  	[timem:s3], [sflag:s2] =	dma.local @!p0 [hbm:s0], s1  }
0xb8: {  	s0 =	simm.s32 @!p0 $0x7  }
0xb9: {  	_ =	swait.ge @!p0 [sflag:s0], s1  }
0xba: {  	s1 =	ssub.s32 @!p0 $0x0, s1;
	[sflag:s0] =	ssyncset.done @!p0 $0x0  }
0xbb: {  	[sflag:s0] =	ssyncadd.s32 @!p0 s1  }
0xbc: {  	[bflag:$0x3] =	sbarrier.arrive $0xFFFF  }
0xbd: {  	_ =	shalt  }

// kernel: kernel.8.cloned.1.call-start
scs
__scs_entry_jumppad:
0x0: {  	(pc) =	sbr.rel $0x88, $3  }
0x1: {  	(tag) =	ssettag $0x0;
	lr =	simm.s32 $0x1  }
0x2: {  	[smem:$0x3F97] =	sst lr;
	_ =	strace $0xD0000000  }
0x3: {  	_ = 	snop  }
0x4: {  	_ = 	snop  }
0x5: {  	_ = 	snop  }
0x6: {  	_ = 	snop  }
0x7: {  	_ = 	snop  }
__scs_overlays_trampoline_lowered:
0x8: {  	[smem:$0x3FA6] =	sst s0  }
0x9: {  	[smem:$0x3FA7] =	sst s1  }
0xa: {  	[smem:$0x3FA8] =	sst s2  }
0xb: {  	[smem:$0x3FA9] =	sst s3  }
0xc: {  	[smem:$0x3FAA] =	sst s4  }
0xd: {  	[smem:$0x3FAB] =	sst s5  }
0xe: {  	[smem:$0x3FAC] =	sst s6  }
0xf: {  	[smem:$0x3FAD] =	sst s7  }
0x10: {  	[smem:$0x3FAE] =	sst s8  }
0x11: {  	[smem:$0x3FAF] =	sst s9;
	s0 =	simm.s32 @!p0 $0x0  }
0x12: {  	s1 =	sld [smem:$0x3F95];
	s0 =	simm.s32 @p0 $0x1  }
0x13: {  	[smem:$0x3FB0] =	sst s0;
	s0 =	simm.s32 @!p1 $0x0  }
0x14: {  	s2 =	sld [smem:$0x3F94];
	s0 =	simm.s32 @p1 $0x1  }
0x15: {  	[smem:$0x3FB1] =	sst s0;
	s0 =	simm.s32 @!p2 $0x0  }
0x16: {  	s3 =	sld [smem:$0x3FDB];
	s0 =	simm.s32 @p2 $0x1  }
0x17: {  	s4 =	simm.s32 $0x1BF5;
	[smem:$0x3FB3] =	sst s0  }
0x18: {  	s0 =	sld [smem:$0x3F96];
	_ =	swait.ge [sflag:s4], $0x0  }
0x19: {  	s7 =	sld [smem:$0x3F97]  }
0x1a: {  	s8 =	sadd.s32 $0xFFFFE003, lr  }
0x1b: {  	s9 =	sadd.s32 $0xFFFFFEF7, lr;
	s5 =	simm.s32 $0xFFFFFFFF;
	p2 =	slt.u32 s8, $0xFFFFF086  }
0x1c: {  	p1 =	slt.u32 s9, $0xF7A;
	s5 =	simm.s32 @!p2 $0x0  }
0x1d: {  	s5 =	simm.s32 @p1 $0x1;
	p0 =	seq.s32 s7, s2  }
0x1e: {  	s7 =	smul.u32 @!p0 $0xF7A, s2;
	p2 =	seq.s32 @!p0 s5, $0x0  }
0x1f: {  	s9 =	smul.u32 $0xF7A, s1;
	s8 =	simm.s32 @!p0 $0x1BF5;
	p2 =	por !p2, p0  }
0x20: {  	[sflag:s8] =	ssyncset.s32 @!p0 $0xFFFFF086;
	s6 =	sadd.s32 @!p0 s3, s7;
	s7 =	simm.s32 @!p0 $0x108  }
0x21: {  	s3 =	sadd.s32 s3, s9;
	s6 =	sadd.s32 @!p0 $0x88, s6;
	s7 =	simm.s32 @p2 $0x1082  }
0x22: {  	[simem:s7], [sflag:s8] =	dma.local @!p0 [hbm:s6], $0xF7A  }
0x23: {  	s9 =	sor.u32 $0xD0000000, s2;
	s6 =	simm.s32 $0x108;
	_ =	swait.ge @!p0 [sflag:s8], $0x0  }
0x24: {  	s3 =	sadd.s32 $0x88, s3;
	s6 =	simm.s32 @!p1 $0x1082;
	[sflag:s4] =	ssyncset.s32 $0xFFFFF086  }
0x25: {  	[simem:s6], [sflag:s4] =	dma.local [hbm:s3], $0xF7A  }
0x26: {  	[smem:$0x3F97] =	sst s1;
	(tag) =	ssettag s2;
	_ =	strace s9  }
0x27: {  	s1 =	sld [smem:$0x3FA7]  }
0x28: {  	s2 =	sld [smem:$0x3FA8]  }
0x29: {  	s4 =	sld [smem:$0x3FAA]  }
0x2a: {  	p0 =	seq.s32 s5, $0x0;
	s5 =	sld [smem:$0x3FAB]  }
0x2b: {  	s6 =	sld [smem:$0x3FAC]  }
0x2c: {  	s7 =	sld [smem:$0x3FAD]  }
0x2d: {  	s3 =	simm.s32 $0x108;
	s8 =	sld [smem:$0x3FAE]  }
0x2e: {  	s3 =	simm.s32 @!p0 $0x1082;
	s9 =	sld [smem:$0x3FAF]  }
0x2f: {  	lr =	sadd.s32 s0, s3;
	s0 =	sld [smem:$0x3FA6]  }
0x30: {  	s3 =	sld [smem:$0x3FA9]  }
0x31: {  	[smem:$0x3FB2] =	sst s10  }
0x32: {  	s10 =	sld [smem:$0x3FB0];
	_ =	sdelay $0x3  }
0x33: {  	p0 =	seq.s32 s10, $0x1;
	s10 =	sld [smem:$0x3FB2];
	_ =	sdelay $0x3  }
0x34: {  	[smem:$0x3FB2] =	sst s10  }
0x35: {  	s10 =	sld [smem:$0x3FB1];
	_ =	sdelay $0x3  }
0x36: {  	p1 =	seq.s32 s10, $0x1;
	s10 =	sld [smem:$0x3FB2];
	_ =	sdelay $0x3  }
0x37: {  	[smem:$0x3FB2] =	sst s10  }
0x38: {  	s10 =	sld [smem:$0x3FB3]  }
0x39: {  	_ = 	snop;
	(pc) =	sbr.ind lr, $3  }
0x3a: {  	_ = 	snop  }
0x3b: {  	_ = 	snop  }
0x3c: {  	p2 =	seq.s32 s10, $0x1;
	s10 =	sld [smem:$0x3FB2]  }
0x3d: {  	_ =	shalt  }
0x3e: {  	_ =	shalt  }
0x3f: {  	_ =	shalt  }
0x40: {  	_ =	shalt  }
0x41: {  	_ =	shalt  }
0x42: {  	_ =	shalt  }
0x43: {  	_ =	shalt  }
0x44: {  	_ =	shalt  }
0x45: {  	_ =	shalt  }
0x46: {  	_ =	shalt  }
0x47: {  	_ =	shalt  }
0x48: {  	_ =	shalt  }
0x49: {  	_ =	shalt  }
0x4a: {  	_ =	shalt  }
0x4b: {  	_ =	shalt  }
0x4c: {  	_ =	shalt  }
0x4d: {  	_ =	shalt  }
0x4e: {  	_ =	shalt  }
0x4f: {  	_ =	shalt  }
0x50: {  	_ =	shalt  }
0x51: {  	_ =	shalt  }
0x52: {  	_ =	shalt  }
0x53: {  	_ =	shalt  }
0x54: {  	_ =	shalt  }
0x55: {  	_ =	shalt  }
0x56: {  	_ =	shalt  }
0x57: {  	_ =	shalt  }
0x58: {  	_ =	shalt  }
0x59: {  	_ =	shalt  }
0x5a: {  	_ =	shalt  }
0x5b: {  	_ =	shalt  }
0x5c: {  	_ =	shalt  }
0x5d: {  	_ =	shalt  }
0x5e: {  	_ =	shalt  }
0x5f: {  	_ =	shalt  }
0x60: {  	_ =	shalt  }
0x61: {  	_ =	shalt  }
0x62: {  	_ =	shalt  }
0x63: {  	_ =	shalt  }
0x64: {  	_ =	shalt  }
0x65: {  	_ =	shalt  }
0x66: {  	_ =	shalt  }
0x67: {  	_ =	shalt  }
0x68: {  	_ =	shalt  }
0x69: {  	_ =	shalt  }
0x6a: {  	_ =	shalt  }
0x6b: {  	_ =	shalt  }
0x6c: {  	_ =	shalt  }
0x6d: {  	_ =	shalt  }
0x6e: {  	_ =	shalt  }
0x6f: {  	_ =	shalt  }
0x70: {  	_ =	shalt  }
0x71: {  	_ =	shalt  }
0x72: {  	_ =	shalt  }
0x73: {  	_ =	shalt  }
0x74: {  	_ =	shalt  }
0x75: {  	_ =	shalt  }
0x76: {  	_ =	shalt  }
0x77: {  	_ =	shalt  }
0x78: {  	_ =	shalt  }
0x79: {  	_ =	shalt  }
0x7a: {  	_ =	shalt  }
0x7b: {  	_ =	shalt  }
0x7c: {  	_ =	shalt  }
0x7d: {  	_ =	shalt  }
0x7e: {  	_ =	shalt  }
0x7f: {  	_ =	shalt  }
0x80: {  	_ =	shalt  }
0x81: {  	_ =	shalt  }
0x82: {  	_ =	shalt  }
0x83: {  	_ =	shalt  }
0x84: {  	_ =	shalt  }
0x85: {  	_ =	shalt  }
0x86: {  	_ =	shalt  }
0x87: {  	_ =	shalt  }
.Lfunc_end0:
.L_simem_size_0:
called_computation_lowered:
.L_overlay_start_0:
0x88: {  	s2 =	sld [smem:$0x3FD9]  }
0x89: {  	s3 =	sld [smem:$0x3FFE];
	_ =	sdelay $0x1  }
0x8a: {  	s1 =	srdreg.scid  }
0x8b: {  	s0 =	sand.u32 $0x1, s1  }
0x8c: {  	s16 =	sshll.u32 s0, $0xA;
	s2 =	sadd.s32 s3, s2  }
0x8d: {  	s2 =	sadd.s32 s2, s16  }
0x8e: {  	[smem:$0x3FBE] =	sst s2  }
0x8f: {  	_ = 	snop  }
0x90: {  	(tm) =	ssettm $0x1  }
0x91: {  	s17 =	sld [smem:$0x3FFB];
	_ =	sdelay $0x3  }
0x92: {  	_ =	strace s17  }
0x93: {  	s2 =	sld [smem:$0x3FFC];
	_ =	sdelay $0x3  }
0x94: {  	_ =	strace s2  }
0x95: {  	s2 =	sld [smem:$0x3FFD];
	_ =	sdelay $0x3  }
0x96: {  	_ =	strace s2  }
0x97: {  	_ =	strace $0x8FFFFFFF  }
0x98: {  	s18 =	sld [smem:$0x3FDB];
	_ =	sdelay $0x1  }
0x99: {  	s19 =	simm.s32 $_scs_section_size  }
0x9a: {  	s4 =	simm.s32 $_size__tile_overlayer_lowered;
	s5 =	simm.s32 $_tile_overlayer_lowered  }
0x9b: {  	s22 =	simm.s32 $0x1BFF;
	s21 =	sshll.u32 s5, $0x1;
	s2 =	sadd.s32 s19, s18  }
0x9c: {  	s6 =	simm.s32 $0x0;
	s20 =	sshll.u32 s4, $0x1;
	s4 =	sadd.s32 s21, s2  }
0x9d: {  	[timem:s6], [sflag:s22] =	dma.local [hbm:s4], s20  }
0x9e: {  	_ =	swait.ge [sflag:s22], s20  }
0x9f: {  	s3 =	ssub.s32 $0x0, s20;
	[sflag:s22] =	ssyncset.done $0x0  }
0xa0: {  	[sflag:s22] =	ssyncadd.s32 s3;
	_ =	sdelay $0x1  }
0xa1: {  	s23 =	simm.s32 $0x1B8B  }
0xa2: {  	_ =	swait.ge [sflag:s23], $0x1  }
0xa3: {  	[sflag:s23] =	ssyncset.done $0x0  }
0xa4: {  	s25 =	simm.s32 $0x1B8E;
	s24 =	sld [smem:$0x3FFE];
	[sflag:s23] =	ssyncadd.s32 $0xFFFFFFFF  }
0xa5: {  	s26 =	simm.s32 $execute0_lowered;
	[smem:$0x3FD2] =	sst s25  }
0xa6: {  	s4 =	sshll.u32 s26, $0x1;
	_ =	strace $0x80000046;
	[dreg:$0x1] =	wrdreg $0xFFFFFFFF  }
0xa7: {  	s28 =	simm.s32 $_size_execute0_lowered;
	s2 =	sadd.s32 s2, s4;
	[dreg:$0x0] =	wrdreg $0x0  }
0xa8: {  	s4 =	sshll.u32 s28, $0x1;
	[dreg:$0x2] =	wrdreg s2  }
0xa9: {  	[dreg:$0x3] =	wrdreg s4  }
0xaa: {  	[dreg:$0x4] =	wrdreg $0xC0  }
0xab: {  	_ =	task [dreg:s6], $0x5FFFF  }
0xac: {  	[dreg:$0x1] =	wrdreg $0xFFFFFFFF  }
0xad: {  	[dreg:$0x0] =	wrdreg $0x60  }
0xae: {  	[dreg:$0x2] =	wrdreg s24  }
0xaf: {  	[dreg:$0x3] =	wrdreg $0x9  }
0xb0: {  	_ =	task.clear_ibuf [dreg:s6], $0x4FFFF;
	_ =	strace $0x90000046  }
0xb1: {  	s29 =	simm.s32 $0x9;
	_ =	strace $0x80000048  }
0xb2: {  	_ =	swait.ge [sflag:s29], $0x1  }
0xb3: {  	[sflag:s29] =	ssyncadd.s32 $0xFFFFFFFF  }
0xb4: {  	_ =	strace $0x90000048  }
0xb5: {  	_ =	sfence  }
0xb6: {  	s30 =	sld [smem:$0x0];
	_ =	sdelay $0x2  }
0xb7: {  	s31 =	sshll.u32 s1, $0xD;
	s1 =	sshrl.u32 s1, $0x2  }
0xb8: {  	s3 =	sand.u32 $0x4000, s31;
	s1 =	sadd.s32 s1, s30  }
0xb9: {  	s0 =	sor.u32 s3, s0;
	s1 =	sshll.u32 s1, $0x11  }
0xba: {  	s0 =	sor.u32 s1, s0  }
0xbb: {  	s0 =	sadd.s32 $0x8F2B, s0  }
0xbc: {  	[sflag:s0] =	ssyncadd.remote.s32 $0x1  }
0xbd: {  	_ =	sfence.sel $0xFFFF  }
0xbe: {  	[dreg:$0x0] =	wrdreg $0xFFFFFFFF;
	(pc) =	sbr.abs _section_cstart, $3  }
0xbf: {  	[dreg:$0x1] =	wrdreg $0xFFFFFFFF  }
0xc0: {  	_ =	task.clear_ibuf [dreg:s6], $0x2FFFF;
	_ =	strace $0x9FFFFFFF  }
0xc1: {  	(tm) =	ssettm $0x7FFFFFFF  }
tec
execute0_lowered:
.L_overlay_start_1:
0x0: {  	(tag) =	ssettag $0x1  }
0x1: {  	s0 =	srdreg.scid;
	s6 =	stileid.u32  }
0x2: {  	s2 =	rddreg [dreg:$0x0];
	s4 =	simm.s32 $0x0;
	s0 =	sand.u32 $0x1, s0  }
0x3: {  	s28 =	simm.s32 $0x580;
	s3 =	smul.u32 $0x14000, s6;
	s8 =	ssub.s32 $0x2, s0  }
0x4: {  	s29 =	simm.s32 $0x680;
	s1 =	smul.u32 $0x140000, s0;
	s5 =	sshrl.u32 s8, $0x1  }
0x5: {  	[smem:$0x7FF] =	sst s4;
	s9 =	sshll.u32 s0, $0x4;
	s5 =	ssub.s32 s8, s5  }
0x6: {  	s1 =	sadd.s32 s3, s1;
	s3 =	sadd.s32 $0xCA00, s2;
	s11 =	smax.u32 s5, $0x1  }
0x7: {  	_ =	strace $0x80000047;
	s10 =	sadd.s32 s3, s9;
	[dreg:$0x4] =	wrdreg s11  }
0x8: {  	s30 =	simm.s32 $0x780;
	s12 =	sadd.s32 $0x20, s10;
	[dreg:$0x2] =	wrdreg s10  }
0x9: {  	s31 =	simm.s32 $0x880;
	s13 =	sadd.s32 $0x40, s10;
	[dreg:$0x5] =	wrdreg s12  }
0xa: {  	s17 =	smul.u32 $0x280, s6;
	s14 =	sadd.s32 $0x60, s10;
	[dreg:$0x6] =	wrdreg s13  }
0xb: {  	s6 =	sadd.s32 $0xCC00, s2;
	s15 =	sadd.s32 $0x80, s10;
	[dreg:$0x7] =	wrdreg s14  }
0xc: {  	s4 =	sshll.u32 s0, $0x7;
	s16 =	sadd.s32 $0xA0, s10;
	[dreg:$0x8] =	wrdreg s15  }
0xd: {  	s7 =	sor.u32 $0x2000, s4;
	s18 =	sadd.s32 $0xC0, s10;
	[dreg:$0x9] =	wrdreg s16  }
0xe: {  	v0 =	vmov s17;
	s17 =	simm.s32 $0x2;
	s19 =	sadd.s32 $0xE0, s10;
	[dreg:$0xa] =	wrdreg s18  }
0xf: {  	s8 =	simm.s32 $0x980;
	s20 =	sadd.s32 $0x100, s10;
	[dreg:$0xb] =	wrdreg s19  }
0x10: {  	s1 =	sshrl.u32 s1, $0x3;
	s21 =	sadd.s32 $0x120, s10;
	[dreg:$0xc] =	wrdreg s20  }
0x11: {  	s9 =	simm.s32 $0xA80;
	s22 =	sadd.s32 $0x140, s10;
	[dreg:$0xd] =	wrdreg s21  }
0x12: {  	s1 =	sadd.s32 s1, s2;
	s23 =	sadd.s32 $0x160, s10;
	[dreg:$0xe] =	wrdreg s22  }
0x13: {  	s24 =	sadd.s32 $0x180, s10;
	s25 =	sadd.s32 $0x1A0, s10;
	[dreg:$0xf] =	wrdreg s23  }
0x14: {  	s26 =	sadd.s32 $0x1C0, s10;
	s0 =	sadd.s32 $0x1E0, s10;
	[dreg:$0x10] =	wrdreg s24  }
0x15: {  	s2 =	simm.s32 $0x280;
	s10 =	simm.s32 $0xB80;
	[dreg:$0x11] =	wrdreg s25  }
0x16: {  	s11 =	simm.s32 $0xC80;
	s1 =	sadd.s32 $0x16A00, s1;
	[dreg:$0x12] =	wrdreg s26  }
0x17: {  	[dreg:$0x13] =	wrdreg s0;
	s0 =	simm.s32 $0x180;
	s25 =	simm.s32 $0x380  }
0x18: {  	s26 =	simm.s32 $0x480;
	s12 =	simm.s32 $0xD80;
	s13 =	simm.s32 $0xE80  }
0x19: {  	s14 =	simm.s32 $0xF80;
	s15 =	simm.s32 $0x1;
	s16 =	simm.s32 $0x1000  }
0x1a: {  	v1 =	vimm.f32 $0.0e+00;
	v2 =	vlaneseq.u32;
	s19 =	simm.s32 $0x0;
	[dreg:$0x3] =	wrdreg s1;
	s1 =	simm.s32 $0x80  }
.LBB2_1:
0x1b: {  	s20 =	simm.s32 $0x200;
	s5 =	simm.s32 $0x0  }
.LBB2_2:
0x1c: {  	p0 =	sne.s32 s20, $0x4FE00;
	[tilespmem:s5+$0x1000] =	vst v1;
	s5 =	smov.u32 s20;
	s20 =	sadd.s32 $0x200, s20  }
.Ltmp0:
0x1d: {  	(pc) =	sbr.rel @p0 .LBB2_2-.Ltmp0, $2  }
0x1e: {  	_ =	sdelay $0x2  }
0x1f: {  	s5 =	sshra.s32 s5, $0x2  }
0x20: {  	[tilespmem:s5+$0x1000] =	vst v1;
	s20 =	simm.s32 $0x0;
	s23 =	rddreg [dreg:$0x2]  }
0x21: {  	[tilespmem:s20], [sflag:$0x1] =	stream.linear.gather [hbm4b:s23+s20], $0x80, $0x38;
	[tilespmem:$0x15000] =	vst v63  }
0x22: {  	s24 =	rddreg [dreg:$0x5];
	s18 =	simm.s32 $0x100  }
0x23: {  	[tilespmem:s18], [sflag:$0x1] =	stream.linear.gather [hbm4b:s24+s20], $0x80, $0x38;
	[tilespmem:$0x15000] =	vst v63  }
0x24: {  	s21 =	rddreg [dreg:$0x6];
	s22 =	simm.s32 $0x200  }
0x25: {  	[tilespmem:s22], [sflag:$0x1] =	stream.linear.gather [hbm4b:s21+s20], $0x80, $0x38;
	[tilespmem:$0x15000] =	vst v63  }
0x26: {  	s23 =	rddreg [dreg:$0x7];
	s24 =	simm.s32 $0x300  }
0x27: {  	[tilespmem:s24], [sflag:$0x1] =	stream.linear.gather [hbm4b:s23+s20], $0x80, $0x38;
	[tilespmem:$0x15000] =	vst v63  }
0x28: {  	s21 =	rddreg [dreg:$0x8];
	s22 =	simm.s32 $0x400  }
0x29: {  	[tilespmem:s22], [sflag:$0x1] =	stream.linear.gather [hbm4b:s21+s20], $0x80, $0x38;
	[tilespmem:$0x15000] =	vst v63  }
0x2a: {  	s23 =	rddreg [dreg:$0x9];
	s24 =	simm.s32 $0x500  }
0x2b: {  	[tilespmem:s24], [sflag:$0x1] =	stream.linear.gather [hbm4b:s23+s20], $0x80, $0x38;
	[tilespmem:$0x15000] =	vst v63  }
0x2c: {  	s21 =	rddreg [dreg:$0xa];
	s22 =	simm.s32 $0x600  }
0x2d: {  	[tilespmem:s22], [sflag:$0x1] =	stream.linear.gather [hbm4b:s21+s20], $0x80, $0x38;
	[tilespmem:$0x15000] =	vst v63  }
0x2e: {  	s23 =	rddreg [dreg:$0xb];
	s24 =	simm.s32 $0x700  }
0x2f: {  	[tilespmem:s24], [sflag:$0x1] =	stream.linear.gather [hbm4b:s23+s20], $0x80, $0x38;
	[tilespmem:$0x15000] =	vst v63  }
0x30: {  	s21 =	rddreg [dreg:$0xc];
	s22 =	simm.s32 $0x800  }
0x31: {  	[tilespmem:s22], [sflag:$0x1] =	stream.linear.gather [hbm4b:s21+s20], $0x80, $0x38;
	[tilespmem:$0x15000] =	vst v63  }
0x32: {  	s23 =	rddreg [dreg:$0xd];
	s24 =	simm.s32 $0x900  }
0x33: {  	[tilespmem:s24], [sflag:$0x1] =	stream.linear.gather [hbm4b:s23+s20], $0x80, $0x38;
	[tilespmem:$0x15000] =	vst v63  }
0x34: {  	s21 =	rddreg [dreg:$0xe];
	s22 =	simm.s32 $0xA00  }
0x35: {  	[tilespmem:s22], [sflag:$0x1] =	stream.linear.gather [hbm4b:s21+s20], $0x80, $0x38;
	[tilespmem:$0x15000] =	vst v63  }
0x36: {  	s23 =	rddreg [dreg:$0xf];
	s24 =	simm.s32 $0xB00  }
0x37: {  	[tilespmem:s24], [sflag:$0x1] =	stream.linear.gather [hbm4b:s23+s20], $0x80, $0x38;
	[tilespmem:$0x15000] =	vst v63  }
0x38: {  	s21 =	rddreg [dreg:$0x10];
	s22 =	simm.s32 $0xC00  }
0x39: {  	[tilespmem:s22], [sflag:$0x1] =	stream.linear.gather [hbm4b:s21+s20], $0x80, $0x38;
	[tilespmem:$0x15000] =	vst v63  }
0x3a: {  	s23 =	rddreg [dreg:$0x11];
	s24 =	simm.s32 $0xD00  }
0x3b: {  	[tilespmem:s24], [sflag:$0x1] =	stream.linear.gather [hbm4b:s23+s20], $0x80, $0x38;
	[tilespmem:$0x15000] =	vst v63  }
0x3c: {  	s21 =	rddreg [dreg:$0x12];
	s22 =	simm.s32 $0xE00  }
0x3d: {  	[tilespmem:s22], [sflag:$0x1] =	stream.linear.gather [hbm4b:s21+s20], $0x80, $0x38;
	[tilespmem:$0x15000] =	vst v63  }
0x3e: {  	s23 =	rddreg [dreg:$0x13];
	s24 =	simm.s32 $0xF00;
	s21 =	simm.s32 $0x0  }
0x3f: {  	[tilespmem:s24], [sflag:$0x1] =	stream.linear.gather [hbm4b:s23+s20], $0x80, $0x38;
	[tilespmem:$0x15000] =	vst v63  }
.LBB2_4:
0x40: {  	s22 =	sshll.u32 s21, $0xD  }
0x41: {  	s5 =	sor.u32 s4, s22  }
0x42: {  	s5 =	sshrl.u32 s5, $0x3  }
0x43: {  	s5 =	sadd.s32 s5, s6  }
0x44: {  	[tilespmem:s1], [sflag:$0x2] =	stream.linear.gather [hbm4b:s5+s20], $0x80, $0x38;
	[tilespmem:$0x15000] =	vst v63  }
0x45: {  	s18 =	sadd.s32 $0x20, s5  }
0x46: {  	[tilespmem:s0], [sflag:$0x2] =	stream.linear.gather [hbm4b:s18+s20], $0x80, $0x38;
	[tilespmem:$0x15000] =	vst v63  }
0x47: {  	s24 =	sadd.s32 $0x40, s5  }
0x48: {  	[tilespmem:s2], [sflag:$0x2] =	stream.linear.gather [hbm4b:s24+s20], $0x80, $0x38;
	[tilespmem:$0x15000] =	vst v63  }
0x49: {  	s23 =	sadd.s32 $0x60, s5  }
0x4a: {  	[tilespmem:s25], [sflag:$0x2] =	stream.linear.gather [hbm4b:s23+s20], $0x80, $0x38;
	[tilespmem:$0x15000] =	vst v63  }
0x4b: {  	s24 =	sadd.s32 $0x80, s5  }
0x4c: {  	[tilespmem:s26], [sflag:$0x2] =	stream.linear.gather [hbm4b:s24+s20], $0x80, $0x38;
	[tilespmem:$0x15000] =	vst v63  }
0x4d: {  	s23 =	sadd.s32 $0xA0, s5  }
0x4e: {  	[tilespmem:s28], [sflag:$0x2] =	stream.linear.gather [hbm4b:s23+s20], $0x80, $0x38;
	[tilespmem:$0x15000] =	vst v63  }
0x4f: {  	s24 =	sadd.s32 $0xC0, s5  }
0x50: {  	[tilespmem:s29], [sflag:$0x2] =	stream.linear.gather [hbm4b:s24+s20], $0x80, $0x38;
	[tilespmem:$0x15000] =	vst v63  }
0x51: {  	s23 =	sadd.s32 $0xE0, s5  }
0x52: {  	[tilespmem:s30], [sflag:$0x2] =	stream.linear.gather [hbm4b:s23+s20], $0x80, $0x38;
	[tilespmem:$0x15000] =	vst v63  }
0x53: {  	s24 =	sadd.s32 $0x100, s5  }
0x54: {  	[tilespmem:s31], [sflag:$0x2] =	stream.linear.gather [hbm4b:s24+s20], $0x80, $0x38;
	[tilespmem:$0x15000] =	vst v63  }
0x55: {  	s23 =	sadd.s32 $0x120, s5  }
0x56: {  	[tilespmem:s8], [sflag:$0x2] =	stream.linear.gather [hbm4b:s23+s20], $0x80, $0x38;
	[tilespmem:$0x15000] =	vst v63  }
0x57: {  	s24 =	sadd.s32 $0x140, s5  }
0x58: {  	[tilespmem:s9], [sflag:$0x2] =	stream.linear.gather [hbm4b:s24+s20], $0x80, $0x38;
	[tilespmem:$0x15000] =	vst v63  }
0x59: {  	s23 =	sadd.s32 $0x160, s5  }
0x5a: {  	[tilespmem:s10], [sflag:$0x2] =	stream.linear.gather [hbm4b:s23+s20], $0x80, $0x38;
	[tilespmem:$0x15000] =	vst v63  }
0x5b: {  	s24 =	sadd.s32 $0x180, s5  }
0x5c: {  	[tilespmem:s11], [sflag:$0x2] =	stream.linear.gather [hbm4b:s24+s20], $0x80, $0x38;
	[tilespmem:$0x15000] =	vst v63  }
0x5d: {  	s23 =	sadd.s32 $0x1A0, s5  }
0x5e: {  	[tilespmem:s12], [sflag:$0x2] =	stream.linear.gather [hbm4b:s23+s20], $0x80, $0x38;
	[tilespmem:$0x15000] =	vst v63  }
0x5f: {  	s24 =	sadd.s32 $0x1C0, s5  }
0x60: {  	[tilespmem:s13], [sflag:$0x2] =	stream.linear.gather [hbm4b:s24+s20], $0x80, $0x38;
	[tilespmem:$0x15000] =	vst v63  }
0x61: {  	s5 =	sadd.s32 $0x1E0, s5  }
0x62: {  	[tilespmem:s14], [sflag:$0x2] =	stream.linear.gather [hbm4b:s5+s20], $0x80, $0x38;
	[tilespmem:$0x15000] =	vst v63  }
0x63: {  	_ =	swait.ge [sflag:s15], $0x800  }
0x64: {  	s18 =	sand.u32 $0x70, s20;
	s23 =	sand.u32 $0xF00, s20;
	[sflag:s15] =	ssyncset.done $0x0  }
0x65: {  	s5 =	sor.u32 s18, s23;
	[sflag:s15] =	ssyncadd.s32 $0xFFFFF800  }
0x66: {  	v3 =	vld [tilespmem:s5+$0x0];
	_ =	sdelay $0x4  }
0x67: {  	v3 =	vsub.s32 v3, v0  }
0x68: {  	v4 =	vshll.u32 v3, $0x7  }
0x69: {  	vm0 =	vlt.u32 v3, $0x280;
	v3 =	vor.u32 v2, v4  }
0x6a: {  	v3 =	vsel vm0, v3, v2;
	_ =	sdelay $0x4  }
0x6b: {  	v4 =	vld.idx.msk [tilespmem:v3+s16+$0x0], vm0;
	_ =	sdelay $0x4  }
0x6c: {  	s24 =	simm.s32 $0x10;
	s23 =	simm.s32 $0x20;
	v4 =	vadd.f32 $1.000000000e+00, v4  }
0x6d: {  	s18 =	sand.u32 $0xF00, s23;
	s5 =	sand.u32 $0x70, s24;
	s24 =	simm.s32 $0x20  }
.LBB2_5:
0x6e: {  	p0 =	sne.s32 s24, $0x7F0;
	s5 =	sor.u32 s5, s18;
	[tilespmem:v3+s16+$0x0] =	vst.idx.msk vm0, v4  }
0x6f: {  	v3 =	vld [tilespmem:s5+$0x0];
	_ =	sdelay $0x4  }
0x70: {  	v3 =	vsub.s32 v3, v0  }
0x71: {  	v4 =	vshll.u32 v3, $0x7  }
0x72: {  	vm0 =	vlt.u32 v3, $0x280;
	v3 =	vor.u32 v2, v4  }
0x73: {  	v3 =	vsel vm0, v3, v2;
	_ =	sdelay $0x4  }
0x74: {  	v4 =	vld.idx.msk [tilespmem:v3+s16+$0x0], vm0;
	_ =	sdelay $0x2  }
.Ltmp1:
0x75: {  	(pc) =	sbr.rel @p0 .LBB2_5-.Ltmp1, $3  }
0x76: {  	_ =	sdelay $0x1  }
0x77: {  	s23 =	sadd.s32 $0x20, s23;
	v4 =	vadd.f32 $1.000000000e+00, v4  }
0x78: {  	s5 =	sand.u32 $0x70, s24;
	s18 =	sand.u32 $0xF00, s23;
	s24 =	sadd.s32 $0x10, s24  }
0x79: {  	_ =	sdelay $0x4  }
0x7a: {  	s5 =	sor.u32 s5, s18;
	[tilespmem:v3+s16+$0x0] =	vst.idx.msk vm0, v4  }
0x7b: {  	v3 =	vld [tilespmem:s5+$0x0];
	_ =	sdelay $0x4  }
0x7c: {  	v3 =	vsub.s32 v3, v0  }
0x7d: {  	v4 =	vshll.u32 v3, $0x7  }
0x7e: {  	vm0 =	vlt.u32 v3, $0x280;
	v3 =	vor.u32 v2, v4  }
0x7f: {  	v3 =	vsel vm0, v3, v2;
	_ =	sdelay $0x4  }
0x80: {  	v4 =	vld.idx.msk [tilespmem:v3+s16+$0x0], vm0;
	_ =	sdelay $0x3  }
0x81: {  	p0 =	seq.s32 s21, $0x27  }
0x82: {  	s5 =	sadd.s32 @!p0 s7, s22;
	v4 =	vadd.f32 $1.000000000e+00, v4  }
0x83: {  	s5 =	sshrl.u32 @!p0 s5, $0x3  }
0x84: {  	s18 =	simm.s32 @!p0 $0x0;
	s5 =	sadd.s32 @!p0 s3, s5;
	[tilespmem:v3+s16+$0x0] =	vst.idx.msk vm0, v4  }
0x85: {  	[tilespmem:s18], [sflag:$0x1] =	stream.linear.gather @!p0 [hbm4b:s5+s18], $0x80, $0x38;
	[tilespmem:$0x15000] =	vst v63  }
0x86: {  	s23 =	simm.s32 @!p0 $0x100;
	s22 =	sadd.s32 @!p0 $0x20, s5  }
0x87: {  	[tilespmem:s23], [sflag:$0x1] =	stream.linear.gather @!p0 [hbm4b:s22+s18], $0x80, $0x38;
	[tilespmem:$0x15000] =	vst v63  }
0x88: {  	s22 =	sadd.s32 @!p0 $0x40, s5;
	s23 =	simm.s32 @!p0 $0x200  }
0x89: {  	[tilespmem:s23], [sflag:$0x1] =	stream.linear.gather @!p0 [hbm4b:s22+s18], $0x80, $0x38;
	[tilespmem:$0x15000] =	vst v63  }
0x8a: {  	s22 =	sadd.s32 @!p0 $0x60, s5;
	s23 =	simm.s32 @!p0 $0x300  }
0x8b: {  	[tilespmem:s23], [sflag:$0x1] =	stream.linear.gather @!p0 [hbm4b:s22+s18], $0x80, $0x38;
	[tilespmem:$0x15000] =	vst v63  }
0x8c: {  	s22 =	sadd.s32 @!p0 $0x80, s5;
	s23 =	simm.s32 @!p0 $0x400  }
0x8d: {  	[tilespmem:s23], [sflag:$0x1] =	stream.linear.gather @!p0 [hbm4b:s22+s18], $0x80, $0x38;
	[tilespmem:$0x15000] =	vst v63  }
0x8e: {  	s22 =	sadd.s32 @!p0 $0xA0, s5;
	s23 =	simm.s32 @!p0 $0x500  }
0x8f: {  	[tilespmem:s23], [sflag:$0x1] =	stream.linear.gather @!p0 [hbm4b:s22+s18], $0x80, $0x38;
	[tilespmem:$0x15000] =	vst v63  }
0x90: {  	s22 =	sadd.s32 @!p0 $0xC0, s5;
	s23 =	simm.s32 @!p0 $0x600  }
0x91: {  	[tilespmem:s23], [sflag:$0x1] =	stream.linear.gather @!p0 [hbm4b:s22+s18], $0x80, $0x38;
	[tilespmem:$0x15000] =	vst v63  }
0x92: {  	s22 =	sadd.s32 @!p0 $0xE0, s5;
	s23 =	simm.s32 @!p0 $0x700  }
0x93: {  	[tilespmem:s23], [sflag:$0x1] =	stream.linear.gather @!p0 [hbm4b:s22+s18], $0x80, $0x38;
	[tilespmem:$0x15000] =	vst v63  }
0x94: {  	s22 =	sadd.s32 @!p0 $0x100, s5;
	s23 =	simm.s32 @!p0 $0x800  }
0x95: {  	[tilespmem:s23], [sflag:$0x1] =	stream.linear.gather @!p0 [hbm4b:s22+s18], $0x80, $0x38;
	[tilespmem:$0x15000] =	vst v63  }
0x96: {  	s22 =	sadd.s32 @!p0 $0x120, s5;
	s23 =	simm.s32 @!p0 $0x900  }
0x97: {  	[tilespmem:s23], [sflag:$0x1] =	stream.linear.gather @!p0 [hbm4b:s22+s18], $0x80, $0x38;
	[tilespmem:$0x15000] =	vst v63  }
0x98: {  	s22 =	sadd.s32 @!p0 $0x140, s5;
	s23 =	simm.s32 @!p0 $0xA00  }
0x99: {  	[tilespmem:s23], [sflag:$0x1] =	stream.linear.gather @!p0 [hbm4b:s22+s18], $0x80, $0x38;
	[tilespmem:$0x15000] =	vst v63  }
0x9a: {  	s22 =	sadd.s32 @!p0 $0x160, s5;
	s23 =	simm.s32 @!p0 $0xB00  }
0x9b: {  	[tilespmem:s23], [sflag:$0x1] =	stream.linear.gather @!p0 [hbm4b:s22+s18], $0x80, $0x38;
	[tilespmem:$0x15000] =	vst v63  }
0x9c: {  	s22 =	sadd.s32 @!p0 $0x180, s5;
	s23 =	simm.s32 @!p0 $0xC00  }
0x9d: {  	[tilespmem:s23], [sflag:$0x1] =	stream.linear.gather @!p0 [hbm4b:s22+s18], $0x80, $0x38;
	[tilespmem:$0x15000] =	vst v63  }
0x9e: {  	s22 =	sadd.s32 @!p0 $0x1A0, s5;
	s23 =	simm.s32 @!p0 $0xD00  }
0x9f: {  	[tilespmem:s23], [sflag:$0x1] =	stream.linear.gather @!p0 [hbm4b:s22+s18], $0x80, $0x38;
	[tilespmem:$0x15000] =	vst v63  }
0xa0: {  	s22 =	sadd.s32 @!p0 $0x1C0, s5;
	s23 =	simm.s32 @!p0 $0xE00  }
0xa1: {  	[tilespmem:s23], [sflag:$0x1] =	stream.linear.gather @!p0 [hbm4b:s22+s18], $0x80, $0x38;
	[tilespmem:$0x15000] =	vst v63  }
0xa2: {  	s5 =	sadd.s32 @!p0 $0x1E0, s5;
	s22 =	simm.s32 @!p0 $0xF00  }
0xa3: {  	[tilespmem:s22], [sflag:$0x1] =	stream.linear.gather @!p0 [hbm4b:s5+s18], $0x80, $0x38;
	[tilespmem:$0x15000] =	vst v63  }
0xa4: {  	s22 =	simm.s32 $0x0;
	_ =	swait.ge [sflag:s17], $0x800  }
0xa5: {  	s23 =	sand.u32 $0x70, s22;
	s5 =	sand.u32 $0xF00, s22;
	[sflag:s17] =	ssyncset.done $0x0  }
0xa6: {  	s5 =	sor.u32 s23, s5;
	[sflag:s17] =	ssyncadd.s32 $0xFFFFF800  }
0xa7: {  	v3 =	vld [tilespmem:s5+$0x80];
	_ =	sdelay $0x4  }
0xa8: {  	v3 =	vsub.s32 v3, v0  }
0xa9: {  	v4 =	vshll.u32 v3, $0x7  }
0xaa: {  	vm0 =	vlt.u32 v3, $0x280;
	v3 =	vor.u32 v2, v4  }
0xab: {  	v3 =	vsel vm0, v3, v2;
	_ =	sdelay $0x4  }
0xac: {  	v4 =	vld.idx.msk [tilespmem:v3+s16+$0x0], vm0;
	_ =	sdelay $0x4  }
0xad: {  	s24 =	simm.s32 $0x10;
	s22 =	simm.s32 $0x20;
	v4 =	vadd.f32 $1.000000000e+00, v4  }
0xae: {  	s18 =	sand.u32 $0xF00, s22;
	s23 =	simm.s32 $0x20;
	s5 =	sand.u32 $0x70, s24  }
.LBB2_7:
0xaf: {  	p0 =	sne.s32 s23, $0x7F0;
	s5 =	sor.u32 s5, s18;
	[tilespmem:v3+s16+$0x0] =	vst.idx.msk vm0, v4  }
0xb0: {  	v3 =	vld [tilespmem:s5+$0x80];
	_ =	sdelay $0x4  }
0xb1: {  	v3 =	vsub.s32 v3, v0  }
0xb2: {  	v4 =	vshll.u32 v3, $0x7  }
0xb3: {  	vm0 =	vlt.u32 v3, $0x280;
	v3 =	vor.u32 v2, v4  }
0xb4: {  	v3 =	vsel vm0, v3, v2;
	_ =	sdelay $0x4  }
0xb5: {  	v4 =	vld.idx.msk [tilespmem:v3+s16+$0x0], vm0;
	_ =	sdelay $0x2  }
.Ltmp2:
0xb6: {  	(pc) =	sbr.rel @p0 .LBB2_7-.Ltmp2, $3  }
0xb7: {  	_ =	sdelay $0x1  }
0xb8: {  	s22 =	sadd.s32 $0x20, s22;
	v4 =	vadd.f32 $1.000000000e+00, v4  }
0xb9: {  	s5 =	sand.u32 $0x70, s23;
	s18 =	sand.u32 $0xF00, s22;
	s23 =	sadd.s32 $0x10, s23  }
0xba: {  	_ =	sdelay $0x4  }
0xbb: {  	s5 =	sor.u32 s5, s18;
	[tilespmem:v3+s16+$0x0] =	vst.idx.msk vm0, v4  }
0xbc: {  	v3 =	vld [tilespmem:s5+$0x80];
	_ =	sdelay $0x4  }
0xbd: {  	v3 =	vsub.s32 v3, v0  }
0xbe: {  	v62 =	vshll.u32 v3, $0x7  }
0xbf: {  	vm15 =	vlt.u32 v3, $0x280;
	v3 =	vor.u32 v2, v62  }
0xc0: {  	v3 =	vsel vm15, v3, v2;
	_ =	sdelay $0x4  }
0xc1: {  	v63 =	vld.idx.msk [tilespmem:v3+s16+$0x0], vm15  }
0xc2: {  	s21 =	sadd.s32 $0x1, s21  }
0xc3: {  	p0 =	sne.s32 s21, $0x28  }
.Ltmp3:
0xc4: {  	_ = 	snop;
	(pc) =	sbr.rel @p0 .LBB2_4-.Ltmp3, $3  }
0xc5: {  	_ = 	snop  }
0xc6: {  	v4 =	vadd.f32 $1.000000000e+00, v63;
	_ =	sdelay $0x1  }
0xc7: {  	[tilespmem:v3+s16+$0x0] =	vst.idx.msk vm15, v4  }
0xc8: {  	s5 =	simm.s32 $0x0;
	s18 =	rddreg [dreg:$0x3];
	s23 =	simm.s32 $0x3  }
0xc9: {  	[hbm4b:s18+s5] =	stream.linear.scatter [tilespmem:s16], [sflag:$0x3], $0x14000, $0x38;
	[tilespmem:$0x15000] =	vst v63  }
0xca: {  	_ =	swait.ge [sflag:s23], $0x14000  }
0xcb: {  	s19 =	sadd.s32 $0x1, s19;
	s24 =	rddreg [dreg:$0x4]  }
0xcc: {  	p0 =	sne.s32 s19, s24  }
.Ltmp4:
0xcd: {  	_ = 	snop;
	(pc) =	sbr.rel @p0 .LBB2_1-.Ltmp4, $3  }
0xce: {  	_ =	sdelay $0x1  }
0xcf: {  	[sflag:s23] =	ssyncset.done $0x0  }
0xd0: {  	[sflag:s23] =	ssyncadd.s32 $0xFFFEC000  }
0xd1: {  	_ =	sfence.sel $0x180000  }
0xd2: {  	[bflag:$0x0] =	sbarrier.arrive $0xFFFF  }
0xd3: {  	_ =	strace $0x90000047  }
0xd4: {  	s0 =	stileid.u32;
	[bflag:$0x2] =	sbarrier.arrive $0xFFFF  }
0xd5: {  	p0 =	sne.s32 s0, $0x0;
	s0 =	rddreg [dreg:$0x1]  }
0xd6: {  	s0 =	sadd.s32 @!p0 $0x100000, s0  }
0xd7: {  	[sflag:s0] =	ssyncadd.tile.s32 @!p0 $0x1;
	_ =	shalt  }
.Lfunc_end2:
_tile_overlayer_lowered:
.L_overlay_start_2:
0xd8: {  	(tag) =	ssettag $0x2  }
0xd9: {  	s0 =	rddreg [dreg:$0x0];
	s2 =	stileid.u32  }
0xda: {  	s1 =	rddreg [dreg:$0x1];
	p0 =	sne.s32 s2, $0x0  }
0xdb: {  	s3 =	rddreg [dreg:$0x2];
	[bflag:$0x3] =	sbarrier.arrive $0xFFFF;
	s2 =	simm.s32 @!p0 $0x1C03  }
0xdc: {  	[timem:s3], [sflag:s2] =	dma.local @!p0 [hbm:s0], s1  }
0xdd: {  	s0 =	simm.s32 @!p0 $0x3  }
0xde: {  	_ =	swait.ge @!p0 [sflag:s0], s1  }
0xdf: {  	s1 =	ssub.s32 @!p0 $0x0, s1;
	[sflag:s0] =	ssyncset.done @!p0 $0x0  }
0xe0: {  	[sflag:s0] =	ssyncadd.s32 @!p0 s1  }
0xe1: {  	[bflag:$0x3] =	sbarrier.arrive $0xFFFF  }
0xe2: {  	_ =	shalt  }

</sc_bundles>
